<compile_context>
chip_gen: v7x
topology: tpu7x:2x2x1
jax: 0.10.2.dev20260603
libtpu: 0.0.44.dev20260713+nightly
codegen_flags: <defaults>
</compile_context>

<pallas_src>
import functools

import jax
import jax.numpy as jnp
from jax import lax
from jax.experimental import pallas as pl
from jax.experimental.pallas import tpu as pltpu
from jax.experimental.pallas import tpu_sc as plsc

N_NODES = 10000
N_EDGES = 320000
D = 128

N_PAD = 10240
E_PAD = 327680
K = 128
CHUNKS_PER_TILE = 80
CHUNKS_PER_HALF = 16
TOTAL_HALVES = 10
CORE0_HALVES = 9
ROWS_PER_TILE = N_PAD // 16


def _sc_aggregate(xp, rowc, colc, zeros_f, zeros_d, ones_k):
    mesh = plsc.VectorSubcoreMesh(
        core_axis_name="c", subcore_axis_name="s", num_cores=2)

    @functools.partial(
        pl.kernel,
        mesh=mesh,
        out_type=[
            jax.ShapeDtypeStruct((2, N_PAD, D), jnp.float32),
            jax.ShapeDtypeStruct((2, N_PAD), jnp.float32),
        ],
        scratch_types=[
            pltpu.VMEM_SHARED((N_PAD, D), jnp.float32),
            pltpu.VMEM_SHARED((N_PAD,), jnp.float32),
            pltpu.VMEM((CHUNKS_PER_HALF, K), jnp.int32),
            pltpu.VMEM((CHUNKS_PER_HALF, K), jnp.int32),
            pltpu.VMEM((K, D), jnp.float32),
            pltpu.VMEM((K, D), jnp.float32),
            pltpu.VMEM((K,), jnp.float32),
            pltpu.SemaphoreType.DMA,
            pltpu.SemaphoreType.DMA,
            pltpu.SemaphoreType.DMA,
            pltpu.SemaphoreType.DMA,
            pltpu.SemaphoreType.DMA,
            pltpu.SemaphoreType.DMA,
        ],
    )
    def sc_kernel(x_hbm, row_hbm, col_hbm, zf_hbm, zd_hbm, ones_hbm,
                  acc_out, deg_out,
                  acc_sh, deg_sh, ridx_v, cidx_v,
                  rows0, rows1, ones_v,
                  sg0, sg1, ss0, ss1, sd0, sd1):
        c = lax.axis_index("c")
        s = lax.axis_index("s")
        bufs = (rows0, rows1)
        sgs = (sg0, sg1)
        sss = (ss0, ss1)
        sds = (sd0, sd1)
        NBUF = 2

        pltpu.sync_copy(zf_hbm, acc_sh.at[pl.ds(s * ROWS_PER_TILE, ROWS_PER_TILE)])
        pltpu.sync_copy(zd_hbm, deg_sh.at[pl.ds(s * ROWS_PER_TILE, ROWS_PER_TILE)])
        pltpu.sync_copy(ones_hbm, ones_v)
        plsc.subcore_barrier()

        def start_gather(j, b):
            pltpu.async_copy(x_hbm.at[ridx_v.at[j]], bufs[b], sgs[b])

        def wait_gather(b):
            pltpu.make_async_copy(x_hbm.at[ridx_v.at[0]], bufs[b], sgs[b]).wait()

        def start_scatter(j, b):
            pltpu.async_copy(bufs[b], acc_sh.at[cidx_v.at[j]], sss[b], add=True)

        def wait_scatter(b):
            pltpu.make_async_copy(
                bufs[b], acc_sh.at[cidx_v.at[0]], sss[b]).wait()

        def start_deg(j, p):
            pltpu.async_copy(ones_v, deg_sh.at[ridx_v.at[j]], sds[p], add=True)

        def wait_deg(p):
            pltpu.make_async_copy(ones_v, deg_sh.at[ridx_v.at[0]], sds[p]).wait()

        nh = jnp.where(c == 0, CORE0_HALVES, TOTAL_HALVES - CORE0_HALVES)
        tile_start = jnp.where(
            c == 0, s * CORE0_HALVES,
            16 * CORE0_HALVES + s * (TOTAL_HALVES - CORE0_HALVES))

        def half_body(h, carry):
            base = (tile_start + h) * CHUNKS_PER_HALF
            pltpu.sync_copy(row_hbm.at[pl.ds(base, CHUNKS_PER_HALF)], ridx_v)
            pltpu.sync_copy(col_hbm.at[pl.ds(base, CHUNKS_PER_HALF)], cidx_v)
            for j in range(NBUF - 1):
                start_gather(j, j % NBUF)
            for j in range(CHUNKS_PER_HALF):
                b = j % NBUF
                wait_gather(b)
                if j >= 2:
                    wait_deg(j % 2)
                start_scatter(j, b)
                start_deg(j, j % 2)
                nxt = j + NBUF - 1
                if nxt < CHUNKS_PER_HALF:
                    if j >= 1:
                        wait_scatter((j - 1) % NBUF)
                    start_gather(nxt, nxt % NBUF)
            for j in range(CHUNKS_PER_HALF - NBUF, CHUNKS_PER_HALF):
                wait_scatter(j % NBUF)
            wait_deg(0)
            wait_deg(1)
            return carry

        lax.fori_loop(0, nh, half_body, 0)
        plsc.subcore_barrier()

        sl = pl.ds(s * ROWS_PER_TILE, ROWS_PER_TILE)
        pltpu.sync_copy(acc_sh.at[sl], acc_out.at[c, sl])
        pltpu.sync_copy(deg_sh.at[sl], deg_out.at[c, sl])

    return sc_kernel(xp, rowc, colc, zeros_f, zeros_d, ones_k)


def _tc_finish(acc2, deg2t, xp, W, b2):
    BR = 256
    grid = N_PAD // BR

    def body(p_ref, d_ref, x_ref, w_ref, b_ref, o_ref):
        acc = p_ref[0] + p_ref[1]
        d = d_ref[...]
        deg = jnp.maximum(d[:, 0:1] + d[:, 1:2], 1.0)
        h = acc / deg + x_ref[...]
        o_ref[...] = lax.dot_general(
            h, w_ref[...], (((1,), (1,)), ((), ())),
            preferred_element_type=jnp.float32) + b_ref[...]

    return pl.pallas_call(
        body,
        grid=(grid,),
        in_specs=[
            pl.BlockSpec((2, BR, D), lambda i: (0, i, 0)),
            pl.BlockSpec((BR, 2), lambda i: (i, 0)),
            pl.BlockSpec((BR, D), lambda i: (i, 0)),
            pl.BlockSpec((D, D), lambda i: (0, 0)),
            pl.BlockSpec((1, D), lambda i: (0, 0)),
        ],
        out_specs=pl.BlockSpec((BR, D), lambda i: (i, 0)),
        out_shape=jax.ShapeDtypeStruct((N_PAD, D), jnp.float32),
    )(acc2, deg2t, xp, W, b2)


def kernel(x, edge_index, W, b):
    xp = jnp.zeros((N_PAD, D), jnp.float32).at[:N_NODES].set(x)
    row = edge_index[0]
    col = edge_index[1]
    rowp = jnp.full((E_PAD,), N_NODES, jnp.int32).at[:N_EDGES].set(row)
    colp = jnp.full((E_PAD,), N_NODES, jnp.int32).at[:N_EDGES].set(col)
    rowc = rowp.reshape(E_PAD // K, K)
    colc = colp.reshape(E_PAD // K, K)

    zeros_f = jnp.zeros((ROWS_PER_TILE, D), jnp.float32)
    zeros_d = jnp.zeros((ROWS_PER_TILE,), jnp.float32)
    ones_k = jnp.ones((K,), jnp.float32)

    acc2, deg2 = _sc_aggregate(xp, rowc, colc, zeros_f, zeros_d, ones_k)
    out = _tc_finish(acc2, deg2.T, xp, W, b.reshape(1, D))
    return out[:N_NODES]

# --- scband reference (transcript-rebuilt; emitter-appended) ---
"""Pipeline reference for scband-graph-conv-layer-5592047419414 (READ-ONLY COPY).

The authoritative reference and input builder live on the scoring server;
editing this copy changes nothing except your own understanding.
"""

import jax, jax.numpy as jnp
import numpy as np

NUM_NODES = 10000
NUM_EDGES = 320000
D_FEAT = 128


def setup_inputs(seed: int = 0) -> dict:
    key = jax.random.key(seed)
    k1, k2, k3 = jax.random.split(key, 3)
    x = jax.random.normal(k1, (NUM_NODES, D_FEAT), dtype=jnp.float32)
    edge_index = jax.random.randint(k2, (2, NUM_EDGES), 0, NUM_NODES, dtype=jnp.int32)
    # Linear params: xavier_uniform weight [out, in], zero bias
    limit = float(np.sqrt(6.0 / (D_FEAT + D_FEAT)))
    W = jax.random.uniform(k3, (D_FEAT, D_FEAT), minval=-limit, maxval=limit, dtype=jnp.float32)
    b = jnp.zeros((D_FEAT,), dtype=jnp.float32)
    return {"x": x, "edge_index": edge_index, "W": W, "b": b}


def reference(x, edge_index, W, b):
    num_nodes = x.shape[0]
    row = edge_index[0]
    col = edge_index[1]
    # degree computed from source (row) indices, as in the original code
    deg = jnp.zeros((num_nodes,), dtype=jnp.float32).at[row].add(jnp.ones((row.shape[0],), dtype=jnp.float32))
    deg = jnp.clip(deg, 1.0)
    # scatter-add messages x[row] into destination nodes col
    out = jnp.zeros((num_nodes, x.shape[1]), dtype=x.dtype).at[col].add(x[row])
    out = out / deg[:, None]
    out = out + x
    out = out @ W.T + b
    return out

if __name__ == "__main__":
    import jax
    _d = setup_inputs()
    print(jax.jit(kernel)(*tuple(_d.values())))

</pallas_src>

<mosaic_0001>
#map = affine_map<(d0, d1) -> (0, 0)>
#map1 = affine_map<(d0, d1) -> (0)>
#map2 = affine_map<(d0, d1) -> (0, 0, 0)>
module attributes {stable_mosaic.version = 14 : i64} {
  func.func @sc_kernel(%arg0: i32, %arg1: i32, %arg2: memref<10240x128xf32, #tpu.memory_space<hbm>>, %arg3: memref<2560x128xi32, #tpu.memory_space<hbm>>, %arg4: memref<2560x128xi32, #tpu.memory_space<hbm>>, %arg5: memref<640x128xf32, #tpu.memory_space<hbm>>, %arg6: memref<640xf32, #tpu.memory_space<hbm>>, %arg7: memref<128xf32, #tpu.memory_space<hbm>>, %arg8: memref<2x10240x128xf32, #tpu.memory_space<hbm>>, %arg9: memref<2x10240xf32, #tpu.memory_space<hbm>>, %arg10: memref<10240x128xf32, #tpu.memory_space<vmem_shared>>, %arg11: memref<10240xf32, #tpu.memory_space<vmem_shared>>, %arg12: memref<16x128xi32, #tpu.memory_space<vmem>>, %arg13: memref<16x128xi32, #tpu.memory_space<vmem>>, %arg14: memref<128x128xf32, #tpu.memory_space<vmem>>, %arg15: memref<128x128xf32, #tpu.memory_space<vmem>>, %arg16: memref<128xf32, #tpu.memory_space<vmem>>, %arg17: memref<!tpu.dma_semaphore, #tpu.memory_space<semaphore_mem>>, %arg18: memref<!tpu.dma_semaphore, #tpu.memory_space<semaphore_mem>>, %arg19: memref<!tpu.dma_semaphore, #tpu.memory_space<semaphore_mem>>, %arg20: memref<!tpu.dma_semaphore, #tpu.memory_space<semaphore_mem>>, %arg21: memref<!tpu.dma_semaphore, #tpu.memory_space<semaphore_mem>>, %arg22: memref<!tpu.dma_semaphore, #tpu.memory_space<semaphore_mem>>) attributes {dimension_semantics = [#tpu.dimension_semantics<core_parallel>, #tpu.dimension_semantics<subcore_parallel>], iteration_bounds = array<i64: 2, 16>, scalar_prefetch = 0 : i64, scratch_operands = 13 : i64, tpu.core_type = #tpu.core_type<sc_vector_subcore>, window_params = [{transform_indices = #map}, {transform_indices = #map}, {transform_indices = #map}, {transform_indices = #map}, {transform_indices = #map1}, {transform_indices = #map1}, {transform_indices = #map2}, {transform_indices = #map}]} {
    %mul3A = arith.constant 640 : i32
    %mul3A_0 = arith.muli %arg1, %mul3A : i32
    "tpu.region"() ({
      %run_scoped3A = tpu.sem_alloc : memref<!tpu.dma_semaphore, #tpu.memory_space<semaphore_mem>>
      %dma_start3A = arith.constant 0 : i32
      %dma_start3A_25 = tpu.memref_slice %arg10[%mul3A_0, %dma_start3A] : memref<10240x128xf32, #tpu.memory_space<vmem_shared>> -> memref<640x128xf32, #tpu.memory_space<vmem_shared>>
      tpu.enqueue_dma source(%arg5 : memref<640x128xf32, #tpu.memory_space<hbm>>) target(%dma_start3A_25 : memref<640x128xf32, #tpu.memory_space<vmem_shared>>) target_semaphore(%run_scoped3A : memref<!tpu.dma_semaphore, #tpu.memory_space<semaphore_mem>>)
      %dma_wait3A = arith.constant 0 : i32
      %dma_wait3A_26 = tpu.memref_slice %arg10[%mul3A_0, %dma_wait3A] : memref<10240x128xf32, #tpu.memory_space<vmem_shared>> -> memref<640x128xf32, #tpu.memory_space<vmem_shared>>
      tpu.wait_dma2 semaphore(%run_scoped3A : memref<!tpu.dma_semaphore, #tpu.memory_space<semaphore_mem>>) src(%arg5 : memref<640x128xf32, #tpu.memory_space<hbm>>) dst(%dma_wait3A_26 : memref<640x128xf32, #tpu.memory_space<vmem_shared>>)
      tpu.yield
    }) : () -> ()
    %mul3A_1 = arith.constant 640 : i32
    %mul3A_2 = arith.muli %arg1, %mul3A_1 : i32
    "tpu.region"() ({
      %run_scoped3A = tpu.sem_alloc : memref<!tpu.dma_semaphore, #tpu.memory_space<semaphore_mem>>
      %dma_start3A = tpu.memref_slice %arg11[%mul3A_2] : memref<10240xf32, #tpu.memory_space<vmem_shared>> -> memref<640xf32, #tpu.memory_space<vmem_shared>>
      tpu.enqueue_dma source(%arg6 : memref<640xf32, #tpu.memory_space<hbm>>) target(%dma_start3A : memref<640xf32, #tpu.memory_space<vmem_shared>>) target_semaphore(%run_scoped3A : memref<!tpu.dma_semaphore, #tpu.memory_space<semaphore_mem>>)
      %dma_wait3A = tpu.memref_slice %arg11[%mul3A_2] : memref<10240xf32, #tpu.memory_space<vmem_shared>> -> memref<640xf32, #tpu.memory_space<vmem_shared>>
      tpu.wait_dma2 semaphore(%run_scoped3A : memref<!tpu.dma_semaphore, #tpu.memory_space<semaphore_mem>>) src(%arg6 : memref<640xf32, #tpu.memory_space<hbm>>) dst(%dma_wait3A : memref<640xf32, #tpu.memory_space<vmem_shared>>)
      tpu.yield
    }) : () -> ()
    "tpu.region"() ({
      %run_scoped3A = tpu.sem_alloc : memref<!tpu.dma_semaphore, #tpu.memory_space<semaphore_mem>>
      tpu.enqueue_dma source(%arg7 : memref<128xf32, #tpu.memory_space<hbm>>) target(%arg16 : memref<128xf32, #tpu.memory_space<vmem>>) target_semaphore(%run_scoped3A : memref<!tpu.dma_semaphore, #tpu.memory_space<semaphore_mem>>)
      tpu.wait_dma2 semaphore(%run_scoped3A : memref<!tpu.dma_semaphore, #tpu.memory_space<semaphore_mem>>) src(%arg7 : memref<128xf32, #tpu.memory_space<hbm>>) dst(%arg16 : memref<128xf32, #tpu.memory_space<vmem>>)
      tpu.yield
    }) : () -> ()
    %barrier3A = arith.constant 0 : index
    tpu.barrier barrier_id(%barrier3A)
    %eq3A = arith.constant 0 : i32
    %eq3A_3 = arith.cmpi eq, %arg0, %eq3A : i32
    %jit3A = arith.constant 9 : i32
    %jit3A_4 = arith.constant 1 : i32
    %select_n3A = arith.select %eq3A_3, %jit3A, %jit3A_4 : i32
    %eq3A_5 = arith.constant 0 : i32
    %eq3A_6 = arith.cmpi eq, %arg0, %eq3A_5 : i32
    %mul3A_7 = arith.constant 9 : i32
    %mul3A_8 = arith.muli %arg1, %mul3A_7 : i32
    %mul3A_9 = arith.constant 1 : i32
    %mul3A_10 = arith.muli %arg1, %mul3A_9 : i32
    %add3A = arith.constant 144 : i32
    %add3A_11 = arith.addi %add3A, %mul3A_10 : i32
    %select_n3A_12 = arith.select %eq3A_6, %mul3A_8, %add3A_11 : i32
    %while3A = arith.constant 0 : i32
    %while3A_13 = arith.constant 0 : i32
    %while3A_14 = arith.subi %select_n3A, %while3A_13 : i32
    %while3A_15 = arith.addi %while3A_13, %while3A_14 : i32
    %while3A_16 = arith.constant 1 : i32
    %while3A_17 = arith.divsi %while3A_14, %while3A_16 : i32
    %while3A_18 = arith.muli %while3A_17, %while3A_16 : i32
    %while3A_19 = arith.addi %while3A_13, %while3A_18 : i32
    %while3A_20 = arith.constant 1 : i32
    scf.for %while3A_25 = %while3A_13 to %while3A_19 step %while3A_20  : i32 {
      %add3A_26 = arith.addi %select_n3A_12, %while3A_25 : i32
      %mul3A_27 = arith.constant 16 : i32
      %mul3A_28 = arith.muli %add3A_26, %mul3A_27 : i32
      "tpu.region"() ({
        %run_scoped3A = tpu.sem_alloc : memref<!tpu.dma_semaphore, #tpu.memory_space<semaphore_mem>>
        %dma_start3A_667 = arith.constant 0 : i32
        %dma_start3A_668 = tpu.memref_slice %arg3[%mul3A_28, %dma_start3A_667] : memref<2560x128xi32, #tpu.memory_space<hbm>> -> memref<16x128xi32, #tpu.memory_space<hbm>>
        %dma_start3A_669 = arith.constant 0 : i32
        %dma_start3A_670 = tpu.memref_slice %arg3[%mul3A_28, %dma_start3A_669] : memref<2560x128xi32, #tpu.memory_space<hbm>> -> memref<16x128xi32, #tpu.memory_space<hbm>>
        tpu.enqueue_dma source(%dma_start3A_670 : memref<16x128xi32, #tpu.memory_space<hbm>>) target(%arg12 : memref<16x128xi32, #tpu.memory_space<vmem>>) target_semaphore(%run_scoped3A : memref<!tpu.dma_semaphore, #tpu.memory_space<semaphore_mem>>)
        %dma_wait3A_671 = arith.constant 0 : i32
        %dma_wait3A_672 = tpu.memref_slice %arg3[%mul3A_28, %dma_wait3A_671] : memref<2560x128xi32, #tpu.memory_space<hbm>> -> memref<16x128xi32, #tpu.memory_space<hbm>>
        %dma_wait3A_673 = arith.constant 0 : i32
        %dma_wait3A_674 = tpu.memref_slice %arg3[%mul3A_28, %dma_wait3A_673] : memref<2560x128xi32, #tpu.memory_space<hbm>> -> memref<16x128xi32, #tpu.memory_space<hbm>>
        tpu.wait_dma2 semaphore(%run_scoped3A : memref<!tpu.dma_semaphore, #tpu.memory_space<semaphore_mem>>) src(%dma_wait3A_674 : memref<16x128xi32, #tpu.memory_space<hbm>>) dst(%arg12 : memref<16x128xi32, #tpu.memory_space<vmem>>)
        tpu.yield
      }) : () -> ()
      "tpu.region"() ({
        %run_scoped3A = tpu.sem_alloc : memref<!tpu.dma_semaphore, #tpu.memory_space<semaphore_mem>>
        %dma_start3A_667 = arith.constant 0 : i32
        %dma_start3A_668 = tpu.memref_slice %arg4[%mul3A_28, %dma_start3A_667] : memref<2560x128xi32, #tpu.memory_space<hbm>> -> memref<16x128xi32, #tpu.memory_space<hbm>>
        %dma_start3A_669 = arith.constant 0 : i32
        %dma_start3A_670 = tpu.memref_slice %arg4[%mul3A_28, %dma_start3A_669] : memref<2560x128xi32, #tpu.memory_space<hbm>> -> memref<16x128xi32, #tpu.memory_space<hbm>>
        tpu.enqueue_dma source(%dma_start3A_670 : memref<16x128xi32, #tpu.memory_space<hbm>>) target(%arg13 : memref<16x128xi32, #tpu.memory_space<vmem>>) target_semaphore(%run_scoped3A : memref<!tpu.dma_semaphore, #tpu.memory_space<semaphore_mem>>)
        %dma_wait3A_671 = arith.constant 0 : i32
        %dma_wait3A_672 = tpu.memref_slice %arg4[%mul3A_28, %dma_wait3A_671] : memref<2560x128xi32, #tpu.memory_space<hbm>> -> memref<16x128xi32, #tpu.memory_space<hbm>>
        %dma_wait3A_673 = arith.constant 0 : i32
        %dma_wait3A_674 = tpu.memref_slice %arg4[%mul3A_28, %dma_wait3A_673] : memref<2560x128xi32, #tpu.memory_space<hbm>> -> memref<16x128xi32, #tpu.memory_space<hbm>>
        tpu.wait_dma2 semaphore(%run_scoped3A : memref<!tpu.dma_semaphore, #tpu.memory_space<semaphore_mem>>) src(%dma_wait3A_674 : memref<16x128xi32, #tpu.memory_space<hbm>>) dst(%arg13 : memref<16x128xi32, #tpu.memory_space<vmem>>)
        tpu.yield
      }) : () -> ()
      %dma_start3A = arith.constant 0 : i32
      %dma_start3A_29 = arith.constant 0 : i32
      %dma_start3A_30 = tpu.memref_slice %arg12[%dma_start3A, %dma_start3A_29] : memref<16x128xi32, #tpu.memory_space<vmem>> -> memref<1x128xi32, #tpu.memory_space<vmem>>
      %dma_start3A_31 = tpu.memref_squeeze %dma_start3A_30 : memref<1x128xi32, #tpu.memory_space<vmem>> -> memref<128xi32, #tpu.memory_space<vmem>>
      %dma_start3A_32 = arith.constant 0 : i32
      %dma_start3A_33 = arith.constant 0 : i32
      %dma_start3A_34 = tpu.memref_slice %arg2[%dma_start3A_32, %dma_start3A_33] : memref<10240x128xf32, #tpu.memory_space<hbm>> -> memref<10240x128xf32, #tpu.memory_space<hbm>>
      tpu.enqueue_indirect_dma source(%dma_start3A_34 : memref<10240x128xf32, #tpu.memory_space<hbm>>) target(%arg14 : memref<128x128xf32, #tpu.memory_space<vmem>>) offsets(%dma_start3A_31 : memref<128xi32, #tpu.memory_space<vmem>>) semaphore(%arg17 : memref<!tpu.dma_semaphore, #tpu.memory_space<semaphore_mem>>)
      %dma_wait3A = arith.constant 0 : i32
      %dma_wait3A_35 = arith.constant 0 : i32
      %dma_wait3A_36 = tpu.memref_slice %arg12[%dma_wait3A, %dma_wait3A_35] : memref<16x128xi32, #tpu.memory_space<vmem>> -> memref<1x128xi32, #tpu.memory_space<vmem>>
      %dma_wait3A_37 = tpu.memref_squeeze %dma_wait3A_36 : memref<1x128xi32, #tpu.memory_space<vmem>> -> memref<128xi32, #tpu.memory_space<vmem>>
      %dma_wait3A_38 = arith.constant 0 : i32
      %dma_wait3A_39 = arith.constant 0 : i32
      %dma_wait3A_40 = tpu.memref_slice %arg2[%dma_wait3A_38, %dma_wait3A_39] : memref<10240x128xf32, #tpu.memory_space<hbm>> -> memref<10240x128xf32, #tpu.memory_space<hbm>>
      tpu.wait_indirect_dma semaphore(%arg17 : memref<!tpu.dma_semaphore, #tpu.memory_space<semaphore_mem>>) src(%dma_wait3A_40 : memref<10240x128xf32, #tpu.memory_space<hbm>>) dst(%arg14 : memref<128x128xf32, #tpu.memory_space<vmem>>)
      %dma_start3A_41 = arith.constant 0 : i32
      %dma_start3A_42 = arith.constant 0 : i32
      %dma_start3A_43 = tpu.memref_slice %arg13[%dma_start3A_41, %dma_start3A_42] : memref<16x128xi32, #tpu.memory_space<vmem>> -> memref<1x128xi32, #tpu.memory_space<vmem>>
      %dma_start3A_44 = tpu.memref_squeeze %dma_start3A_43 : memref<1x128xi32, #tpu.memory_space<vmem>> -> memref<128xi32, #tpu.memory_space<vmem>>
      %dma_start3A_45 = arith.constant 0 : i32
      %dma_start3A_46 = arith.constant 0 : i32
      %dma_start3A_47 = tpu.memref_slice %arg10[%dma_start3A_45, %dma_start3A_46] : memref<10240x128xf32, #tpu.memory_space<vmem_shared>> -> memref<10240x128xf32, #tpu.memory_space<vmem_shared>>
      tpu.enqueue_indirect_dma source(%arg14 : memref<128x128xf32, #tpu.memory_space<vmem>>) target(%dma_start3A_47 : memref<10240x128xf32, #tpu.memory_space<vmem_shared>>) offsets(%dma_start3A_44 : memref<128xi32, #tpu.memory_space<vmem>>) semaphore(%arg19 : memref<!tpu.dma_semaphore, #tpu.memory_space<semaphore_mem>>) {add = true}
      %dma_start3A_48 = arith.constant 0 : i32
      %dma_start3A_49 = arith.constant 0 : i32
      %dma_start3A_50 = tpu.memref_slice %arg12[%dma_start3A_48, %dma_start3A_49] : memref<16x128xi32, #tpu.memory_space<vmem>> -> memref<1x128xi32, #tpu.memory_space<vmem>>
      %dma_start3A_51 = tpu.memref_squeeze %dma_start3A_50 : memref<1x128xi32, #tpu.memory_space<vmem>> -> memref<128xi32, #tpu.memory_space<vmem>>
      %dma_start3A_52 = arith.constant 0 : i32
      %dma_start3A_53 = tpu.memref_slice %arg11[%dma_start3A_52] : memref<10240xf32, #tpu.memory_space<vmem_shared>> -> memref<10240xf32, #tpu.memory_space<vmem_shared>>
      tpu.enqueue_indirect_dma source(%arg16 : memref<128xf32, #tpu.memory_space<vmem>>) target(%dma_start3A_53 : memref<10240xf32, #tpu.memory_space<vmem_shared>>) offsets(%dma_start3A_51 : memref<128xi32, #tpu.memory_space<vmem>>) semaphore(%arg21 : memref<!tpu.dma_semaphore, #tpu.memory_space<semaphore_mem>>) {add = true}
      %dma_start3A_54 = arith.constant 1 : i32
      %dma_start3A_55 = arith.constant 0 : i32
      %dma_start3A_56 = tpu.memref_slice %arg12[%dma_start3A_54, %dma_start3A_55] : memref<16x128xi32, #tpu.memory_space<vmem>> -> memref<1x128xi32, #tpu.memory_space<vmem>>
      %dma_start3A_57 = tpu.memref_squeeze %dma_start3A_56 : memref<1x128xi32, #tpu.memory_space<vmem>> -> memref<128xi32, #tpu.memory_space<vmem>>
      %dma_start3A_58 = arith.constant 0 : i32
      %dma_start3A_59 = arith.constant 0 : i32
      %dma_start3A_60 = tpu.memref_slice %arg2[%dma_start3A_58, %dma_start3A_59] : memref<10240x128xf32, #tpu.memory_space<hbm>> -> memref<10240x128xf32, #tpu.memory_space<hbm>>
      tpu.enqueue_indirect_dma source(%dma_start3A_60 : memref<10240x128xf32, #tpu.memory_space<hbm>>) target(%arg15 : memref<128x128xf32, #tpu.memory_space<vmem>>) offsets(%dma_start3A_57 : memref<128xi32, #tpu.memory_space<vmem>>) semaphore(%arg18 : memref<!tpu.dma_semaphore, #tpu.memory_space<semaphore_mem>>)
      %dma_wait3A_61 = arith.constant 0 : i32
      %dma_wait3A_62 = arith.constant 0 : i32
      %dma_wait3A_63 = tpu.memref_slice %arg12[%dma_wait3A_61, %dma_wait3A_62] : memref<16x128xi32, #tpu.memory_space<vmem>> -> memref<1x128xi32, #tpu.memory_space<vmem>>
      %dma_wait3A_64 = tpu.memref_squeeze %dma_wait3A_63 : memref<1x128xi32, #tpu.memory_space<vmem>> -> memref<128xi32, #tpu.memory_space<vmem>>
      %dma_wait3A_65 = arith.constant 0 : i32
      %dma_wait3A_66 = arith.constant 0 : i32
      %dma_wait3A_67 = tpu.memref_slice %arg2[%dma_wait3A_65, %dma_wait3A_66] : memref<10240x128xf32, #tpu.memory_space<hbm>> -> memref<10240x128xf32, #tpu.memory_space<hbm>>
      tpu.wait_indirect_dma semaphore(%arg18 : memref<!tpu.dma_semaphore, #tpu.memory_space<semaphore_mem>>) src(%dma_wait3A_67 : memref<10240x128xf32, #tpu.memory_space<hbm>>) dst(%arg15 : memref<128x128xf32, #tpu.memory_space<vmem>>)
      %dma_start3A_68 = arith.constant 1 : i32
      %dma_start3A_69 = arith.constant 0 : i32
      %dma_start3A_70 = tpu.memref_slice %arg13[%dma_start3A_68, %dma_start3A_69] : memref<16x128xi32, #tpu.memory_space<vmem>> -> memref<1x128xi32, #tpu.memory_space<vmem>>
      %dma_start3A_71 = tpu.memref_squeeze %dma_start3A_70 : memref<1x128xi32, #tpu.memory_space<vmem>> -> memref<128xi32, #tpu.memory_space<vmem>>
      %dma_start3A_72 = arith.constant 0 : i32
      %dma_start3A_73 = arith.constant 0 : i32
      %dma_start3A_74 = tpu.memref_slice %arg10[%dma_start3A_72, %dma_start3A_73] : memref<10240x128xf32, #tpu.memory_space<vmem_shared>> -> memref<10240x128xf32, #tpu.memory_space<vmem_shared>>
      tpu.enqueue_indirect_dma source(%arg15 : memref<128x128xf32, #tpu.memory_space<vmem>>) target(%dma_start3A_74 : memref<10240x128xf32, #tpu.memory_space<vmem_shared>>) offsets(%dma_start3A_71 : memref<128xi32, #tpu.memory_space<vmem>>) semaphore(%arg20 : memref<!tpu.dma_semaphore, #tpu.memory_space<semaphore_mem>>) {add = true}
      %dma_start3A_75 = arith.constant 1 : i32
      %dma_start3A_76 = arith.constant 0 : i32
      %dma_start3A_77 = tpu.memref_slice %arg12[%dma_start3A_75, %dma_start3A_76] : memref<16x128xi32, #tpu.memory_space<vmem>> -> memref<1x128xi32, #tpu.memory_space<vmem>>
      %dma_start3A_78 = tpu.memref_squeeze %dma_start3A_77 : memref<1x128xi32, #tpu.memory_space<vmem>> -> memref<128xi32, #tpu.memory_space<vmem>>
      %dma_start3A_79 = arith.constant 0 : i32
      %dma_start3A_80 = tpu.memref_slice %arg11[%dma_start3A_79] : memref<10240xf32, #tpu.memory_space<vmem_shared>> -> memref<10240xf32, #tpu.memory_space<vmem_shared>>
      tpu.enqueue_indirect_dma source(%arg16 : memref<128xf32, #tpu.memory_space<vmem>>) target(%dma_start3A_80 : memref<10240xf32, #tpu.memory_space<vmem_shared>>) offsets(%dma_start3A_78 : memref<128xi32, #tpu.memory_space<vmem>>) semaphore(%arg22 : memref<!tpu.dma_semaphore, #tpu.memory_space<semaphore_mem>>) {add = true}
      %dma_wait3A_81 = arith.constant 0 : i32
      %dma_wait3A_82 = arith.constant 0 : i32
      %dma_wait3A_83 = tpu.memref_slice %arg13[%dma_wait3A_81, %dma_wait3A_82] : memref<16x128xi32, #tpu.memory_space<vmem>> -> memref<1x128xi32, #tpu.memory_space<vmem>>
      %dma_wait3A_84 = tpu.memref_squeeze %dma_wait3A_83 : memref<1x128xi32, #tpu.memory_space<vmem>> -> memref<128xi32, #tpu.memory_space<vmem>>
      %dma_wait3A_85 = arith.constant 0 : i32
      %dma_wait3A_86 = arith.constant 0 : i32
      %dma_wait3A_87 = tpu.memref_slice %arg10[%dma_wait3A_85, %dma_wait3A_86] : memref<10240x128xf32, #tpu.memory_space<vmem_shared>> -> memref<10240x128xf32, #tpu.memory_space<vmem_shared>>
      tpu.wait_indirect_dma semaphore(%arg19 : memref<!tpu.dma_semaphore, #tpu.memory_space<semaphore_mem>>) src(%arg14 : memref<128x128xf32, #tpu.memory_space<vmem>>) dst(%dma_wait3A_87 : memref<10240x128xf32, #tpu.memory_space<vmem_shared>>)
      %dma_start3A_88 = arith.constant 2 : i32
      %dma_start3A_89 = arith.constant 0 : i32
      %dma_start3A_90 = tpu.memref_slice %arg12[%dma_start3A_88, %dma_start3A_89] : memref<16x128xi32, #tpu.memory_space<vmem>> -> memref<1x128xi32, #tpu.memory_space<vmem>>
      %dma_start3A_91 = tpu.memref_squeeze %dma_start3A_90 : memref<1x128xi32, #tpu.memory_space<vmem>> -> memref<128xi32, #tpu.memory_space<vmem>>
      %dma_start3A_92 = arith.constant 0 : i32
      %dma_start3A_93 = arith.constant 0 : i32
      %dma_start3A_94 = tpu.memref_slice %arg2[%dma_start3A_92, %dma_start3A_93] : memref<10240x128xf32, #tpu.memory_space<hbm>> -> memref<10240x128xf32, #tpu.memory_space<hbm>>
      tpu.enqueue_indirect_dma source(%dma_start3A_94 : memref<10240x128xf32, #tpu.memory_space<hbm>>) target(%arg14 : memref<128x128xf32, #tpu.memory_space<vmem>>) offsets(%dma_start3A_91 : memref<128xi32, #tpu.memory_space<vmem>>) semaphore(%arg17 : memref<!tpu.dma_semaphore, #tpu.memory_space<semaphore_mem>>)
      %dma_wait3A_95 = arith.constant 0 : i32
      %dma_wait3A_96 = arith.constant 0 : i32
      %dma_wait3A_97 = tpu.memref_slice %arg12[%dma_wait3A_95, %dma_wait3A_96] : memref<16x128xi32, #tpu.memory_space<vmem>> -> memref<1x128xi32, #tpu.memory_space<vmem>>
      %dma_wait3A_98 = tpu.memref_squeeze %dma_wait3A_97 : memref<1x128xi32, #tpu.memory_space<vmem>> -> memref<128xi32, #tpu.memory_space<vmem>>
      %dma_wait3A_99 = arith.constant 0 : i32
      %dma_wait3A_100 = arith.constant 0 : i32
      %dma_wait3A_101 = tpu.memref_slice %arg2[%dma_wait3A_99, %dma_wait3A_100] : memref<10240x128xf32, #tpu.memory_space<hbm>> -> memref<10240x128xf32, #tpu.memory_space<hbm>>
      tpu.wait_indirect_dma semaphore(%arg17 : memref<!tpu.dma_semaphore, #tpu.memory_space<semaphore_mem>>) src(%dma_wait3A_101 : memref<10240x128xf32, #tpu.memory_space<hbm>>) dst(%arg14 : memref<128x128xf32, #tpu.memory_space<vmem>>)
      %dma_wait3A_102 = arith.constant 0 : i32
      %dma_wait3A_103 = arith.constant 0 : i32
      %dma_wait3A_104 = tpu.memref_slice %arg12[%dma_wait3A_102, %dma_wait3A_103] : memref<16x128xi32, #tpu.memory_space<vmem>> -> memref<1x128xi32, #tpu.memory_space<vmem>>
      %dma_wait3A_105 = tpu.memref_squeeze %dma_wait3A_104 : memref<1x128xi32, #tpu.memory_space<vmem>> -> memref<128xi32, #tpu.memory_space<vmem>>
      %dma_wait3A_106 = arith.constant 0 : i32
      %dma_wait3A_107 = tpu.memref_slice %arg11[%dma_wait3A_106] : memref<10240xf32, #tpu.memory_space<vmem_shared>> -> memref<10240xf32, #tpu.memory_space<vmem_shared>>
      tpu.wait_indirect_dma semaphore(%arg21 : memref<!tpu.dma_semaphore, #tpu.memory_space<semaphore_mem>>) src(%arg16 : memref<128xf32, #tpu.memory_space<vmem>>) dst(%dma_wait3A_107 : memref<10240xf32, #tpu.memory_space<vmem_shared>>)
      %dma_start3A_108 = arith.constant 2 : i32
      %dma_start3A_109 = arith.constant 0 : i32
      %dma_start3A_110 = tpu.memref_slice %arg13[%dma_start3A_108, %dma_start3A_109] : memref<16x128xi32, #tpu.memory_space<vmem>> -> memref<1x128xi32, #tpu.memory_space<vmem>>
      %dma_start3A_111 = tpu.memref_squeeze %dma_start3A_110 : memref<1x128xi32, #tpu.memory_space<vmem>> -> memref<128xi32, #tpu.memory_space<vmem>>
      %dma_start3A_112 = arith.constant 0 : i32
      %dma_start3A_113 = arith.constant 0 : i32
      %dma_start3A_114 = tpu.memref_slice %arg10[%dma_start3A_112, %dma_start3A_113] : memref<10240x128xf32, #tpu.memory_space<vmem_shared>> -> memref<10240x128xf32, #tpu.memory_space<vmem_shared>>
      tpu.enqueue_indirect_dma source(%arg14 : memref<128x128xf32, #tpu.memory_space<vmem>>) target(%dma_start3A_114 : memref<10240x128xf32, #tpu.memory_space<vmem_shared>>) offsets(%dma_start3A_111 : memref<128xi32, #tpu.memory_space<vmem>>) semaphore(%arg19 : memref<!tpu.dma_semaphore, #tpu.memory_space<semaphore_mem>>) {add = true}
      %dma_start3A_115 = arith.constant 2 : i32
      %dma_start3A_116 = arith.constant 0 : i32
      %dma_start3A_117 = tpu.memref_slice %arg12[%dma_start3A_115, %dma_start3A_116] : memref<16x128xi32, #tpu.memory_space<vmem>> -> memref<1x128xi32, #tpu.memory_space<vmem>>
      %dma_start3A_118 = tpu.memref_squeeze %dma_start3A_117 : memref<1x128xi32, #tpu.memory_space<vmem>> -> memref<128xi32, #tpu.memory_space<vmem>>
      %dma_start3A_119 = arith.constant 0 : i32
      %dma_start3A_120 = tpu.memref_slice %arg11[%dma_start3A_119] : memref<10240xf32, #tpu.memory_space<vmem_shared>> -> memref<10240xf32, #tpu.memory_space<vmem_shared>>
      tpu.enqueue_indirect_dma source(%arg16 : memref<128xf32, #tpu.memory_space<vmem>>) target(%dma_start3A_120 : memref<10240xf32, #tpu.memory_space<vmem_shared>>) offsets(%dma_start3A_118 : memref<128xi32, #tpu.memory_space<vmem>>) semaphore(%arg21 : memref<!tpu.dma_semaphore, #tpu.memory_space<semaphore_mem>>) {add = true}
      %dma_wait3A_121 = arith.constant 0 : i32
      %dma_wait3A_122 = arith.constant 0 : i32
      %dma_wait3A_123 = tpu.memref_slice %arg13[%dma_wait3A_121, %dma_wait3A_122] : memref<16x128xi32, #tpu.memory_space<vmem>> -> memref<1x128xi32, #tpu.memory_space<vmem>>
      %dma_wait3A_124 = tpu.memref_squeeze %dma_wait3A_123 : memref<1x128xi32, #tpu.memory_space<vmem>> -> memref<128xi32, #tpu.memory_space<vmem>>
      %dma_wait3A_125 = arith.constant 0 : i32
      %dma_wait3A_126 = arith.constant 0 : i32
      %dma_wait3A_127 = tpu.memref_slice %arg10[%dma_wait3A_125, %dma_wait3A_126] : memref<10240x128xf32, #tpu.memory_space<vmem_shared>> -> memref<10240x128xf32, #tpu.memory_space<vmem_shared>>
      tpu.wait_indirect_dma semaphore(%arg20 : memref<!tpu.dma_semaphore, #tpu.memory_space<semaphore_mem>>) src(%arg15 : memref<128x128xf32, #tpu.memory_space<vmem>>) dst(%dma_wait3A_127 : memref<10240x128xf32, #tpu.memory_space<vmem_shared>>)
      %dma_start3A_128 = arith.constant 3 : i32
      %dma_start3A_129 = arith.constant 0 : i32
      %dma_start3A_130 = tpu.memref_slice %arg12[%dma_start3A_128, %dma_start3A_129] : memref<16x128xi32, #tpu.memory_space<vmem>> -> memref<1x128xi32, #tpu.memory_space<vmem>>
      %dma_start3A_131 = tpu.memref_squeeze %dma_start3A_130 : memref<1x128xi32, #tpu.memory_space<vmem>> -> memref<128xi32, #tpu.memory_space<vmem>>
      %dma_start3A_132 = arith.constant 0 : i32
      %dma_start3A_133 = arith.constant 0 : i32
      %dma_start3A_134 = tpu.memref_slice %arg2[%dma_start3A_132, %dma_start3A_133] : memref<10240x128xf32, #tpu.memory_space<hbm>> -> memref<10240x128xf32, #tpu.memory_space<hbm>>
      tpu.enqueue_indirect_dma source(%dma_start3A_134 : memref<10240x128xf32, #tpu.memory_space<hbm>>) target(%arg15 : memref<128x128xf32, #tpu.memory_space<vmem>>) offsets(%dma_start3A_131 : memref<128xi32, #tpu.memory_space<vmem>>) semaphore(%arg18 : memref<!tpu.dma_semaphore, #tpu.memory_space<semaphore_mem>>)
      %dma_wait3A_135 = arith.constant 0 : i32
      %dma_wait3A_136 = arith.constant 0 : i32
      %dma_wait3A_137 = tpu.memref_slice %arg12[%dma_wait3A_135, %dma_wait3A_136] : memref<16x128xi32, #tpu.memory_space<vmem>> -> memref<1x128xi32, #tpu.memory_space<vmem>>
      %dma_wait3A_138 = tpu.memref_squeeze %dma_wait3A_137 : memref<1x128xi32, #tpu.memory_space<vmem>> -> memref<128xi32, #tpu.memory_space<vmem>>
      %dma_wait3A_139 = arith.constant 0 : i32
      %dma_wait3A_140 = arith.constant 0 : i32
      %dma_wait3A_141 = tpu.memref_slice %arg2[%dma_wait3A_139, %dma_wait3A_140] : memref<10240x128xf32, #tpu.memory_space<hbm>> -> memref<10240x128xf32, #tpu.memory_space<hbm>>
      tpu.wait_indirect_dma semaphore(%arg18 : memref<!tpu.dma_semaphore, #tpu.memory_space<semaphore_mem>>) src(%dma_wait3A_141 : memref<10240x128xf32, #tpu.memory_space<hbm>>) dst(%arg15 : memref<128x128xf32, #tpu.memory_space<vmem>>)
      %dma_wait3A_142 = arith.constant 0 : i32
      %dma_wait3A_143 = arith.constant 0 : i32
      %dma_wait3A_144 = tpu.memref_slice %arg12[%dma_wait3A_142, %dma_wait3A_143] : memref<16x128xi32, #tpu.memory_space<vmem>> -> memref<1x128xi32, #tpu.memory_space<vmem>>
      %dma_wait3A_145 = tpu.memref_squeeze %dma_wait3A_144 : memref<1x128xi32, #tpu.memory_space<vmem>> -> memref<128xi32, #tpu.memory_space<vmem>>
      %dma_wait3A_146 = arith.constant 0 : i32
      %dma_wait3A_147 = tpu.memref_slice %arg11[%dma_wait3A_146] : memref<10240xf32, #tpu.memory_space<vmem_shared>> -> memref<10240xf32, #tpu.memory_space<vmem_shared>>
      tpu.wait_indirect_dma semaphore(%arg22 : memref<!tpu.dma_semaphore, #tpu.memory_space<semaphore_mem>>) src(%arg16 : memref<128xf32, #tpu.memory_space<vmem>>) dst(%dma_wait3A_147 : memref<10240xf32, #tpu.memory_space<vmem_shared>>)
      %dma_start3A_148 = arith.constant 3 : i32
      %dma_start3A_149 = arith.constant 0 : i32
      %dma_start3A_150 = tpu.memref_slice %arg13[%dma_start3A_148, %dma_start3A_149] : memref<16x128xi32, #tpu.memory_space<vmem>> -> memref<1x128xi32, #tpu.memory_space<vmem>>
      %dma_start3A_151 = tpu.memref_squeeze %dma_start3A_150 : memref<1x128xi32, #tpu.memory_space<vmem>> -> memref<128xi32, #tpu.memory_space<vmem>>
      %dma_start3A_152 = arith.constant 0 : i32
      %dma_start3A_153 = arith.constant 0 : i32
      %dma_start3A_154 = tpu.memref_slice %arg10[%dma_start3A_152, %dma_start3A_153] : memref<10240x128xf32, #tpu.memory_space<vmem_shared>> -> memref<10240x128xf32, #tpu.memory_space<vmem_shared>>
      tpu.enqueue_indirect_dma source(%arg15 : memref<128x128xf32, #tpu.memory_space<vmem>>) target(%dma_start3A_154 : memref<10240x128xf32, #tpu.memory_space<vmem_shared>>) offsets(%dma_start3A_151 : memref<128xi32, #tpu.memory_space<vmem>>) semaphore(%arg20 : memref<!tpu.dma_semaphore, #tpu.memory_space<semaphore_mem>>) {add = true}
      %dma_start3A_155 = arith.constant 3 : i32
      %dma_start3A_156 = arith.constant 0 : i32
      %dma_start3A_157 = tpu.memref_slice %arg12[%dma_start3A_155, %dma_start3A_156] : memref<16x128xi32, #tpu.memory_space<vmem>> -> memref<1x128xi32, #tpu.memory_space<vmem>>
      %dma_start3A_158 = tpu.memref_squeeze %dma_start3A_157 : memref<1x128xi32, #tpu.memory_space<vmem>> -> memref<128xi32, #tpu.memory_space<vmem>>
      %dma_start3A_159 = arith.constant 0 : i32
      %dma_start3A_160 = tpu.memref_slice %arg11[%dma_start3A_159] : memref<10240xf32, #tpu.memory_space<vmem_shared>> -> memref<10240xf32, #tpu.memory_space<vmem_shared>>
      tpu.enqueue_indirect_dma source(%arg16 : memref<128xf32, #tpu.memory_space<vmem>>) target(%dma_start3A_160 : memref<10240xf32, #tpu.memory_space<vmem_shared>>) offsets(%dma_start3A_158 : memref<128xi32, #tpu.memory_space<vmem>>) semaphore(%arg22 : memref<!tpu.dma_semaphore, #tpu.memory_space<semaphore_mem>>) {add = true}
      %dma_wait3A_161 = arith.constant 0 : i32
      %dma_wait3A_162 = arith.constant 0 : i32
      %dma_wait3A_163 = tpu.memref_slice %arg13[%dma_wait3A_161, %dma_wait3A_162] : memref<16x128xi32, #tpu.memory_space<vmem>> -> memref<1x128xi32, #tpu.memory_space<vmem>>
      %dma_wait3A_164 = tpu.memref_squeeze %dma_wait3A_163 : memref<1x128xi32, #tpu.memory_space<vmem>> -> memref<128xi32, #tpu.memory_space<vmem>>
      %dma_wait3A_165 = arith.constant 0 : i32
      %dma_wait3A_166 = arith.constant 0 : i32
      %dma_wait3A_167 = tpu.memref_slice %arg10[%dma_wait3A_165, %dma_wait3A_166] : memref<10240x128xf32, #tpu.memory_space<vmem_shared>> -> memref<10240x128xf32, #tpu.memory_space<vmem_shared>>
      tpu.wait_indirect_dma semaphore(%arg19 : memref<!tpu.dma_semaphore, #tpu.memory_space<semaphore_mem>>) src(%arg14 : memref<128x128xf32, #tpu.memory_space<vmem>>) dst(%dma_wait3A_167 : memref<10240x128xf32, #tpu.memory_space<vmem_shared>>)
      %dma_start3A_168 = arith.constant 4 : i32
      %dma_start3A_169 = arith.constant 0 : i32
      %dma_start3A_170 = tpu.memref_slice %arg12[%dma_start3A_168, %dma_start3A_169] : memref<16x128xi32, #tpu.memory_space<vmem>> -> memref<1x128xi32, #tpu.memory_space<vmem>>
      %dma_start3A_171 = tpu.memref_squeeze %dma_start3A_170 : memref<1x128xi32, #tpu.memory_space<vmem>> -> memref<128xi32, #tpu.memory_space<vmem>>
      %dma_start3A_172 = arith.constant 0 : i32
      %dma_start3A_173 = arith.constant 0 : i32
      %dma_start3A_174 = tpu.memref_slice %arg2[%dma_start3A_172, %dma_start3A_173] : memref<10240x128xf32, #tpu.memory_space<hbm>> -> memref<10240x128xf32, #tpu.memory_space<hbm>>
      tpu.enqueue_indirect_dma source(%dma_start3A_174 : memref<10240x128xf32, #tpu.memory_space<hbm>>) target(%arg14 : memref<128x128xf32, #tpu.memory_space<vmem>>) offsets(%dma_start3A_171 : memref<128xi32, #tpu.memory_space<vmem>>) semaphore(%arg17 : memref<!tpu.dma_semaphore, #tpu.memory_space<semaphore_mem>>)
      %dma_wait3A_175 = arith.constant 0 : i32
      %dma_wait3A_176 = arith.constant 0 : i32
      %dma_wait3A_177 = tpu.memref_slice %arg12[%dma_wait3A_175, %dma_wait3A_176] : memref<16x128xi32, #tpu.memory_space<vmem>> -> memref<1x128xi32, #tpu.memory_space<vmem>>
      %dma_wait3A_178 = tpu.memref_squeeze %dma_wait3A_177 : memref<1x128xi32, #tpu.memory_space<vmem>> -> memref<128xi32, #tpu.memory_space<vmem>>
      %dma_wait3A_179 = arith.constant 0 : i32
      %dma_wait3A_180 = arith.constant 0 : i32
      %dma_wait3A_181 = tpu.memref_slice %arg2[%dma_wait3A_179, %dma_wait3A_180] : memref<10240x128xf32, #tpu.memory_space<hbm>> -> memref<10240x128xf32, #tpu.memory_space<hbm>>
      tpu.wait_indirect_dma semaphore(%arg17 : memref<!tpu.dma_semaphore, #tpu.memory_space<semaphore_mem>>) src(%dma_wait3A_181 : memref<10240x128xf32, #tpu.memory_space<hbm>>) dst(%arg14 : memref<128x128xf32, #tpu.memory_space<vmem>>)
      %dma_wait3A_182 = arith.constant 0 : i32
      %dma_wait3A_183 = arith.constant 0 : i32
      %dma_wait3A_184 = tpu.memref_slice %arg12[%dma_wait3A_182, %dma_wait3A_183] : memref<16x128xi32, #tpu.memory_space<vmem>> -> memref<1x128xi32, #tpu.memory_space<vmem>>
      %dma_wait3A_185 = tpu.memref_squeeze %dma_wait3A_184 : memref<1x128xi32, #tpu.memory_space<vmem>> -> memref<128xi32, #tpu.memory_space<vmem>>
      %dma_wait3A_186 = arith.constant 0 : i32
      %dma_wait3A_187 = tpu.memref_slice %arg11[%dma_wait3A_186] : memref<10240xf32, #tpu.memory_space<vmem_shared>> -> memref<10240xf32, #tpu.memory_space<vmem_shared>>
      tpu.wait_indirect_dma semaphore(%arg21 : memref<!tpu.dma_semaphore, #tpu.memory_space<semaphore_mem>>) src(%arg16 : memref<128xf32, #tpu.memory_space<vmem>>) dst(%dma_wait3A_187 : memref<10240xf32, #tpu.memory_space<vmem_shared>>)
      %dma_start3A_188 = arith.constant 4 : i32
      %dma_start3A_189 = arith.constant 0 : i32
      %dma_start3A_190 = tpu.memref_slice %arg13[%dma_start3A_188, %dma_start3A_189] : memref<16x128xi32, #tpu.memory_space<vmem>> -> memref<1x128xi32, #tpu.memory_space<vmem>>
      %dma_start3A_191 = tpu.memref_squeeze %dma_start3A_190 : memref<1x128xi32, #tpu.memory_space<vmem>> -> memref<128xi32, #tpu.memory_space<vmem>>
      %dma_start3A_192 = arith.constant 0 : i32
      %dma_start3A_193 = arith.constant 0 : i32
      %dma_start3A_194 = tpu.memref_slice %arg10[%dma_start3A_192, %dma_start3A_193] : memref<10240x128xf32, #tpu.memory_space<vmem_shared>> -> memref<10240x128xf32, #tpu.memory_space<vmem_shared>>
      tpu.enqueue_indirect_dma source(%arg14 : memref<128x128xf32, #tpu.memory_space<vmem>>) target(%dma_start3A_194 : memref<10240x128xf32, #tpu.memory_space<vmem_shared>>) offsets(%dma_start3A_191 : memref<128xi32, #tpu.memory_space<vmem>>) semaphore(%arg19 : memref<!tpu.dma_semaphore, #tpu.memory_space<semaphore_mem>>) {add = true}
      %dma_start3A_195 = arith.constant 4 : i32
      %dma_start3A_196 = arith.constant 0 : i32
      %dma_start3A_197 = tpu.memref_slice %arg12[%dma_start3A_195, %dma_start3A_196] : memref<16x128xi32, #tpu.memory_space<vmem>> -> memref<1x128xi32, #tpu.memory_space<vmem>>
      %dma_start3A_198 = tpu.memref_squeeze %dma_start3A_197 : memref<1x128xi32, #tpu.memory_space<vmem>> -> memref<128xi32, #tpu.memory_space<vmem>>
      %dma_start3A_199 = arith.constant 0 : i32
      %dma_start3A_200 = tpu.memref_slice %arg11[%dma_start3A_199] : memref<10240xf32, #tpu.memory_space<vmem_shared>> -> memref<10240xf32, #tpu.memory_space<vmem_shared>>
      tpu.enqueue_indirect_dma source(%arg16 : memref<128xf32, #tpu.memory_space<vmem>>) target(%dma_start3A_200 : memref<10240xf32, #tpu.memory_space<vmem_shared>>) offsets(%dma_start3A_198 : memref<128xi32, #tpu.memory_space<vmem>>) semaphore(%arg21 : memref<!tpu.dma_semaphore, #tpu.memory_space<semaphore_mem>>) {add = true}
      %dma_wait3A_201 = arith.constant 0 : i32
      %dma_wait3A_202 = arith.constant 0 : i32
      %dma_wait3A_203 = tpu.memref_slice %arg13[%dma_wait3A_201, %dma_wait3A_202] : memref<16x128xi32, #tpu.memory_space<vmem>> -> memref<1x128xi32, #tpu.memory_space<vmem>>
      %dma_wait3A_204 = tpu.memref_squeeze %dma_wait3A_203 : memref<1x128xi32, #tpu.memory_space<vmem>> -> memref<128xi32, #tpu.memory_space<vmem>>
      %dma_wait3A_205 = arith.constant 0 : i32
      %dma_wait3A_206 = arith.constant 0 : i32
      %dma_wait3A_207 = tpu.memref_slice %arg10[%dma_wait3A_205, %dma_wait3A_206] : memref<10240x128xf32, #tpu.memory_space<vmem_shared>> -> memref<10240x128xf32, #tpu.memory_space<vmem_shared>>
      tpu.wait_indirect_dma semaphore(%arg20 : memref<!tpu.dma_semaphore, #tpu.memory_space<semaphore_mem>>) src(%arg15 : memref<128x128xf32, #tpu.memory_space<vmem>>) dst(%dma_wait3A_207 : memref<10240x128xf32, #tpu.memory_space<vmem_shared>>)
      %dma_start3A_208 = arith.constant 5 : i32
      %dma_start3A_209 = arith.constant 0 : i32
      %dma_start3A_210 = tpu.memref_slice %arg12[%dma_start3A_208, %dma_start3A_209] : memref<16x128xi32, #tpu.memory_space<vmem>> -> memref<1x128xi32, #tpu.memory_space<vmem>>
      %dma_start3A_211 = tpu.memref_squeeze %dma_start3A_210 : memref<1x128xi32, #tpu.memory_space<vmem>> -> memref<128xi32, #tpu.memory_space<vmem>>
      %dma_start3A_212 = arith.constant 0 : i32
      %dma_start3A_213 = arith.constant 0 : i32
      %dma_start3A_214 = tpu.memref_slice %arg2[%dma_start3A_212, %dma_start3A_213] : memref<10240x128xf32, #tpu.memory_space<hbm>> -> memref<10240x128xf32, #tpu.memory_space<hbm>>
      tpu.enqueue_indirect_dma source(%dma_start3A_214 : memref<10240x128xf32, #tpu.memory_space<hbm>>) target(%arg15 : memref<128x128xf32, #tpu.memory_space<vmem>>) offsets(%dma_start3A_211 : memref<128xi32, #tpu.memory_space<vmem>>) semaphore(%arg18 : memref<!tpu.dma_semaphore, #tpu.memory_space<semaphore_mem>>)
      %dma_wait3A_215 = arith.constant 0 : i32
      %dma_wait3A_216 = arith.constant 0 : i32
      %dma_wait3A_217 = tpu.memref_slice %arg12[%dma_wait3A_215, %dma_wait3A_216] : memref<16x128xi32, #tpu.memory_space<vmem>> -> memref<1x128xi32, #tpu.memory_space<vmem>>
      %dma_wait3A_218 = tpu.memref_squeeze %dma_wait3A_217 : memref<1x128xi32, #tpu.memory_space<vmem>> -> memref<128xi32, #tpu.memory_space<vmem>>
      %dma_wait3A_219 = arith.constant 0 : i32
      %dma_wait3A_220 = arith.constant 0 : i32
      %dma_wait3A_221 = tpu.memref_slice %arg2[%dma_wait3A_219, %dma_wait3A_220] : memref<10240x128xf32, #tpu.memory_space<hbm>> -> memref<10240x128xf32, #tpu.memory_space<hbm>>
      tpu.wait_indirect_dma semaphore(%arg18 : memref<!tpu.dma_semaphore, #tpu.memory_space<semaphore_mem>>) src(%dma_wait3A_221 : memref<10240x128xf32, #tpu.memory_space<hbm>>) dst(%arg15 : memref<128x128xf32, #tpu.memory_space<vmem>>)
      %dma_wait3A_222 = arith.constant 0 : i32
      %dma_wait3A_223 = arith.constant 0 : i32
      %dma_wait3A_224 = tpu.memref_slice %arg12[%dma_wait3A_222, %dma_wait3A_223] : memref<16x128xi32, #tpu.memory_space<vmem>> -> memref<1x128xi32, #tpu.memory_space<vmem>>
      %dma_wait3A_225 = tpu.memref_squeeze %dma_wait3A_224 : memref<1x128xi32, #tpu.memory_space<vmem>> -> memref<128xi32, #tpu.memory_space<vmem>>
      %dma_wait3A_226 = arith.constant 0 : i32
      %dma_wait3A_227 = tpu.memref_slice %arg11[%dma_wait3A_226] : memref<10240xf32, #tpu.memory_space<vmem_shared>> -> memref<10240xf32, #tpu.memory_space<vmem_shared>>
      tpu.wait_indirect_dma semaphore(%arg22 : memref<!tpu.dma_semaphore, #tpu.memory_space<semaphore_mem>>) src(%arg16 : memref<128xf32, #tpu.memory_space<vmem>>) dst(%dma_wait3A_227 : memref<10240xf32, #tpu.memory_space<vmem_shared>>)
      %dma_start3A_228 = arith.constant 5 : i32
      %dma_start3A_229 = arith.constant 0 : i32
      %dma_start3A_230 = tpu.memref_slice %arg13[%dma_start3A_228, %dma_start3A_229] : memref<16x128xi32, #tpu.memory_space<vmem>> -> memref<1x128xi32, #tpu.memory_space<vmem>>
      %dma_start3A_231 = tpu.memref_squeeze %dma_start3A_230 : memref<1x128xi32, #tpu.memory_space<vmem>> -> memref<128xi32, #tpu.memory_space<vmem>>
      %dma_start3A_232 = arith.constant 0 : i32
      %dma_start3A_233 = arith.constant 0 : i32
      %dma_start3A_234 = tpu.memref_slice %arg10[%dma_start3A_232, %dma_start3A_233] : memref<10240x128xf32, #tpu.memory_space<vmem_shared>> -> memref<10240x128xf32, #tpu.memory_space<vmem_shared>>
      tpu.enqueue_indirect_dma source(%arg15 : memref<128x128xf32, #tpu.memory_space<vmem>>) target(%dma_start3A_234 : memref<10240x128xf32, #tpu.memory_space<vmem_shared>>) offsets(%dma_start3A_231 : memref<128xi32, #tpu.memory_space<vmem>>) semaphore(%arg20 : memref<!tpu.dma_semaphore, #tpu.memory_space<semaphore_mem>>) {add = true}
      %dma_start3A_235 = arith.constant 5 : i32
      %dma_start3A_236 = arith.constant 0 : i32
      %dma_start3A_237 = tpu.memref_slice %arg12[%dma_start3A_235, %dma_start3A_236] : memref<16x128xi32, #tpu.memory_space<vmem>> -> memref<1x128xi32, #tpu.memory_space<vmem>>
      %dma_start3A_238 = tpu.memref_squeeze %dma_start3A_237 : memref<1x128xi32, #tpu.memory_space<vmem>> -> memref<128xi32, #tpu.memory_space<vmem>>
      %dma_start3A_239 = arith.constant 0 : i32
      %dma_start3A_240 = tpu.memref_slice %arg11[%dma_start3A_239] : memref<10240xf32, #tpu.memory_space<vmem_shared>> -> memref<10240xf32, #tpu.memory_space<vmem_shared>>
      tpu.enqueue_indirect_dma source(%arg16 : memref<128xf32, #tpu.memory_space<vmem>>) target(%dma_start3A_240 : memref<10240xf32, #tpu.memory_space<vmem_shared>>) offsets(%dma_start3A_238 : memref<128xi32, #tpu.memory_space<vmem>>) semaphore(%arg22 : memref<!tpu.dma_semaphore, #tpu.memory_space<semaphore_mem>>) {add = true}
      %dma_wait3A_241 = arith.constant 0 : i32
      %dma_wait3A_242 = arith.constant 0 : i32
      %dma_wait3A_243 = tpu.memref_slice %arg13[%dma_wait3A_241, %dma_wait3A_242] : memref<16x128xi32, #tpu.memory_space<vmem>> -> memref<1x128xi32, #tpu.memory_space<vmem>>
      %dma_wait3A_244 = tpu.memref_squeeze %dma_wait3A_243 : memref<1x128xi32, #tpu.memory_space<vmem>> -> memref<128xi32, #tpu.memory_space<vmem>>
      %dma_wait3A_245 = arith.constant 0 : i32
      %dma_wait3A_246 = arith.constant 0 : i32
      %dma_wait3A_247 = tpu.memref_slice %arg10[%dma_wait3A_245, %dma_wait3A_246] : memref<10240x128xf32, #tpu.memory_space<vmem_shared>> -> memref<10240x128xf32, #tpu.memory_space<vmem_shared>>
      tpu.wait_indirect_dma semaphore(%arg19 : memref<!tpu.dma_semaphore, #tpu.memory_space<semaphore_mem>>) src(%arg14 : memref<128x128xf32, #tpu.memory_space<vmem>>) dst(%dma_wait3A_247 : memref<10240x128xf32, #tpu.memory_space<vmem_shared>>)
      %dma_start3A_248 = arith.constant 6 : i32
      %dma_start3A_249 = arith.constant 0 : i32
      %dma_start3A_250 = tpu.memref_slice %arg12[%dma_start3A_248, %dma_start3A_249] : memref<16x128xi32, #tpu.memory_space<vmem>> -> memref<1x128xi32, #tpu.memory_space<vmem>>
      %dma_start3A_251 = tpu.memref_squeeze %dma_start3A_250 : memref<1x128xi32, #tpu.memory_space<vmem>> -> memref<128xi32, #tpu.memory_space<vmem>>
      %dma_start3A_252 = arith.constant 0 : i32
      %dma_start3A_253 = arith.constant 0 : i32
      %dma_start3A_254 = tpu.memref_slice %arg2[%dma_start3A_252, %dma_start3A_253] : memref<10240x128xf32, #tpu.memory_space<hbm>> -> memref<10240x128xf32, #tpu.memory_space<hbm>>
      tpu.enqueue_indirect_dma source(%dma_start3A_254 : memref<10240x128xf32, #tpu.memory_space<hbm>>) target(%arg14 : memref<128x128xf32, #tpu.memory_space<vmem>>) offsets(%dma_start3A_251 : memref<128xi32, #tpu.memory_space<vmem>>) semaphore(%arg17 : memref<!tpu.dma_semaphore, #tpu.memory_space<semaphore_mem>>)
      %dma_wait3A_255 = arith.constant 0 : i32
      %dma_wait3A_256 = arith.constant 0 : i32
      %dma_wait3A_257 = tpu.memref_slice %arg12[%dma_wait3A_255, %dma_wait3A_256] : memref<16x128xi32, #tpu.memory_space<vmem>> -> memref<1x128xi32, #tpu.memory_space<vmem>>
      %dma_wait3A_258 = tpu.memref_squeeze %dma_wait3A_257 : memref<1x128xi32, #tpu.memory_space<vmem>> -> memref<128xi32, #tpu.memory_space<vmem>>
      %dma_wait3A_259 = arith.constant 0 : i32
      %dma_wait3A_260 = arith.constant 0 : i32
      %dma_wait3A_261 = tpu.memref_slice %arg2[%dma_wait3A_259, %dma_wait3A_260] : memref<10240x128xf32, #tpu.memory_space<hbm>> -> memref<10240x128xf32, #tpu.memory_space<hbm>>
      tpu.wait_indirect_dma semaphore(%arg17 : memref<!tpu.dma_semaphore, #tpu.memory_space<semaphore_mem>>) src(%dma_wait3A_261 : memref<10240x128xf32, #tpu.memory_space<hbm>>) dst(%arg14 : memref<128x128xf32, #tpu.memory_space<vmem>>)
      %dma_wait3A_262 = arith.constant 0 : i32
      %dma_wait3A_263 = arith.constant 0 : i32
      %dma_wait3A_264 = tpu.memref_slice %arg12[%dma_wait3A_262, %dma_wait3A_263] : memref<16x128xi32, #tpu.memory_space<vmem>> -> memref<1x128xi32, #tpu.memory_space<vmem>>
      %dma_wait3A_265 = tpu.memref_squeeze %dma_wait3A_264 : memref<1x128xi32, #tpu.memory_space<vmem>> -> memref<128xi32, #tpu.memory_space<vmem>>
      %dma_wait3A_266 = arith.constant 0 : i32
      %dma_wait3A_267 = tpu.memref_slice %arg11[%dma_wait3A_266] : memref<10240xf32, #tpu.memory_space<vmem_shared>> -> memref<10240xf32, #tpu.memory_space<vmem_shared>>
      tpu.wait_indirect_dma semaphore(%arg21 : memref<!tpu.dma_semaphore, #tpu.memory_space<semaphore_mem>>) src(%arg16 : memref<128xf32, #tpu.memory_space<vmem>>) dst(%dma_wait3A_267 : memref<10240xf32, #tpu.memory_space<vmem_shared>>)
      %dma_start3A_268 = arith.constant 6 : i32
      %dma_start3A_269 = arith.constant 0 : i32
      %dma_start3A_270 = tpu.memref_slice %arg13[%dma_start3A_268, %dma_start3A_269] : memref<16x128xi32, #tpu.memory_space<vmem>> -> memref<1x128xi32, #tpu.memory_space<vmem>>
      %dma_start3A_271 = tpu.memref_squeeze %dma_start3A_270 : memref<1x128xi32, #tpu.memory_space<vmem>> -> memref<128xi32, #tpu.memory_space<vmem>>
      %dma_start3A_272 = arith.constant 0 : i32
      %dma_start3A_273 = arith.constant 0 : i32
      %dma_start3A_274 = tpu.memref_slice %arg10[%dma_start3A_272, %dma_start3A_273] : memref<10240x128xf32, #tpu.memory_space<vmem_shared>> -> memref<10240x128xf32, #tpu.memory_space<vmem_shared>>
      tpu.enqueue_indirect_dma source(%arg14 : memref<128x128xf32, #tpu.memory_space<vmem>>) target(%dma_start3A_274 : memref<10240x128xf32, #tpu.memory_space<vmem_shared>>) offsets(%dma_start3A_271 : memref<128xi32, #tpu.memory_space<vmem>>) semaphore(%arg19 : memref<!tpu.dma_semaphore, #tpu.memory_space<semaphore_mem>>) {add = true}
      %dma_start3A_275 = arith.constant 6 : i32
      %dma_start3A_276 = arith.constant 0 : i32
      %dma_start3A_277 = tpu.memref_slice %arg12[%dma_start3A_275, %dma_start3A_276] : memref<16x128xi32, #tpu.memory_space<vmem>> -> memref<1x128xi32, #tpu.memory_space<vmem>>
      %dma_start3A_278 = tpu.memref_squeeze %dma_start3A_277 : memref<1x128xi32, #tpu.memory_space<vmem>> -> memref<128xi32, #tpu.memory_space<vmem>>
      %dma_start3A_279 = arith.constant 0 : i32
      %dma_start3A_280 = tpu.memref_slice %arg11[%dma_start3A_279] : memref<10240xf32, #tpu.memory_space<vmem_shared>> -> memref<10240xf32, #tpu.memory_space<vmem_shared>>
      tpu.enqueue_indirect_dma source(%arg16 : memref<128xf32, #tpu.memory_space<vmem>>) target(%dma_start3A_280 : memref<10240xf32, #tpu.memory_space<vmem_shared>>) offsets(%dma_start3A_278 : memref<128xi32, #tpu.memory_space<vmem>>) semaphore(%arg21 : memref<!tpu.dma_semaphore, #tpu.memory_space<semaphore_mem>>) {add = true}
      %dma_wait3A_281 = arith.constant 0 : i32
      %dma_wait3A_282 = arith.constant 0 : i32
      %dma_wait3A_283 = tpu.memref_slice %arg13[%dma_wait3A_281, %dma_wait3A_282] : memref<16x128xi32, #tpu.memory_space<vmem>> -> memref<1x128xi32, #tpu.memory_space<vmem>>
      %dma_wait3A_284 = tpu.memref_squeeze %dma_wait3A_283 : memref<1x128xi32, #tpu.memory_space<vmem>> -> memref<128xi32, #tpu.memory_space<vmem>>
      %dma_wait3A_285 = arith.constant 0 : i32
      %dma_wait3A_286 = arith.constant 0 : i32
      %dma_wait3A_287 = tpu.memref_slice %arg10[%dma_wait3A_285, %dma_wait3A_286] : memref<10240x128xf32, #tpu.memory_space<vmem_shared>> -> memref<10240x128xf32, #tpu.memory_space<vmem_shared>>
      tpu.wait_indirect_dma semaphore(%arg20 : memref<!tpu.dma_semaphore, #tpu.memory_space<semaphore_mem>>) src(%arg15 : memref<128x128xf32, #tpu.memory_space<vmem>>) dst(%dma_wait3A_287 : memref<10240x128xf32, #tpu.memory_space<vmem_shared>>)
      %dma_start3A_288 = arith.constant 7 : i32
      %dma_start3A_289 = arith.constant 0 : i32
      %dma_start3A_290 = tpu.memref_slice %arg12[%dma_start3A_288, %dma_start3A_289] : memref<16x128xi32, #tpu.memory_space<vmem>> -> memref<1x128xi32, #tpu.memory_space<vmem>>
      %dma_start3A_291 = tpu.memref_squeeze %dma_start3A_290 : memref<1x128xi32, #tpu.memory_space<vmem>> -> memref<128xi32, #tpu.memory_space<vmem>>
      %dma_start3A_292 = arith.constant 0 : i32
      %dma_start3A_293 = arith.constant 0 : i32
      %dma_start3A_294 = tpu.memref_slice %arg2[%dma_start3A_292, %dma_start3A_293] : memref<10240x128xf32, #tpu.memory_space<hbm>> -> memref<10240x128xf32, #tpu.memory_space<hbm>>
      tpu.enqueue_indirect_dma source(%dma_start3A_294 : memref<10240x128xf32, #tpu.memory_space<hbm>>) target(%arg15 : memref<128x128xf32, #tpu.memory_space<vmem>>) offsets(%dma_start3A_291 : memref<128xi32, #tpu.memory_space<vmem>>) semaphore(%arg18 : memref<!tpu.dma_semaphore, #tpu.memory_space<semaphore_mem>>)
      %dma_wait3A_295 = arith.constant 0 : i32
      %dma_wait3A_296 = arith.constant 0 : i32
      %dma_wait3A_297 = tpu.memref_slice %arg12[%dma_wait3A_295, %dma_wait3A_296] : memref<16x128xi32, #tpu.memory_space<vmem>> -> memref<1x128xi32, #tpu.memory_space<vmem>>
      %dma_wait3A_298 = tpu.memref_squeeze %dma_wait3A_297 : memref<1x128xi32, #tpu.memory_space<vmem>> -> memref<128xi32, #tpu.memory_space<vmem>>
      %dma_wait3A_299 = arith.constant 0 : i32
      %dma_wait3A_300 = arith.constant 0 : i32
      %dma_wait3A_301 = tpu.memref_slice %arg2[%dma_wait3A_299, %dma_wait3A_300] : memref<10240x128xf32, #tpu.memory_space<hbm>> -> memref<10240x128xf32, #tpu.memory_space<hbm>>
      tpu.wait_indirect_dma semaphore(%arg18 : memref<!tpu.dma_semaphore, #tpu.memory_space<semaphore_mem>>) src(%dma_wait3A_301 : memref<10240x128xf32, #tpu.memory_space<hbm>>) dst(%arg15 : memref<128x128xf32, #tpu.memory_space<vmem>>)
      %dma_wait3A_302 = arith.constant 0 : i32
      %dma_wait3A_303 = arith.constant 0 : i32
      %dma_wait3A_304 = tpu.memref_slice %arg12[%dma_wait3A_302, %dma_wait3A_303] : memref<16x128xi32, #tpu.memory_space<vmem>> -> memref<1x128xi32, #tpu.memory_space<vmem>>
      %dma_wait3A_305 = tpu.memref_squeeze %dma_wait3A_304 : memref<1x128xi32, #tpu.memory_space<vmem>> -> memref<128xi32, #tpu.memory_space<vmem>>
      %dma_wait3A_306 = arith.constant 0 : i32
      %dma_wait3A_307 = tpu.memref_slice %arg11[%dma_wait3A_306] : memref<10240xf32, #tpu.memory_space<vmem_shared>> -> memref<10240xf32, #tpu.memory_space<vmem_shared>>
      tpu.wait_indirect_dma semaphore(%arg22 : memref<!tpu.dma_semaphore, #tpu.memory_space<semaphore_mem>>) src(%arg16 : memref<128xf32, #tpu.memory_space<vmem>>) dst(%dma_wait3A_307 : memref<10240xf32, #tpu.memory_space<vmem_shared>>)
      %dma_start3A_308 = arith.constant 7 : i32
      %dma_start3A_309 = arith.constant 0 : i32
      %dma_start3A_310 = tpu.memref_slice %arg13[%dma_start3A_308, %dma_start3A_309] : memref<16x128xi32, #tpu.memory_space<vmem>> -> memref<1x128xi32, #tpu.memory_space<vmem>>
      %dma_start3A_311 = tpu.memref_squeeze %dma_start3A_310 : memref<1x128xi32, #tpu.memory_space<vmem>> -> memref<128xi32, #tpu.memory_space<vmem>>
      %dma_start3A_312 = arith.constant 0 : i32
      %dma_start3A_313 = arith.constant 0 : i32
      %dma_start3A_314 = tpu.memref_slice %arg10[%dma_start3A_312, %dma_start3A_313] : memref<10240x128xf32, #tpu.memory_space<vmem_shared>> -> memref<10240x128xf32, #tpu.memory_space<vmem_shared>>
      tpu.enqueue_indirect_dma source(%arg15 : memref<128x128xf32, #tpu.memory_space<vmem>>) target(%dma_start3A_314 : memref<10240x128xf32, #tpu.memory_space<vmem_shared>>) offsets(%dma_start3A_311 : memref<128xi32, #tpu.memory_space<vmem>>) semaphore(%arg20 : memref<!tpu.dma_semaphore, #tpu.memory_space<semaphore_mem>>) {add = true}
      %dma_start3A_315 = arith.constant 7 : i32
      %dma_start3A_316 = arith.constant 0 : i32
      %dma_start3A_317 = tpu.memref_slice %arg12[%dma_start3A_315, %dma_start3A_316] : memref<16x128xi32, #tpu.memory_space<vmem>> -> memref<1x128xi32, #tpu.memory_space<vmem>>
      %dma_start3A_318 = tpu.memref_squeeze %dma_start3A_317 : memref<1x128xi32, #tpu.memory_space<vmem>> -> memref<128xi32, #tpu.memory_space<vmem>>
      %dma_start3A_319 = arith.constant 0 : i32
      %dma_start3A_320 = tpu.memref_slice %arg11[%dma_start3A_319] : memref<10240xf32, #tpu.memory_space<vmem_shared>> -> memref<10240xf32, #tpu.memory_space<vmem_shared>>
      tpu.enqueue_indirect_dma source(%arg16 : memref<128xf32, #tpu.memory_space<vmem>>) target(%dma_start3A_320 : memref<10240xf32, #tpu.memory_space<vmem_shared>>) offsets(%dma_start3A_318 : memref<128xi32, #tpu.memory_space<vmem>>) semaphore(%arg22 : memref<!tpu.dma_semaphore, #tpu.memory_space<semaphore_mem>>) {add = true}
      %dma_wait3A_321 = arith.constant 0 : i32
      %dma_wait3A_322 = arith.constant 0 : i32
      %dma_wait3A_323 = tpu.memref_slice %arg13[%dma_wait3A_321, %dma_wait3A_322] : memref<16x128xi32, #tpu.memory_space<vmem>> -> memref<1x128xi32, #tpu.memory_space<vmem>>
      %dma_wait3A_324 = tpu.memref_squeeze %dma_wait3A_323 : memref<1x128xi32, #tpu.memory_space<vmem>> -> memref<128xi32, #tpu.memory_space<vmem>>
      %dma_wait3A_325 = arith.constant 0 : i32
      %dma_wait3A_326 = arith.constant 0 : i32
      %dma_wait3A_327 = tpu.memref_slice %arg10[%dma_wait3A_325, %dma_wait3A_326] : memref<10240x128xf32, #tpu.memory_space<vmem_shared>> -> memref<10240x128xf32, #tpu.memory_space<vmem_shared>>
      tpu.wait_indirect_dma semaphore(%arg19 : memref<!tpu.dma_semaphore, #tpu.memory_space<semaphore_mem>>) src(%arg14 : memref<128x128xf32, #tpu.memory_space<vmem>>) dst(%dma_wait3A_327 : memref<10240x128xf32, #tpu.memory_space<vmem_shared>>)
      %dma_start3A_328 = arith.constant 8 : i32
      %dma_start3A_329 = arith.constant 0 : i32
      %dma_start3A_330 = tpu.memref_slice %arg12[%dma_start3A_328, %dma_start3A_329] : memref<16x128xi32, #tpu.memory_space<vmem>> -> memref<1x128xi32, #tpu.memory_space<vmem>>
      %dma_start3A_331 = tpu.memref_squeeze %dma_start3A_330 : memref<1x128xi32, #tpu.memory_space<vmem>> -> memref<128xi32, #tpu.memory_space<vmem>>
      %dma_start3A_332 = arith.constant 0 : i32
      %dma_start3A_333 = arith.constant 0 : i32
      %dma_start3A_334 = tpu.memref_slice %arg2[%dma_start3A_332, %dma_start3A_333] : memref<10240x128xf32, #tpu.memory_space<hbm>> -> memref<10240x128xf32, #tpu.memory_space<hbm>>
      tpu.enqueue_indirect_dma source(%dma_start3A_334 : memref<10240x128xf32, #tpu.memory_space<hbm>>) target(%arg14 : memref<128x128xf32, #tpu.memory_space<vmem>>) offsets(%dma_start3A_331 : memref<128xi32, #tpu.memory_space<vmem>>) semaphore(%arg17 : memref<!tpu.dma_semaphore, #tpu.memory_space<semaphore_mem>>)
      %dma_wait3A_335 = arith.constant 0 : i32
      %dma_wait3A_336 = arith.constant 0 : i32
      %dma_wait3A_337 = tpu.memref_slice %arg12[%dma_wait3A_335, %dma_wait3A_336] : memref<16x128xi32, #tpu.memory_space<vmem>> -> memref<1x128xi32, #tpu.memory_space<vmem>>
      %dma_wait3A_338 = tpu.memref_squeeze %dma_wait3A_337 : memref<1x128xi32, #tpu.memory_space<vmem>> -> memref<128xi32, #tpu.memory_space<vmem>>
      %dma_wait3A_339 = arith.constant 0 : i32
      %dma_wait3A_340 = arith.constant 0 : i32
      %dma_wait3A_341 = tpu.memref_slice %arg2[%dma_wait3A_339, %dma_wait3A_340] : memref<10240x128xf32, #tpu.memory_space<hbm>> -> memref<10240x128xf32, #tpu.memory_space<hbm>>
      tpu.wait_indirect_dma semaphore(%arg17 : memref<!tpu.dma_semaphore, #tpu.memory_space<semaphore_mem>>) src(%dma_wait3A_341 : memref<10240x128xf32, #tpu.memory_space<hbm>>) dst(%arg14 : memref<128x128xf32, #tpu.memory_space<vmem>>)
      %dma_wait3A_342 = arith.constant 0 : i32
      %dma_wait3A_343 = arith.constant 0 : i32
      %dma_wait3A_344 = tpu.memref_slice %arg12[%dma_wait3A_342, %dma_wait3A_343] : memref<16x128xi32, #tpu.memory_space<vmem>> -> memref<1x128xi32, #tpu.memory_space<vmem>>
      %dma_wait3A_345 = tpu.memref_squeeze %dma_wait3A_344 : memref<1x128xi32, #tpu.memory_space<vmem>> -> memref<128xi32, #tpu.memory_space<vmem>>
      %dma_wait3A_346 = arith.constant 0 : i32
      %dma_wait3A_347 = tpu.memref_slice %arg11[%dma_wait3A_346] : memref<10240xf32, #tpu.memory_space<vmem_shared>> -> memref<10240xf32, #tpu.memory_space<vmem_shared>>
      tpu.wait_indirect_dma semaphore(%arg21 : memref<!tpu.dma_semaphore, #tpu.memory_space<semaphore_mem>>) src(%arg16 : memref<128xf32, #tpu.memory_space<vmem>>) dst(%dma_wait3A_347 : memref<10240xf32, #tpu.memory_space<vmem_shared>>)
      %dma_start3A_348 = arith.constant 8 : i32
      %dma_start3A_349 = arith.constant 0 : i32
      %dma_start3A_350 = tpu.memref_slice %arg13[%dma_start3A_348, %dma_start3A_349] : memref<16x128xi32, #tpu.memory_space<vmem>> -> memref<1x128xi32, #tpu.memory_space<vmem>>
      %dma_start3A_351 = tpu.memref_squeeze %dma_start3A_350 : memref<1x128xi32, #tpu.memory_space<vmem>> -> memref<128xi32, #tpu.memory_space<vmem>>
      %dma_start3A_352 = arith.constant 0 : i32
      %dma_start3A_353 = arith.constant 0 : i32
      %dma_start3A_354 = tpu.memref_slice %arg10[%dma_start3A_352, %dma_start3A_353] : memref<10240x128xf32, #tpu.memory_space<vmem_shared>> -> memref<10240x128xf32, #tpu.memory_space<vmem_shared>>
      tpu.enqueue_indirect_dma source(%arg14 : memref<128x128xf32, #tpu.memory_space<vmem>>) target(%dma_start3A_354 : memref<10240x128xf32, #tpu.memory_space<vmem_shared>>) offsets(%dma_start3A_351 : memref<128xi32, #tpu.memory_space<vmem>>) semaphore(%arg19 : memref<!tpu.dma_semaphore, #tpu.memory_space<semaphore_mem>>) {add = true}
      %dma_start3A_355 = arith.constant 8 : i32
      %dma_start3A_356 = arith.constant 0 : i32
      %dma_start3A_357 = tpu.memref_slice %arg12[%dma_start3A_355, %dma_start3A_356] : memref<16x128xi32, #tpu.memory_space<vmem>> -> memref<1x128xi32, #tpu.memory_space<vmem>>
      %dma_start3A_358 = tpu.memref_squeeze %dma_start3A_357 : memref<1x128xi32, #tpu.memory_space<vmem>> -> memref<128xi32, #tpu.memory_space<vmem>>
      %dma_start3A_359 = arith.constant 0 : i32
      %dma_start3A_360 = tpu.memref_slice %arg11[%dma_start3A_359] : memref<10240xf32, #tpu.memory_space<vmem_shared>> -> memref<10240xf32, #tpu.memory_space<vmem_shared>>
      tpu.enqueue_indirect_dma source(%arg16 : memref<128xf32, #tpu.memory_space<vmem>>) target(%dma_start3A_360 : memref<10240xf32, #tpu.memory_space<vmem_shared>>) offsets(%dma_start3A_358 : memref<128xi32, #tpu.memory_space<vmem>>) semaphore(%arg21 : memref<!tpu.dma_semaphore, #tpu.memory_space<semaphore_mem>>) {add = true}
      %dma_wait3A_361 = arith.constant 0 : i32
      %dma_wait3A_362 = arith.constant 0 : i32
      %dma_wait3A_363 = tpu.memref_slice %arg13[%dma_wait3A_361, %dma_wait3A_362] : memref<16x128xi32, #tpu.memory_space<vmem>> -> memref<1x128xi32, #tpu.memory_space<vmem>>
      %dma_wait3A_364 = tpu.memref_squeeze %dma_wait3A_363 : memref<1x128xi32, #tpu.memory_space<vmem>> -> memref<128xi32, #tpu.memory_space<vmem>>
      %dma_wait3A_365 = arith.constant 0 : i32
      %dma_wait3A_366 = arith.constant 0 : i32
      %dma_wait3A_367 = tpu.memref_slice %arg10[%dma_wait3A_365, %dma_wait3A_366] : memref<10240x128xf32, #tpu.memory_space<vmem_shared>> -> memref<10240x128xf32, #tpu.memory_space<vmem_shared>>
      tpu.wait_indirect_dma semaphore(%arg20 : memref<!tpu.dma_semaphore, #tpu.memory_space<semaphore_mem>>) src(%arg15 : memref<128x128xf32, #tpu.memory_space<vmem>>) dst(%dma_wait3A_367 : memref<10240x128xf32, #tpu.memory_space<vmem_shared>>)
      %dma_start3A_368 = arith.constant 9 : i32
      %dma_start3A_369 = arith.constant 0 : i32
      %dma_start3A_370 = tpu.memref_slice %arg12[%dma_start3A_368, %dma_start3A_369] : memref<16x128xi32, #tpu.memory_space<vmem>> -> memref<1x128xi32, #tpu.memory_space<vmem>>
      %dma_start3A_371 = tpu.memref_squeeze %dma_start3A_370 : memref<1x128xi32, #tpu.memory_space<vmem>> -> memref<128xi32, #tpu.memory_space<vmem>>
      %dma_start3A_372 = arith.constant 0 : i32
      %dma_start3A_373 = arith.constant 0 : i32
      %dma_start3A_374 = tpu.memref_slice %arg2[%dma_start3A_372, %dma_start3A_373] : memref<10240x128xf32, #tpu.memory_space<hbm>> -> memref<10240x128xf32, #tpu.memory_space<hbm>>
      tpu.enqueue_indirect_dma source(%dma_start3A_374 : memref<10240x128xf32, #tpu.memory_space<hbm>>) target(%arg15 : memref<128x128xf32, #tpu.memory_space<vmem>>) offsets(%dma_start3A_371 : memref<128xi32, #tpu.memory_space<vmem>>) semaphore(%arg18 : memref<!tpu.dma_semaphore, #tpu.memory_space<semaphore_mem>>)
      %dma_wait3A_375 = arith.constant 0 : i32
      %dma_wait3A_376 = arith.constant 0 : i32
      %dma_wait3A_377 = tpu.memref_slice %arg12[%dma_wait3A_375, %dma_wait3A_376] : memref<16x128xi32, #tpu.memory_space<vmem>> -> memref<1x128xi32, #tpu.memory_space<vmem>>
      %dma_wait3A_378 = tpu.memref_squeeze %dma_wait3A_377 : memref<1x128xi32, #tpu.memory_space<vmem>> -> memref<128xi32, #tpu.memory_space<vmem>>
      %dma_wait3A_379 = arith.constant 0 : i32
      %dma_wait3A_380 = arith.constant 0 : i32
      %dma_wait3A_381 = tpu.memref_slice %arg2[%dma_wait3A_379, %dma_wait3A_380] : memref<10240x128xf32, #tpu.memory_space<hbm>> -> memref<10240x128xf32, #tpu.memory_space<hbm>>
      tpu.wait_indirect_dma semaphore(%arg18 : memref<!tpu.dma_semaphore, #tpu.memory_space<semaphore_mem>>) src(%dma_wait3A_381 : memref<10240x128xf32, #tpu.memory_space<hbm>>) dst(%arg15 : memref<128x128xf32, #tpu.memory_space<vmem>>)
      %dma_wait3A_382 = arith.constant 0 : i32
      %dma_wait3A_383 = arith.constant 0 : i32
      %dma_wait3A_384 = tpu.memref_slice %arg12[%dma_wait3A_382, %dma_wait3A_383] : memref<16x128xi32, #tpu.memory_space<vmem>> -> memref<1x128xi32, #tpu.memory_space<vmem>>
      %dma_wait3A_385 = tpu.memref_squeeze %dma_wait3A_384 : memref<1x128xi32, #tpu.memory_space<vmem>> -> memref<128xi32, #tpu.memory_space<vmem>>
      %dma_wait3A_386 = arith.constant 0 : i32
      %dma_wait3A_387 = tpu.memref_slice %arg11[%dma_wait3A_386] : memref<10240xf32, #tpu.memory_space<vmem_shared>> -> memref<10240xf32, #tpu.memory_space<vmem_shared>>
      tpu.wait_indirect_dma semaphore(%arg22 : memref<!tpu.dma_semaphore, #tpu.memory_space<semaphore_mem>>) src(%arg16 : memref<128xf32, #tpu.memory_space<vmem>>) dst(%dma_wait3A_387 : memref<10240xf32, #tpu.memory_space<vmem_shared>>)
      %dma_start3A_388 = arith.constant 9 : i32
      %dma_start3A_389 = arith.constant 0 : i32
      %dma_start3A_390 = tpu.memref_slice %arg13[%dma_start3A_388, %dma_start3A_389] : memref<16x128xi32, #tpu.memory_space<vmem>> -> memref<1x128xi32, #tpu.memory_space<vmem>>
      %dma_start3A_391 = tpu.memref_squeeze %dma_start3A_390 : memref<1x128xi32, #tpu.memory_space<vmem>> -> memref<128xi32, #tpu.memory_space<vmem>>
      %dma_start3A_392 = arith.constant 0 : i32
      %dma_start3A_393 = arith.constant 0 : i32
      %dma_start3A_394 = tpu.memref_slice %arg10[%dma_start3A_392, %dma_start3A_393] : memref<10240x128xf32, #tpu.memory_space<vmem_shared>> -> memref<10240x128xf32, #tpu.memory_space<vmem_shared>>
      tpu.enqueue_indirect_dma source(%arg15 : memref<128x128xf32, #tpu.memory_space<vmem>>) target(%dma_start3A_394 : memref<10240x128xf32, #tpu.memory_space<vmem_shared>>) offsets(%dma_start3A_391 : memref<128xi32, #tpu.memory_space<vmem>>) semaphore(%arg20 : memref<!tpu.dma_semaphore, #tpu.memory_space<semaphore_mem>>) {add = true}
      %dma_start3A_395 = arith.constant 9 : i32
      %dma_start3A_396 = arith.constant 0 : i32
      %dma_start3A_397 = tpu.memref_slice %arg12[%dma_start3A_395, %dma_start3A_396] : memref<16x128xi32, #tpu.memory_space<vmem>> -> memref<1x128xi32, #tpu.memory_space<vmem>>
      %dma_start3A_398 = tpu.memref_squeeze %dma_start3A_397 : memref<1x128xi32, #tpu.memory_space<vmem>> -> memref<128xi32, #tpu.memory_space<vmem>>
      %dma_start3A_399 = arith.constant 0 : i32
      %dma_start3A_400 = tpu.memref_slice %arg11[%dma_start3A_399] : memref<10240xf32, #tpu.memory_space<vmem_shared>> -> memref<10240xf32, #tpu.memory_space<vmem_shared>>
      tpu.enqueue_indirect_dma source(%arg16 : memref<128xf32, #tpu.memory_space<vmem>>) target(%dma_start3A_400 : memref<10240xf32, #tpu.memory_space<vmem_shared>>) offsets(%dma_start3A_398 : memref<128xi32, #tpu.memory_space<vmem>>) semaphore(%arg22 : memref<!tpu.dma_semaphore, #tpu.memory_space<semaphore_mem>>) {add = true}
      %dma_wait3A_401 = arith.constant 0 : i32
      %dma_wait3A_402 = arith.constant 0 : i32
      %dma_wait3A_403 = tpu.memref_slice %arg13[%dma_wait3A_401, %dma_wait3A_402] : memref<16x128xi32, #tpu.memory_space<vmem>> -> memref<1x128xi32, #tpu.memory_space<vmem>>
      %dma_wait3A_404 = tpu.memref_squeeze %dma_wait3A_403 : memref<1x128xi32, #tpu.memory_space<vmem>> -> memref<128xi32, #tpu.memory_space<vmem>>
      %dma_wait3A_405 = arith.constant 0 : i32
      %dma_wait3A_406 = arith.constant 0 : i32
      %dma_wait3A_407 = tpu.memref_slice %arg10[%dma_wait3A_405, %dma_wait3A_406] : memref<10240x128xf32, #tpu.memory_space<vmem_shared>> -> memref<10240x128xf32, #tpu.memory_space<vmem_shared>>
      tpu.wait_indirect_dma semaphore(%arg19 : memref<!tpu.dma_semaphore, #tpu.memory_space<semaphore_mem>>) src(%arg14 : memref<128x128xf32, #tpu.memory_space<vmem>>) dst(%dma_wait3A_407 : memref<10240x128xf32, #tpu.memory_space<vmem_shared>>)
      %dma_start3A_408 = arith.constant 10 : i32
      %dma_start3A_409 = arith.constant 0 : i32
      %dma_start3A_410 = tpu.memref_slice %arg12[%dma_start3A_408, %dma_start3A_409] : memref<16x128xi32, #tpu.memory_space<vmem>> -> memref<1x128xi32, #tpu.memory_space<vmem>>
      %dma_start3A_411 = tpu.memref_squeeze %dma_start3A_410 : memref<1x128xi32, #tpu.memory_space<vmem>> -> memref<128xi32, #tpu.memory_space<vmem>>
      %dma_start3A_412 = arith.constant 0 : i32
      %dma_start3A_413 = arith.constant 0 : i32
      %dma_start3A_414 = tpu.memref_slice %arg2[%dma_start3A_412, %dma_start3A_413] : memref<10240x128xf32, #tpu.memory_space<hbm>> -> memref<10240x128xf32, #tpu.memory_space<hbm>>
      tpu.enqueue_indirect_dma source(%dma_start3A_414 : memref<10240x128xf32, #tpu.memory_space<hbm>>) target(%arg14 : memref<128x128xf32, #tpu.memory_space<vmem>>) offsets(%dma_start3A_411 : memref<128xi32, #tpu.memory_space<vmem>>) semaphore(%arg17 : memref<!tpu.dma_semaphore, #tpu.memory_space<semaphore_mem>>)
      %dma_wait3A_415 = arith.constant 0 : i32
      %dma_wait3A_416 = arith.constant 0 : i32
      %dma_wait3A_417 = tpu.memref_slice %arg12[%dma_wait3A_415, %dma_wait3A_416] : memref<16x128xi32, #tpu.memory_space<vmem>> -> memref<1x128xi32, #tpu.memory_space<vmem>>
      %dma_wait3A_418 = tpu.memref_squeeze %dma_wait3A_417 : memref<1x128xi32, #tpu.memory_space<vmem>> -> memref<128xi32, #tpu.memory_space<vmem>>
      %dma_wait3A_419 = arith.constant 0 : i32
      %dma_wait3A_420 = arith.constant 0 : i32
      %dma_wait3A_421 = tpu.memref_slice %arg2[%dma_wait3A_419, %dma_wait3A_420] : memref<10240x128xf32, #tpu.memory_space<hbm>> -> memref<10240x128xf32, #tpu.memory_space<hbm>>
      tpu.wait_indirect_dma semaphore(%arg17 : memref<!tpu.dma_semaphore, #tpu.memory_space<semaphore_mem>>) src(%dma_wait3A_421 : memref<10240x128xf32, #tpu.memory_space<hbm>>) dst(%arg14 : memref<128x128xf32, #tpu.memory_space<vmem>>)
      %dma_wait3A_422 = arith.constant 0 : i32
      %dma_wait3A_423 = arith.constant 0 : i32
      %dma_wait3A_424 = tpu.memref_slice %arg12[%dma_wait3A_422, %dma_wait3A_423] : memref<16x128xi32, #tpu.memory_space<vmem>> -> memref<1x128xi32, #tpu.memory_space<vmem>>
      %dma_wait3A_425 = tpu.memref_squeeze %dma_wait3A_424 : memref<1x128xi32, #tpu.memory_space<vmem>> -> memref<128xi32, #tpu.memory_space<vmem>>
      %dma_wait3A_426 = arith.constant 0 : i32
      %dma_wait3A_427 = tpu.memref_slice %arg11[%dma_wait3A_426] : memref<10240xf32, #tpu.memory_space<vmem_shared>> -> memref<10240xf32, #tpu.memory_space<vmem_shared>>
      tpu.wait_indirect_dma semaphore(%arg21 : memref<!tpu.dma_semaphore, #tpu.memory_space<semaphore_mem>>) src(%arg16 : memref<128xf32, #tpu.memory_space<vmem>>) dst(%dma_wait3A_427 : memref<10240xf32, #tpu.memory_space<vmem_shared>>)
      %dma_start3A_428 = arith.constant 10 : i32
      %dma_start3A_429 = arith.constant 0 : i32
      %dma_start3A_430 = tpu.memref_slice %arg13[%dma_start3A_428, %dma_start3A_429] : memref<16x128xi32, #tpu.memory_space<vmem>> -> memref<1x128xi32, #tpu.memory_space<vmem>>
      %dma_start3A_431 = tpu.memref_squeeze %dma_start3A_430 : memref<1x128xi32, #tpu.memory_space<vmem>> -> memref<128xi32, #tpu.memory_space<vmem>>
      %dma_start3A_432 = arith.constant 0 : i32
      %dma_start3A_433 = arith.constant 0 : i32
      %dma_start3A_434 = tpu.memref_slice %arg10[%dma_start3A_432, %dma_start3A_433] : memref<10240x128xf32, #tpu.memory_space<vmem_shared>> -> memref<10240x128xf32, #tpu.memory_space<vmem_shared>>
      tpu.enqueue_indirect_dma source(%arg14 : memref<128x128xf32, #tpu.memory_space<vmem>>) target(%dma_start3A_434 : memref<10240x128xf32, #tpu.memory_space<vmem_shared>>) offsets(%dma_start3A_431 : memref<128xi32, #tpu.memory_space<vmem>>) semaphore(%arg19 : memref<!tpu.dma_semaphore, #tpu.memory_space<semaphore_mem>>) {add = true}
      %dma_start3A_435 = arith.constant 10 : i32
      %dma_start3A_436 = arith.constant 0 : i32
      %dma_start3A_437 = tpu.memref_slice %arg12[%dma_start3A_435, %dma_start3A_436] : memref<16x128xi32, #tpu.memory_space<vmem>> -> memref<1x128xi32, #tpu.memory_space<vmem>>
      %dma_start3A_438 = tpu.memref_squeeze %dma_start3A_437 : memref<1x128xi32, #tpu.memory_space<vmem>> -> memref<128xi32, #tpu.memory_space<vmem>>
      %dma_start3A_439 = arith.constant 0 : i32
      %dma_start3A_440 = tpu.memref_slice %arg11[%dma_start3A_439] : memref<10240xf32, #tpu.memory_space<vmem_shared>> -> memref<10240xf32, #tpu.memory_space<vmem_shared>>
      tpu.enqueue_indirect_dma source(%arg16 : memref<128xf32, #tpu.memory_space<vmem>>) target(%dma_start3A_440 : memref<10240xf32, #tpu.memory_space<vmem_shared>>) offsets(%dma_start3A_438 : memref<128xi32, #tpu.memory_space<vmem>>) semaphore(%arg21 : memref<!tpu.dma_semaphore, #tpu.memory_space<semaphore_mem>>) {add = true}
      %dma_wait3A_441 = arith.constant 0 : i32
      %dma_wait3A_442 = arith.constant 0 : i32
      %dma_wait3A_443 = tpu.memref_slice %arg13[%dma_wait3A_441, %dma_wait3A_442] : memref<16x128xi32, #tpu.memory_space<vmem>> -> memref<1x128xi32, #tpu.memory_space<vmem>>
      %dma_wait3A_444 = tpu.memref_squeeze %dma_wait3A_443 : memref<1x128xi32, #tpu.memory_space<vmem>> -> memref<128xi32, #tpu.memory_space<vmem>>
      %dma_wait3A_445 = arith.constant 0 : i32
      %dma_wait3A_446 = arith.constant 0 : i32
      %dma_wait3A_447 = tpu.memref_slice %arg10[%dma_wait3A_445, %dma_wait3A_446] : memref<10240x128xf32, #tpu.memory_space<vmem_shared>> -> memref<10240x128xf32, #tpu.memory_space<vmem_shared>>
      tpu.wait_indirect_dma semaphore(%arg20 : memref<!tpu.dma_semaphore, #tpu.memory_space<semaphore_mem>>) src(%arg15 : memref<128x128xf32, #tpu.memory_space<vmem>>) dst(%dma_wait3A_447 : memref<10240x128xf32, #tpu.memory_space<vmem_shared>>)
      %dma_start3A_448 = arith.constant 11 : i32
      %dma_start3A_449 = arith.constant 0 : i32
      %dma_start3A_450 = tpu.memref_slice %arg12[%dma_start3A_448, %dma_start3A_449] : memref<16x128xi32, #tpu.memory_space<vmem>> -> memref<1x128xi32, #tpu.memory_space<vmem>>
      %dma_start3A_451 = tpu.memref_squeeze %dma_start3A_450 : memref<1x128xi32, #tpu.memory_space<vmem>> -> memref<128xi32, #tpu.memory_space<vmem>>
      %dma_start3A_452 = arith.constant 0 : i32
      %dma_start3A_453 = arith.constant 0 : i32
      %dma_start3A_454 = tpu.memref_slice %arg2[%dma_start3A_452, %dma_start3A_453] : memref<10240x128xf32, #tpu.memory_space<hbm>> -> memref<10240x128xf32, #tpu.memory_space<hbm>>
      tpu.enqueue_indirect_dma source(%dma_start3A_454 : memref<10240x128xf32, #tpu.memory_space<hbm>>) target(%arg15 : memref<128x128xf32, #tpu.memory_space<vmem>>) offsets(%dma_start3A_451 : memref<128xi32, #tpu.memory_space<vmem>>) semaphore(%arg18 : memref<!tpu.dma_semaphore, #tpu.memory_space<semaphore_mem>>)
      %dma_wait3A_455 = arith.constant 0 : i32
      %dma_wait3A_456 = arith.constant 0 : i32
      %dma_wait3A_457 = tpu.memref_slice %arg12[%dma_wait3A_455, %dma_wait3A_456] : memref<16x128xi32, #tpu.memory_space<vmem>> -> memref<1x128xi32, #tpu.memory_space<vmem>>
      %dma_wait3A_458 = tpu.memref_squeeze %dma_wait3A_457 : memref<1x128xi32, #tpu.memory_space<vmem>> -> memref<128xi32, #tpu.memory_space<vmem>>
      %dma_wait3A_459 = arith.constant 0 : i32
      %dma_wait3A_460 = arith.constant 0 : i32
      %dma_wait3A_461 = tpu.memref_slice %arg2[%dma_wait3A_459, %dma_wait3A_460] : memref<10240x128xf32, #tpu.memory_space<hbm>> -> memref<10240x128xf32, #tpu.memory_space<hbm>>
      tpu.wait_indirect_dma semaphore(%arg18 : memref<!tpu.dma_semaphore, #tpu.memory_space<semaphore_mem>>) src(%dma_wait3A_461 : memref<10240x128xf32, #tpu.memory_space<hbm>>) dst(%arg15 : memref<128x128xf32, #tpu.memory_space<vmem>>)
      %dma_wait3A_462 = arith.constant 0 : i32
      %dma_wait3A_463 = arith.constant 0 : i32
      %dma_wait3A_464 = tpu.memref_slice %arg12[%dma_wait3A_462, %dma_wait3A_463] : memref<16x128xi32, #tpu.memory_space<vmem>> -> memref<1x128xi32, #tpu.memory_space<vmem>>
      %dma_wait3A_465 = tpu.memref_squeeze %dma_wait3A_464 : memref<1x128xi32, #tpu.memory_space<vmem>> -> memref<128xi32, #tpu.memory_space<vmem>>
      %dma_wait3A_466 = arith.constant 0 : i32
      %dma_wait3A_467 = tpu.memref_slice %arg11[%dma_wait3A_466] : memref<10240xf32, #tpu.memory_space<vmem_shared>> -> memref<10240xf32, #tpu.memory_space<vmem_shared>>
      tpu.wait_indirect_dma semaphore(%arg22 : memref<!tpu.dma_semaphore, #tpu.memory_space<semaphore_mem>>) src(%arg16 : memref<128xf32, #tpu.memory_space<vmem>>) dst(%dma_wait3A_467 : memref<10240xf32, #tpu.memory_space<vmem_shared>>)
      %dma_start3A_468 = arith.constant 11 : i32
      %dma_start3A_469 = arith.constant 0 : i32
      %dma_start3A_470 = tpu.memref_slice %arg13[%dma_start3A_468, %dma_start3A_469] : memref<16x128xi32, #tpu.memory_space<vmem>> -> memref<1x128xi32, #tpu.memory_space<vmem>>
      %dma_start3A_471 = tpu.memref_squeeze %dma_start3A_470 : memref<1x128xi32, #tpu.memory_space<vmem>> -> memref<128xi32, #tpu.memory_space<vmem>>
      %dma_start3A_472 = arith.constant 0 : i32
      %dma_start3A_473 = arith.constant 0 : i32
      %dma_start3A_474 = tpu.memref_slice %arg10[%dma_start3A_472, %dma_start3A_473] : memref<10240x128xf32, #tpu.memory_space<vmem_shared>> -> memref<10240x128xf32, #tpu.memory_space<vmem_shared>>
      tpu.enqueue_indirect_dma source(%arg15 : memref<128x128xf32, #tpu.memory_space<vmem>>) target(%dma_start3A_474 : memref<10240x128xf32, #tpu.memory_space<vmem_shared>>) offsets(%dma_start3A_471 : memref<128xi32, #tpu.memory_space<vmem>>) semaphore(%arg20 : memref<!tpu.dma_semaphore, #tpu.memory_space<semaphore_mem>>) {add = true}
      %dma_start3A_475 = arith.constant 11 : i32
      %dma_start3A_476 = arith.constant 0 : i32
      %dma_start3A_477 = tpu.memref_slice %arg12[%dma_start3A_475, %dma_start3A_476] : memref<16x128xi32, #tpu.memory_space<vmem>> -> memref<1x128xi32, #tpu.memory_space<vmem>>
      %dma_start3A_478 = tpu.memref_squeeze %dma_start3A_477 : memref<1x128xi32, #tpu.memory_space<vmem>> -> memref<128xi32, #tpu.memory_space<vmem>>
      %dma_start3A_479 = arith.constant 0 : i32
      %dma_start3A_480 = tpu.memref_slice %arg11[%dma_start3A_479] : memref<10240xf32, #tpu.memory_space<vmem_shared>> -> memref<10240xf32, #tpu.memory_space<vmem_shared>>
      tpu.enqueue_indirect_dma source(%arg16 : memref<128xf32, #tpu.memory_space<vmem>>) target(%dma_start3A_480 : memref<10240xf32, #tpu.memory_space<vmem_shared>>) offsets(%dma_start3A_478 : memref<128xi32, #tpu.memory_space<vmem>>) semaphore(%arg22 : memref<!tpu.dma_semaphore, #tpu.memory_space<semaphore_mem>>) {add = true}
      %dma_wait3A_481 = arith.constant 0 : i32
      %dma_wait3A_482 = arith.constant 0 : i32
      %dma_wait3A_483 = tpu.memref_slice %arg13[%dma_wait3A_481, %dma_wait3A_482] : memref<16x128xi32, #tpu.memory_space<vmem>> -> memref<1x128xi32, #tpu.memory_space<vmem>>
      %dma_wait3A_484 = tpu.memref_squeeze %dma_wait3A_483 : memref<1x128xi32, #tpu.memory_space<vmem>> -> memref<128xi32, #tpu.memory_space<vmem>>
      %dma_wait3A_485 = arith.constant 0 : i32
      %dma_wait3A_486 = arith.constant 0 : i32
      %dma_wait3A_487 = tpu.memref_slice %arg10[%dma_wait3A_485, %dma_wait3A_486] : memref<10240x128xf32, #tpu.memory_space<vmem_shared>> -> memref<10240x128xf32, #tpu.memory_space<vmem_shared>>
      tpu.wait_indirect_dma semaphore(%arg19 : memref<!tpu.dma_semaphore, #tpu.memory_space<semaphore_mem>>) src(%arg14 : memref<128x128xf32, #tpu.memory_space<vmem>>) dst(%dma_wait3A_487 : memref<10240x128xf32, #tpu.memory_space<vmem_shared>>)
      %dma_start3A_488 = arith.constant 12 : i32
      %dma_start3A_489 = arith.constant 0 : i32
      %dma_start3A_490 = tpu.memref_slice %arg12[%dma_start3A_488, %dma_start3A_489] : memref<16x128xi32, #tpu.memory_space<vmem>> -> memref<1x128xi32, #tpu.memory_space<vmem>>
      %dma_start3A_491 = tpu.memref_squeeze %dma_start3A_490 : memref<1x128xi32, #tpu.memory_space<vmem>> -> memref<128xi32, #tpu.memory_space<vmem>>
      %dma_start3A_492 = arith.constant 0 : i32
      %dma_start3A_493 = arith.constant 0 : i32
      %dma_start3A_494 = tpu.memref_slice %arg2[%dma_start3A_492, %dma_start3A_493] : memref<10240x128xf32, #tpu.memory_space<hbm>> -> memref<10240x128xf32, #tpu.memory_space<hbm>>
      tpu.enqueue_indirect_dma source(%dma_start3A_494 : memref<10240x128xf32, #tpu.memory_space<hbm>>) target(%arg14 : memref<128x128xf32, #tpu.memory_space<vmem>>) offsets(%dma_start3A_491 : memref<128xi32, #tpu.memory_space<vmem>>) semaphore(%arg17 : memref<!tpu.dma_semaphore, #tpu.memory_space<semaphore_mem>>)
      %dma_wait3A_495 = arith.constant 0 : i32
      %dma_wait3A_496 = arith.constant 0 : i32
      %dma_wait3A_497 = tpu.memref_slice %arg12[%dma_wait3A_495, %dma_wait3A_496] : memref<16x128xi32, #tpu.memory_space<vmem>> -> memref<1x128xi32, #tpu.memory_space<vmem>>
      %dma_wait3A_498 = tpu.memref_squeeze %dma_wait3A_497 : memref<1x128xi32, #tpu.memory_space<vmem>> -> memref<128xi32, #tpu.memory_space<vmem>>
      %dma_wait3A_499 = arith.constant 0 : i32
      %dma_wait3A_500 = arith.constant 0 : i32
      %dma_wait3A_501 = tpu.memref_slice %arg2[%dma_wait3A_499, %dma_wait3A_500] : memref<10240x128xf32, #tpu.memory_space<hbm>> -> memref<10240x128xf32, #tpu.memory_space<hbm>>
      tpu.wait_indirect_dma semaphore(%arg17 : memref<!tpu.dma_semaphore, #tpu.memory_space<semaphore_mem>>) src(%dma_wait3A_501 : memref<10240x128xf32, #tpu.memory_space<hbm>>) dst(%arg14 : memref<128x128xf32, #tpu.memory_space<vmem>>)
      %dma_wait3A_502 = arith.constant 0 : i32
      %dma_wait3A_503 = arith.constant 0 : i32
      %dma_wait3A_504 = tpu.memref_slice %arg12[%dma_wait3A_502, %dma_wait3A_503] : memref<16x128xi32, #tpu.memory_space<vmem>> -> memref<1x128xi32, #tpu.memory_space<vmem>>
      %dma_wait3A_505 = tpu.memref_squeeze %dma_wait3A_504 : memref<1x128xi32, #tpu.memory_space<vmem>> -> memref<128xi32, #tpu.memory_space<vmem>>
      %dma_wait3A_506 = arith.constant 0 : i32
      %dma_wait3A_507 = tpu.memref_slice %arg11[%dma_wait3A_506] : memref<10240xf32, #tpu.memory_space<vmem_shared>> -> memref<10240xf32, #tpu.memory_space<vmem_shared>>
      tpu.wait_indirect_dma semaphore(%arg21 : memref<!tpu.dma_semaphore, #tpu.memory_space<semaphore_mem>>) src(%arg16 : memref<128xf32, #tpu.memory_space<vmem>>) dst(%dma_wait3A_507 : memref<10240xf32, #tpu.memory_space<vmem_shared>>)
      %dma_start3A_508 = arith.constant 12 : i32
      %dma_start3A_509 = arith.constant 0 : i32
      %dma_start3A_510 = tpu.memref_slice %arg13[%dma_start3A_508, %dma_start3A_509] : memref<16x128xi32, #tpu.memory_space<vmem>> -> memref<1x128xi32, #tpu.memory_space<vmem>>
      %dma_start3A_511 = tpu.memref_squeeze %dma_start3A_510 : memref<1x128xi32, #tpu.memory_space<vmem>> -> memref<128xi32, #tpu.memory_space<vmem>>
      %dma_start3A_512 = arith.constant 0 : i32
      %dma_start3A_513 = arith.constant 0 : i32
      %dma_start3A_514 = tpu.memref_slice %arg10[%dma_start3A_512, %dma_start3A_513] : memref<10240x128xf32, #tpu.memory_space<vmem_shared>> -> memref<10240x128xf32, #tpu.memory_space<vmem_shared>>
      tpu.enqueue_indirect_dma source(%arg14 : memref<128x128xf32, #tpu.memory_space<vmem>>) target(%dma_start3A_514 : memref<10240x128xf32, #tpu.memory_space<vmem_shared>>) offsets(%dma_start3A_511 : memref<128xi32, #tpu.memory_space<vmem>>) semaphore(%arg19 : memref<!tpu.dma_semaphore, #tpu.memory_space<semaphore_mem>>) {add = true}
      %dma_start3A_515 = arith.constant 12 : i32
      %dma_start3A_516 = arith.constant 0 : i32
      %dma_start3A_517 = tpu.memref_slice %arg12[%dma_start3A_515, %dma_start3A_516] : memref<16x128xi32, #tpu.memory_space<vmem>> -> memref<1x128xi32, #tpu.memory_space<vmem>>
      %dma_start3A_518 = tpu.memref_squeeze %dma_start3A_517 : memref<1x128xi32, #tpu.memory_space<vmem>> -> memref<128xi32, #tpu.memory_space<vmem>>
      %dma_start3A_519 = arith.constant 0 : i32
      %dma_start3A_520 = tpu.memref_slice %arg11[%dma_start3A_519] : memref<10240xf32, #tpu.memory_space<vmem_shared>> -> memref<10240xf32, #tpu.memory_space<vmem_shared>>
      tpu.enqueue_indirect_dma source(%arg16 : memref<128xf32, #tpu.memory_space<vmem>>) target(%dma_start3A_520 : memref<10240xf32, #tpu.memory_space<vmem_shared>>) offsets(%dma_start3A_518 : memref<128xi32, #tpu.memory_space<vmem>>) semaphore(%arg21 : memref<!tpu.dma_semaphore, #tpu.memory_space<semaphore_mem>>) {add = true}
      %dma_wait3A_521 = arith.constant 0 : i32
      %dma_wait3A_522 = arith.constant 0 : i32
      %dma_wait3A_523 = tpu.memref_slice %arg13[%dma_wait3A_521, %dma_wait3A_522] : memref<16x128xi32, #tpu.memory_space<vmem>> -> memref<1x128xi32, #tpu.memory_space<vmem>>
      %dma_wait3A_524 = tpu.memref_squeeze %dma_wait3A_523 : memref<1x128xi32, #tpu.memory_space<vmem>> -> memref<128xi32, #tpu.memory_space<vmem>>
      %dma_wait3A_525 = arith.constant 0 : i32
      %dma_wait3A_526 = arith.constant 0 : i32
      %dma_wait3A_527 = tpu.memref_slice %arg10[%dma_wait3A_525, %dma_wait3A_526] : memref<10240x128xf32, #tpu.memory_space<vmem_shared>> -> memref<10240x128xf32, #tpu.memory_space<vmem_shared>>
      tpu.wait_indirect_dma semaphore(%arg20 : memref<!tpu.dma_semaphore, #tpu.memory_space<semaphore_mem>>) src(%arg15 : memref<128x128xf32, #tpu.memory_space<vmem>>) dst(%dma_wait3A_527 : memref<10240x128xf32, #tpu.memory_space<vmem_shared>>)
      %dma_start3A_528 = arith.constant 13 : i32
      %dma_start3A_529 = arith.constant 0 : i32
      %dma_start3A_530 = tpu.memref_slice %arg12[%dma_start3A_528, %dma_start3A_529] : memref<16x128xi32, #tpu.memory_space<vmem>> -> memref<1x128xi32, #tpu.memory_space<vmem>>
      %dma_start3A_531 = tpu.memref_squeeze %dma_start3A_530 : memref<1x128xi32, #tpu.memory_space<vmem>> -> memref<128xi32, #tpu.memory_space<vmem>>
      %dma_start3A_532 = arith.constant 0 : i32
      %dma_start3A_533 = arith.constant 0 : i32
      %dma_start3A_534 = tpu.memref_slice %arg2[%dma_start3A_532, %dma_start3A_533] : memref<10240x128xf32, #tpu.memory_space<hbm>> -> memref<10240x128xf32, #tpu.memory_space<hbm>>
      tpu.enqueue_indirect_dma source(%dma_start3A_534 : memref<10240x128xf32, #tpu.memory_space<hbm>>) target(%arg15 : memref<128x128xf32, #tpu.memory_space<vmem>>) offsets(%dma_start3A_531 : memref<128xi32, #tpu.memory_space<vmem>>) semaphore(%arg18 : memref<!tpu.dma_semaphore, #tpu.memory_space<semaphore_mem>>)
      %dma_wait3A_535 = arith.constant 0 : i32
      %dma_wait3A_536 = arith.constant 0 : i32
      %dma_wait3A_537 = tpu.memref_slice %arg12[%dma_wait3A_535, %dma_wait3A_536] : memref<16x128xi32, #tpu.memory_space<vmem>> -> memref<1x128xi32, #tpu.memory_space<vmem>>
      %dma_wait3A_538 = tpu.memref_squeeze %dma_wait3A_537 : memref<1x128xi32, #tpu.memory_space<vmem>> -> memref<128xi32, #tpu.memory_space<vmem>>
      %dma_wait3A_539 = arith.constant 0 : i32
      %dma_wait3A_540 = arith.constant 0 : i32
      %dma_wait3A_541 = tpu.memref_slice %arg2[%dma_wait3A_539, %dma_wait3A_540] : memref<10240x128xf32, #tpu.memory_space<hbm>> -> memref<10240x128xf32, #tpu.memory_space<hbm>>
      tpu.wait_indirect_dma semaphore(%arg18 : memref<!tpu.dma_semaphore, #tpu.memory_space<semaphore_mem>>) src(%dma_wait3A_541 : memref<10240x128xf32, #tpu.memory_space<hbm>>) dst(%arg15 : memref<128x128xf32, #tpu.memory_space<vmem>>)
      %dma_wait3A_542 = arith.constant 0 : i32
      %dma_wait3A_543 = arith.constant 0 : i32
      %dma_wait3A_544 = tpu.memref_slice %arg12[%dma_wait3A_542, %dma_wait3A_543] : memref<16x128xi32, #tpu.memory_space<vmem>> -> memref<1x128xi32, #tpu.memory_space<vmem>>
      %dma_wait3A_545 = tpu.memref_squeeze %dma_wait3A_544 : memref<1x128xi32, #tpu.memory_space<vmem>> -> memref<128xi32, #tpu.memory_space<vmem>>
      %dma_wait3A_546 = arith.constant 0 : i32
      %dma_wait3A_547 = tpu.memref_slice %arg11[%dma_wait3A_546] : memref<10240xf32, #tpu.memory_space<vmem_shared>> -> memref<10240xf32, #tpu.memory_space<vmem_shared>>
      tpu.wait_indirect_dma semaphore(%arg22 : memref<!tpu.dma_semaphore, #tpu.memory_space<semaphore_mem>>) src(%arg16 : memref<128xf32, #tpu.memory_space<vmem>>) dst(%dma_wait3A_547 : memref<10240xf32, #tpu.memory_space<vmem_shared>>)
      %dma_start3A_548 = arith.constant 13 : i32
      %dma_start3A_549 = arith.constant 0 : i32
      %dma_start3A_550 = tpu.memref_slice %arg13[%dma_start3A_548, %dma_start3A_549] : memref<16x128xi32, #tpu.memory_space<vmem>> -> memref<1x128xi32, #tpu.memory_space<vmem>>
      %dma_start3A_551 = tpu.memref_squeeze %dma_start3A_550 : memref<1x128xi32, #tpu.memory_space<vmem>> -> memref<128xi32, #tpu.memory_space<vmem>>
      %dma_start3A_552 = arith.constant 0 : i32
      %dma_start3A_553 = arith.constant 0 : i32
      %dma_start3A_554 = tpu.memref_slice %arg10[%dma_start3A_552, %dma_start3A_553] : memref<10240x128xf32, #tpu.memory_space<vmem_shared>> -> memref<10240x128xf32, #tpu.memory_space<vmem_shared>>
      tpu.enqueue_indirect_dma source(%arg15 : memref<128x128xf32, #tpu.memory_space<vmem>>) target(%dma_start3A_554 : memref<10240x128xf32, #tpu.memory_space<vmem_shared>>) offsets(%dma_start3A_551 : memref<128xi32, #tpu.memory_space<vmem>>) semaphore(%arg20 : memref<!tpu.dma_semaphore, #tpu.memory_space<semaphore_mem>>) {add = true}
      %dma_start3A_555 = arith.constant 13 : i32
      %dma_start3A_556 = arith.constant 0 : i32
      %dma_start3A_557 = tpu.memref_slice %arg12[%dma_start3A_555, %dma_start3A_556] : memref<16x128xi32, #tpu.memory_space<vmem>> -> memref<1x128xi32, #tpu.memory_space<vmem>>
      %dma_start3A_558 = tpu.memref_squeeze %dma_start3A_557 : memref<1x128xi32, #tpu.memory_space<vmem>> -> memref<128xi32, #tpu.memory_space<vmem>>
      %dma_start3A_559 = arith.constant 0 : i32
      %dma_start3A_560 = tpu.memref_slice %arg11[%dma_start3A_559] : memref<10240xf32, #tpu.memory_space<vmem_shared>> -> memref<10240xf32, #tpu.memory_space<vmem_shared>>
      tpu.enqueue_indirect_dma source(%arg16 : memref<128xf32, #tpu.memory_space<vmem>>) target(%dma_start3A_560 : memref<10240xf32, #tpu.memory_space<vmem_shared>>) offsets(%dma_start3A_558 : memref<128xi32, #tpu.memory_space<vmem>>) semaphore(%arg22 : memref<!tpu.dma_semaphore, #tpu.memory_space<semaphore_mem>>) {add = true}
      %dma_wait3A_561 = arith.constant 0 : i32
      %dma_wait3A_562 = arith.constant 0 : i32
      %dma_wait3A_563 = tpu.memref_slice %arg13[%dma_wait3A_561, %dma_wait3A_562] : memref<16x128xi32, #tpu.memory_space<vmem>> -> memref<1x128xi32, #tpu.memory_space<vmem>>
      %dma_wait3A_564 = tpu.memref_squeeze %dma_wait3A_563 : memref<1x128xi32, #tpu.memory_space<vmem>> -> memref<128xi32, #tpu.memory_space<vmem>>
      %dma_wait3A_565 = arith.constant 0 : i32
      %dma_wait3A_566 = arith.constant 0 : i32
      %dma_wait3A_567 = tpu.memref_slice %arg10[%dma_wait3A_565, %dma_wait3A_566] : memref<10240x128xf32, #tpu.memory_space<vmem_shared>> -> memref<10240x128xf32, #tpu.memory_space<vmem_shared>>
      tpu.wait_indirect_dma semaphore(%arg19 : memref<!tpu.dma_semaphore, #tpu.memory_space<semaphore_mem>>) src(%arg14 : memref<128x128xf32, #tpu.memory_space<vmem>>) dst(%dma_wait3A_567 : memref<10240x128xf32, #tpu.memory_space<vmem_shared>>)
      %dma_start3A_568 = arith.constant 14 : i32
      %dma_start3A_569 = arith.constant 0 : i32
      %dma_start3A_570 = tpu.memref_slice %arg12[%dma_start3A_568, %dma_start3A_569] : memref<16x128xi32, #tpu.memory_space<vmem>> -> memref<1x128xi32, #tpu.memory_space<vmem>>
      %dma_start3A_571 = tpu.memref_squeeze %dma_start3A_570 : memref<1x128xi32, #tpu.memory_space<vmem>> -> memref<128xi32, #tpu.memory_space<vmem>>
      %dma_start3A_572 = arith.constant 0 : i32
      %dma_start3A_573 = arith.constant 0 : i32
      %dma_start3A_574 = tpu.memref_slice %arg2[%dma_start3A_572, %dma_start3A_573] : memref<10240x128xf32, #tpu.memory_space<hbm>> -> memref<10240x128xf32, #tpu.memory_space<hbm>>
      tpu.enqueue_indirect_dma source(%dma_start3A_574 : memref<10240x128xf32, #tpu.memory_space<hbm>>) target(%arg14 : memref<128x128xf32, #tpu.memory_space<vmem>>) offsets(%dma_start3A_571 : memref<128xi32, #tpu.memory_space<vmem>>) semaphore(%arg17 : memref<!tpu.dma_semaphore, #tpu.memory_space<semaphore_mem>>)
      %dma_wait3A_575 = arith.constant 0 : i32
      %dma_wait3A_576 = arith.constant 0 : i32
      %dma_wait3A_577 = tpu.memref_slice %arg12[%dma_wait3A_575, %dma_wait3A_576] : memref<16x128xi32, #tpu.memory_space<vmem>> -> memref<1x128xi32, #tpu.memory_space<vmem>>
      %dma_wait3A_578 = tpu.memref_squeeze %dma_wait3A_577 : memref<1x128xi32, #tpu.memory_space<vmem>> -> memref<128xi32, #tpu.memory_space<vmem>>
      %dma_wait3A_579 = arith.constant 0 : i32
      %dma_wait3A_580 = arith.constant 0 : i32
      %dma_wait3A_581 = tpu.memref_slice %arg2[%dma_wait3A_579, %dma_wait3A_580] : memref<10240x128xf32, #tpu.memory_space<hbm>> -> memref<10240x128xf32, #tpu.memory_space<hbm>>
      tpu.wait_indirect_dma semaphore(%arg17 : memref<!tpu.dma_semaphore, #tpu.memory_space<semaphore_mem>>) src(%dma_wait3A_581 : memref<10240x128xf32, #tpu.memory_space<hbm>>) dst(%arg14 : memref<128x128xf32, #tpu.memory_space<vmem>>)
      %dma_wait3A_582 = arith.constant 0 : i32
      %dma_wait3A_583 = arith.constant 0 : i32
      %dma_wait3A_584 = tpu.memref_slice %arg12[%dma_wait3A_582, %dma_wait3A_583] : memref<16x128xi32, #tpu.memory_space<vmem>> -> memref<1x128xi32, #tpu.memory_space<vmem>>
      %dma_wait3A_585 = tpu.memref_squeeze %dma_wait3A_584 : memref<1x128xi32, #tpu.memory_space<vmem>> -> memref<128xi32, #tpu.memory_space<vmem>>
      %dma_wait3A_586 = arith.constant 0 : i32
      %dma_wait3A_587 = tpu.memref_slice %arg11[%dma_wait3A_586] : memref<10240xf32, #tpu.memory_space<vmem_shared>> -> memref<10240xf32, #tpu.memory_space<vmem_shared>>
      tpu.wait_indirect_dma semaphore(%arg21 : memref<!tpu.dma_semaphore, #tpu.memory_space<semaphore_mem>>) src(%arg16 : memref<128xf32, #tpu.memory_space<vmem>>) dst(%dma_wait3A_587 : memref<10240xf32, #tpu.memory_space<vmem_shared>>)
      %dma_start3A_588 = arith.constant 14 : i32
      %dma_start3A_589 = arith.constant 0 : i32
      %dma_start3A_590 = tpu.memref_slice %arg13[%dma_start3A_588, %dma_start3A_589] : memref<16x128xi32, #tpu.memory_space<vmem>> -> memref<1x128xi32, #tpu.memory_space<vmem>>
      %dma_start3A_591 = tpu.memref_squeeze %dma_start3A_590 : memref<1x128xi32, #tpu.memory_space<vmem>> -> memref<128xi32, #tpu.memory_space<vmem>>
      %dma_start3A_592 = arith.constant 0 : i32
      %dma_start3A_593 = arith.constant 0 : i32
      %dma_start3A_594 = tpu.memref_slice %arg10[%dma_start3A_592, %dma_start3A_593] : memref<10240x128xf32, #tpu.memory_space<vmem_shared>> -> memref<10240x128xf32, #tpu.memory_space<vmem_shared>>
      tpu.enqueue_indirect_dma source(%arg14 : memref<128x128xf32, #tpu.memory_space<vmem>>) target(%dma_start3A_594 : memref<10240x128xf32, #tpu.memory_space<vmem_shared>>) offsets(%dma_start3A_591 : memref<128xi32, #tpu.memory_space<vmem>>) semaphore(%arg19 : memref<!tpu.dma_semaphore, #tpu.memory_space<semaphore_mem>>) {add = true}
      %dma_start3A_595 = arith.constant 14 : i32
      %dma_start3A_596 = arith.constant 0 : i32
      %dma_start3A_597 = tpu.memref_slice %arg12[%dma_start3A_595, %dma_start3A_596] : memref<16x128xi32, #tpu.memory_space<vmem>> -> memref<1x128xi32, #tpu.memory_space<vmem>>
      %dma_start3A_598 = tpu.memref_squeeze %dma_start3A_597 : memref<1x128xi32, #tpu.memory_space<vmem>> -> memref<128xi32, #tpu.memory_space<vmem>>
      %dma_start3A_599 = arith.constant 0 : i32
      %dma_start3A_600 = tpu.memref_slice %arg11[%dma_start3A_599] : memref<10240xf32, #tpu.memory_space<vmem_shared>> -> memref<10240xf32, #tpu.memory_space<vmem_shared>>
      tpu.enqueue_indirect_dma source(%arg16 : memref<128xf32, #tpu.memory_space<vmem>>) target(%dma_start3A_600 : memref<10240xf32, #tpu.memory_space<vmem_shared>>) offsets(%dma_start3A_598 : memref<128xi32, #tpu.memory_space<vmem>>) semaphore(%arg21 : memref<!tpu.dma_semaphore, #tpu.memory_space<semaphore_mem>>) {add = true}
      %dma_wait3A_601 = arith.constant 0 : i32
      %dma_wait3A_602 = arith.constant 0 : i32
      %dma_wait3A_603 = tpu.memref_slice %arg13[%dma_wait3A_601, %dma_wait3A_602] : memref<16x128xi32, #tpu.memory_space<vmem>> -> memref<1x128xi32, #tpu.memory_space<vmem>>
      %dma_wait3A_604 = tpu.memref_squeeze %dma_wait3A_603 : memref<1x128xi32, #tpu.memory_space<vmem>> -> memref<128xi32, #tpu.memory_space<vmem>>
      %dma_wait3A_605 = arith.constant 0 : i32
      %dma_wait3A_606 = arith.constant 0 : i32
      %dma_wait3A_607 = tpu.memref_slice %arg10[%dma_wait3A_605, %dma_wait3A_606] : memref<10240x128xf32, #tpu.memory_space<vmem_shared>> -> memref<10240x128xf32, #tpu.memory_space<vmem_shared>>
      tpu.wait_indirect_dma semaphore(%arg20 : memref<!tpu.dma_semaphore, #tpu.memory_space<semaphore_mem>>) src(%arg15 : memref<128x128xf32, #tpu.memory_space<vmem>>) dst(%dma_wait3A_607 : memref<10240x128xf32, #tpu.memory_space<vmem_shared>>)
      %dma_start3A_608 = arith.constant 15 : i32
      %dma_start3A_609 = arith.constant 0 : i32
      %dma_start3A_610 = tpu.memref_slice %arg12[%dma_start3A_608, %dma_start3A_609] : memref<16x128xi32, #tpu.memory_space<vmem>> -> memref<1x128xi32, #tpu.memory_space<vmem>>
      %dma_start3A_611 = tpu.memref_squeeze %dma_start3A_610 : memref<1x128xi32, #tpu.memory_space<vmem>> -> memref<128xi32, #tpu.memory_space<vmem>>
      %dma_start3A_612 = arith.constant 0 : i32
      %dma_start3A_613 = arith.constant 0 : i32
      %dma_start3A_614 = tpu.memref_slice %arg2[%dma_start3A_612, %dma_start3A_613] : memref<10240x128xf32, #tpu.memory_space<hbm>> -> memref<10240x128xf32, #tpu.memory_space<hbm>>
      tpu.enqueue_indirect_dma source(%dma_start3A_614 : memref<10240x128xf32, #tpu.memory_space<hbm>>) target(%arg15 : memref<128x128xf32, #tpu.memory_space<vmem>>) offsets(%dma_start3A_611 : memref<128xi32, #tpu.memory_space<vmem>>) semaphore(%arg18 : memref<!tpu.dma_semaphore, #tpu.memory_space<semaphore_mem>>)
      %dma_wait3A_615 = arith.constant 0 : i32
      %dma_wait3A_616 = arith.constant 0 : i32
      %dma_wait3A_617 = tpu.memref_slice %arg12[%dma_wait3A_615, %dma_wait3A_616] : memref<16x128xi32, #tpu.memory_space<vmem>> -> memref<1x128xi32, #tpu.memory_space<vmem>>
      %dma_wait3A_618 = tpu.memref_squeeze %dma_wait3A_617 : memref<1x128xi32, #tpu.memory_space<vmem>> -> memref<128xi32, #tpu.memory_space<vmem>>
      %dma_wait3A_619 = arith.constant 0 : i32
      %dma_wait3A_620 = arith.constant 0 : i32
      %dma_wait3A_621 = tpu.memref_slice %arg2[%dma_wait3A_619, %dma_wait3A_620] : memref<10240x128xf32, #tpu.memory_space<hbm>> -> memref<10240x128xf32, #tpu.memory_space<hbm>>
      tpu.wait_indirect_dma semaphore(%arg18 : memref<!tpu.dma_semaphore, #tpu.memory_space<semaphore_mem>>) src(%dma_wait3A_621 : memref<10240x128xf32, #tpu.memory_space<hbm>>) dst(%arg15 : memref<128x128xf32, #tpu.memory_space<vmem>>)
      %dma_wait3A_622 = arith.constant 0 : i32
      %dma_wait3A_623 = arith.constant 0 : i32
      %dma_wait3A_624 = tpu.memref_slice %arg12[%dma_wait3A_622, %dma_wait3A_623] : memref<16x128xi32, #tpu.memory_space<vmem>> -> memref<1x128xi32, #tpu.memory_space<vmem>>
      %dma_wait3A_625 = tpu.memref_squeeze %dma_wait3A_624 : memref<1x128xi32, #tpu.memory_space<vmem>> -> memref<128xi32, #tpu.memory_space<vmem>>
      %dma_wait3A_626 = arith.constant 0 : i32
      %dma_wait3A_627 = tpu.memref_slice %arg11[%dma_wait3A_626] : memref<10240xf32, #tpu.memory_space<vmem_shared>> -> memref<10240xf32, #tpu.memory_space<vmem_shared>>
      tpu.wait_indirect_dma semaphore(%arg22 : memref<!tpu.dma_semaphore, #tpu.memory_space<semaphore_mem>>) src(%arg16 : memref<128xf32, #tpu.memory_space<vmem>>) dst(%dma_wait3A_627 : memref<10240xf32, #tpu.memory_space<vmem_shared>>)
      %dma_start3A_628 = arith.constant 15 : i32
      %dma_start3A_629 = arith.constant 0 : i32
      %dma_start3A_630 = tpu.memref_slice %arg13[%dma_start3A_628, %dma_start3A_629] : memref<16x128xi32, #tpu.memory_space<vmem>> -> memref<1x128xi32, #tpu.memory_space<vmem>>
      %dma_start3A_631 = tpu.memref_squeeze %dma_start3A_630 : memref<1x128xi32, #tpu.memory_space<vmem>> -> memref<128xi32, #tpu.memory_space<vmem>>
      %dma_start3A_632 = arith.constant 0 : i32
      %dma_start3A_633 = arith.constant 0 : i32
      %dma_start3A_634 = tpu.memref_slice %arg10[%dma_start3A_632, %dma_start3A_633] : memref<10240x128xf32, #tpu.memory_space<vmem_shared>> -> memref<10240x128xf32, #tpu.memory_space<vmem_shared>>
      tpu.enqueue_indirect_dma source(%arg15 : memref<128x128xf32, #tpu.memory_space<vmem>>) target(%dma_start3A_634 : memref<10240x128xf32, #tpu.memory_space<vmem_shared>>) offsets(%dma_start3A_631 : memref<128xi32, #tpu.memory_space<vmem>>) semaphore(%arg20 : memref<!tpu.dma_semaphore, #tpu.memory_space<semaphore_mem>>) {add = true}
      %dma_start3A_635 = arith.constant 15 : i32
      %dma_start3A_636 = arith.constant 0 : i32
      %dma_start3A_637 = tpu.memref_slice %arg12[%dma_start3A_635, %dma_start3A_636] : memref<16x128xi32, #tpu.memory_space<vmem>> -> memref<1x128xi32, #tpu.memory_space<vmem>>
      %dma_start3A_638 = tpu.memref_squeeze %dma_start3A_637 : memref<1x128xi32, #tpu.memory_space<vmem>> -> memref<128xi32, #tpu.memory_space<vmem>>
      %dma_start3A_639 = arith.constant 0 : i32
      %dma_start3A_640 = tpu.memref_slice %arg11[%dma_start3A_639] : memref<10240xf32, #tpu.memory_space<vmem_shared>> -> memref<10240xf32, #tpu.memory_space<vmem_shared>>
      tpu.enqueue_indirect_dma source(%arg16 : memref<128xf32, #tpu.memory_space<vmem>>) target(%dma_start3A_640 : memref<10240xf32, #tpu.memory_space<vmem_shared>>) offsets(%dma_start3A_638 : memref<128xi32, #tpu.memory_space<vmem>>) semaphore(%arg22 : memref<!tpu.dma_semaphore, #tpu.memory_space<semaphore_mem>>) {add = true}
      %dma_wait3A_641 = arith.constant 0 : i32
      %dma_wait3A_642 = arith.constant 0 : i32
      %dma_wait3A_643 = tpu.memref_slice %arg13[%dma_wait3A_641, %dma_wait3A_642] : memref<16x128xi32, #tpu.memory_space<vmem>> -> memref<1x128xi32, #tpu.memory_space<vmem>>
      %dma_wait3A_644 = tpu.memref_squeeze %dma_wait3A_643 : memref<1x128xi32, #tpu.memory_space<vmem>> -> memref<128xi32, #tpu.memory_space<vmem>>
      %dma_wait3A_645 = arith.constant 0 : i32
      %dma_wait3A_646 = arith.constant 0 : i32
      %dma_wait3A_647 = tpu.memref_slice %arg10[%dma_wait3A_645, %dma_wait3A_646] : memref<10240x128xf32, #tpu.memory_space<vmem_shared>> -> memref<10240x128xf32, #tpu.memory_space<vmem_shared>>
      tpu.wait_indirect_dma semaphore(%arg19 : memref<!tpu.dma_semaphore, #tpu.memory_space<semaphore_mem>>) src(%arg14 : memref<128x128xf32, #tpu.memory_space<vmem>>) dst(%dma_wait3A_647 : memref<10240x128xf32, #tpu.memory_space<vmem_shared>>)
      %dma_wait3A_648 = arith.constant 0 : i32
      %dma_wait3A_649 = arith.constant 0 : i32
      %dma_wait3A_650 = tpu.memref_slice %arg13[%dma_wait3A_648, %dma_wait3A_649] : memref<16x128xi32, #tpu.memory_space<vmem>> -> memref<1x128xi32, #tpu.memory_space<vmem>>
      %dma_wait3A_651 = tpu.memref_squeeze %dma_wait3A_650 : memref<1x128xi32, #tpu.memory_space<vmem>> -> memref<128xi32, #tpu.memory_space<vmem>>
      %dma_wait3A_652 = arith.constant 0 : i32
      %dma_wait3A_653 = arith.constant 0 : i32
      %dma_wait3A_654 = tpu.memref_slice %arg10[%dma_wait3A_652, %dma_wait3A_653] : memref<10240x128xf32, #tpu.memory_space<vmem_shared>> -> memref<10240x128xf32, #tpu.memory_space<vmem_shared>>
      tpu.wait_indirect_dma semaphore(%arg20 : memref<!tpu.dma_semaphore, #tpu.memory_space<semaphore_mem>>) src(%arg15 : memref<128x128xf32, #tpu.memory_space<vmem>>) dst(%dma_wait3A_654 : memref<10240x128xf32, #tpu.memory_space<vmem_shared>>)
      %dma_wait3A_655 = arith.constant 0 : i32
      %dma_wait3A_656 = arith.constant 0 : i32
      %dma_wait3A_657 = tpu.memref_slice %arg12[%dma_wait3A_655, %dma_wait3A_656] : memref<16x128xi32, #tpu.memory_space<vmem>> -> memref<1x128xi32, #tpu.memory_space<vmem>>
      %dma_wait3A_658 = tpu.memref_squeeze %dma_wait3A_657 : memref<1x128xi32, #tpu.memory_space<vmem>> -> memref<128xi32, #tpu.memory_space<vmem>>
      %dma_wait3A_659 = arith.constant 0 : i32
      %dma_wait3A_660 = tpu.memref_slice %arg11[%dma_wait3A_659] : memref<10240xf32, #tpu.memory_space<vmem_shared>> -> memref<10240xf32, #tpu.memory_space<vmem_shared>>
      tpu.wait_indirect_dma semaphore(%arg21 : memref<!tpu.dma_semaphore, #tpu.memory_space<semaphore_mem>>) src(%arg16 : memref<128xf32, #tpu.memory_space<vmem>>) dst(%dma_wait3A_660 : memref<10240xf32, #tpu.memory_space<vmem_shared>>)
      %dma_wait3A_661 = arith.constant 0 : i32
      %dma_wait3A_662 = arith.constant 0 : i32
      %dma_wait3A_663 = tpu.memref_slice %arg12[%dma_wait3A_661, %dma_wait3A_662] : memref<16x128xi32, #tpu.memory_space<vmem>> -> memref<1x128xi32, #tpu.memory_space<vmem>>
      %dma_wait3A_664 = tpu.memref_squeeze %dma_wait3A_663 : memref<1x128xi32, #tpu.memory_space<vmem>> -> memref<128xi32, #tpu.memory_space<vmem>>
      %dma_wait3A_665 = arith.constant 0 : i32
      %dma_wait3A_666 = tpu.memref_slice %arg11[%dma_wait3A_665] : memref<10240xf32, #tpu.memory_space<vmem_shared>> -> memref<10240xf32, #tpu.memory_space<vmem_shared>>
      tpu.wait_indirect_dma semaphore(%arg22 : memref<!tpu.dma_semaphore, #tpu.memory_space<semaphore_mem>>) src(%arg16 : memref<128xf32, #tpu.memory_space<vmem>>) dst(%dma_wait3A_666 : memref<10240xf32, #tpu.memory_space<vmem_shared>>)
    }
    %while3A_21 = arith.constant 1 : i32
    scf.for %while3A_25 = %while3A_19 to %while3A_15 step %while3A_21  : i32 {
      %add3A_26 = arith.addi %select_n3A_12, %while3A_25 : i32
      %mul3A_27 = arith.constant 16 : i32
      %mul3A_28 = arith.muli %add3A_26, %mul3A_27 : i32
      "tpu.region"() ({
        %run_scoped3A = tpu.sem_alloc : memref<!tpu.dma_semaphore, #tpu.memory_space<semaphore_mem>>
        %dma_start3A_667 = arith.constant 0 : i32
        %dma_start3A_668 = tpu.memref_slice %arg3[%mul3A_28, %dma_start3A_667] : memref<2560x128xi32, #tpu.memory_space<hbm>> -> memref<16x128xi32, #tpu.memory_space<hbm>>
        %dma_start3A_669 = arith.constant 0 : i32
        %dma_start3A_670 = tpu.memref_slice %arg3[%mul3A_28, %dma_start3A_669] : memref<2560x128xi32, #tpu.memory_space<hbm>> -> memref<16x128xi32, #tpu.memory_space<hbm>>
        tpu.enqueue_dma source(%dma_start3A_670 : memref<16x128xi32, #tpu.memory_space<hbm>>) target(%arg12 : memref<16x128xi32, #tpu.memory_space<vmem>>) target_semaphore(%run_scoped3A : memref<!tpu.dma_semaphore, #tpu.memory_space<semaphore_mem>>)
        %dma_wait3A_671 = arith.constant 0 : i32
        %dma_wait3A_672 = tpu.memref_slice %arg3[%mul3A_28, %dma_wait3A_671] : memref<2560x128xi32, #tpu.memory_space<hbm>> -> memref<16x128xi32, #tpu.memory_space<hbm>>
        %dma_wait3A_673 = arith.constant 0 : i32
        %dma_wait3A_674 = tpu.memref_slice %arg3[%mul3A_28, %dma_wait3A_673] : memref<2560x128xi32, #tpu.memory_space<hbm>> -> memref<16x128xi32, #tpu.memory_space<hbm>>
        tpu.wait_dma2 semaphore(%run_scoped3A : memref<!tpu.dma_semaphore, #tpu.memory_space<semaphore_mem>>) src(%dma_wait3A_674 : memref<16x128xi32, #tpu.memory_space<hbm>>) dst(%arg12 : memref<16x128xi32, #tpu.memory_space<vmem>>)
        tpu.yield
      }) : () -> ()
      "tpu.region"() ({
        %run_scoped3A = tpu.sem_alloc : memref<!tpu.dma_semaphore, #tpu.memory_space<semaphore_mem>>
        %dma_start3A_667 = arith.constant 0 : i32
        %dma_start3A_668 = tpu.memref_slice %arg4[%mul3A_28, %dma_start3A_667] : memref<2560x128xi32, #tpu.memory_space<hbm>> -> memref<16x128xi32, #tpu.memory_space<hbm>>
        %dma_start3A_669 = arith.constant 0 : i32
        %dma_start3A_670 = tpu.memref_slice %arg4[%mul3A_28, %dma_start3A_669] : memref<2560x128xi32, #tpu.memory_space<hbm>> -> memref<16x128xi32, #tpu.memory_space<hbm>>
        tpu.enqueue_dma source(%dma_start3A_670 : memref<16x128xi32, #tpu.memory_space<hbm>>) target(%arg13 : memref<16x128xi32, #tpu.memory_space<vmem>>) target_semaphore(%run_scoped3A : memref<!tpu.dma_semaphore, #tpu.memory_space<semaphore_mem>>)
        %dma_wait3A_671 = arith.constant 0 : i32
        %dma_wait3A_672 = tpu.memref_slice %arg4[%mul3A_28, %dma_wait3A_671] : memref<2560x128xi32, #tpu.memory_space<hbm>> -> memref<16x128xi32, #tpu.memory_space<hbm>>
        %dma_wait3A_673 = arith.constant 0 : i32
        %dma_wait3A_674 = tpu.memref_slice %arg4[%mul3A_28, %dma_wait3A_673] : memref<2560x128xi32, #tpu.memory_space<hbm>> -> memref<16x128xi32, #tpu.memory_space<hbm>>
        tpu.wait_dma2 semaphore(%run_scoped3A : memref<!tpu.dma_semaphore, #tpu.memory_space<semaphore_mem>>) src(%dma_wait3A_674 : memref<16x128xi32, #tpu.memory_space<hbm>>) dst(%arg13 : memref<16x128xi32, #tpu.memory_space<vmem>>)
        tpu.yield
      }) : () -> ()
      %dma_start3A = arith.constant 0 : i32
      %dma_start3A_29 = arith.constant 0 : i32
      %dma_start3A_30 = tpu.memref_slice %arg12[%dma_start3A, %dma_start3A_29] : memref<16x128xi32, #tpu.memory_space<vmem>> -> memref<1x128xi32, #tpu.memory_space<vmem>>
      %dma_start3A_31 = tpu.memref_squeeze %dma_start3A_30 : memref<1x128xi32, #tpu.memory_space<vmem>> -> memref<128xi32, #tpu.memory_space<vmem>>
      %dma_start3A_32 = arith.constant 0 : i32
      %dma_start3A_33 = arith.constant 0 : i32
      %dma_start3A_34 = tpu.memref_slice %arg2[%dma_start3A_32, %dma_start3A_33] : memref<10240x128xf32, #tpu.memory_space<hbm>> -> memref<10240x128xf32, #tpu.memory_space<hbm>>
      tpu.enqueue_indirect_dma source(%dma_start3A_34 : memref<10240x128xf32, #tpu.memory_space<hbm>>) target(%arg14 : memref<128x128xf32, #tpu.memory_space<vmem>>) offsets(%dma_start3A_31 : memref<128xi32, #tpu.memory_space<vmem>>) semaphore(%arg17 : memref<!tpu.dma_semaphore, #tpu.memory_space<semaphore_mem>>)
      %dma_wait3A = arith.constant 0 : i32
      %dma_wait3A_35 = arith.constant 0 : i32
      %dma_wait3A_36 = tpu.memref_slice %arg12[%dma_wait3A, %dma_wait3A_35] : memref<16x128xi32, #tpu.memory_space<vmem>> -> memref<1x128xi32, #tpu.memory_space<vmem>>
      %dma_wait3A_37 = tpu.memref_squeeze %dma_wait3A_36 : memref<1x128xi32, #tpu.memory_space<vmem>> -> memref<128xi32, #tpu.memory_space<vmem>>
      %dma_wait3A_38 = arith.constant 0 : i32
      %dma_wait3A_39 = arith.constant 0 : i32
      %dma_wait3A_40 = tpu.memref_slice %arg2[%dma_wait3A_38, %dma_wait3A_39] : memref<10240x128xf32, #tpu.memory_space<hbm>> -> memref<10240x128xf32, #tpu.memory_space<hbm>>
      tpu.wait_indirect_dma semaphore(%arg17 : memref<!tpu.dma_semaphore, #tpu.memory_space<semaphore_mem>>) src(%dma_wait3A_40 : memref<10240x128xf32, #tpu.memory_space<hbm>>) dst(%arg14 : memref<128x128xf32, #tpu.memory_space<vmem>>)
      %dma_start3A_41 = arith.constant 0 : i32
      %dma_start3A_42 = arith.constant 0 : i32
      %dma_start3A_43 = tpu.memref_slice %arg13[%dma_start3A_41, %dma_start3A_42] : memref<16x128xi32, #tpu.memory_space<vmem>> -> memref<1x128xi32, #tpu.memory_space<vmem>>
      %dma_start3A_44 = tpu.memref_squeeze %dma_start3A_43 : memref<1x128xi32, #tpu.memory_space<vmem>> -> memref<128xi32, #tpu.memory_space<vmem>>
      %dma_start3A_45 = arith.constant 0 : i32
      %dma_start3A_46 = arith.constant 0 : i32
      %dma_start3A_47 = tpu.memref_slice %arg10[%dma_start3A_45, %dma_start3A_46] : memref<10240x128xf32, #tpu.memory_space<vmem_shared>> -> memref<10240x128xf32, #tpu.memory_space<vmem_shared>>
      tpu.enqueue_indirect_dma source(%arg14 : memref<128x128xf32, #tpu.memory_space<vmem>>) target(%dma_start3A_47 : memref<10240x128xf32, #tpu.memory_space<vmem_shared>>) offsets(%dma_start3A_44 : memref<128xi32, #tpu.memory_space<vmem>>) semaphore(%arg19 : memref<!tpu.dma_semaphore, #tpu.memory_space<semaphore_mem>>) {add = true}
      %dma_start3A_48 = arith.constant 0 : i32
      %dma_start3A_49 = arith.constant 0 : i32
      %dma_start3A_50 = tpu.memref_slice %arg12[%dma_start3A_48, %dma_start3A_49] : memref<16x128xi32, #tpu.memory_space<vmem>> -> memref<1x128xi32, #tpu.memory_space<vmem>>
      %dma_start3A_51 = tpu.memref_squeeze %dma_start3A_50 : memref<1x128xi32, #tpu.memory_space<vmem>> -> memref<128xi32, #tpu.memory_space<vmem>>
      %dma_start3A_52 = arith.constant 0 : i32
      %dma_start3A_53 = tpu.memref_slice %arg11[%dma_start3A_52] : memref<10240xf32, #tpu.memory_space<vmem_shared>> -> memref<10240xf32, #tpu.memory_space<vmem_shared>>
      tpu.enqueue_indirect_dma source(%arg16 : memref<128xf32, #tpu.memory_space<vmem>>) target(%dma_start3A_53 : memref<10240xf32, #tpu.memory_space<vmem_shared>>) offsets(%dma_start3A_51 : memref<128xi32, #tpu.memory_space<vmem>>) semaphore(%arg21 : memref<!tpu.dma_semaphore, #tpu.memory_space<semaphore_mem>>) {add = true}
      %dma_start3A_54 = arith.constant 1 : i32
      %dma_start3A_55 = arith.constant 0 : i32
      %dma_start3A_56 = tpu.memref_slice %arg12[%dma_start3A_54, %dma_start3A_55] : memref<16x128xi32, #tpu.memory_space<vmem>> -> memref<1x128xi32, #tpu.memory_space<vmem>>
      %dma_start3A_57 = tpu.memref_squeeze %dma_start3A_56 : memref<1x128xi32, #tpu.memory_space<vmem>> -> memref<128xi32, #tpu.memory_space<vmem>>
      %dma_start3A_58 = arith.constant 0 : i32
      %dma_start3A_59 = arith.constant 0 : i32
      %dma_start3A_60 = tpu.memref_slice %arg2[%dma_start3A_58, %dma_start3A_59] : memref<10240x128xf32, #tpu.memory_space<hbm>> -> memref<10240x128xf32, #tpu.memory_space<hbm>>
      tpu.enqueue_indirect_dma source(%dma_start3A_60 : memref<10240x128xf32, #tpu.memory_space<hbm>>) target(%arg15 : memref<128x128xf32, #tpu.memory_space<vmem>>) offsets(%dma_start3A_57 : memref<128xi32, #tpu.memory_space<vmem>>) semaphore(%arg18 : memref<!tpu.dma_semaphore, #tpu.memory_space<semaphore_mem>>)
      %dma_wait3A_61 = arith.constant 0 : i32
      %dma_wait3A_62 = arith.constant 0 : i32
      %dma_wait3A_63 = tpu.memref_slice %arg12[%dma_wait3A_61, %dma_wait3A_62] : memref<16x128xi32, #tpu.memory_space<vmem>> -> memref<1x128xi32, #tpu.memory_space<vmem>>
      %dma_wait3A_64 = tpu.memref_squeeze %dma_wait3A_63 : memref<1x128xi32, #tpu.memory_space<vmem>> -> memref<128xi32, #tpu.memory_space<vmem>>
      %dma_wait3A_65 = arith.constant 0 : i32
      %dma_wait3A_66 = arith.constant 0 : i32
      %dma_wait3A_67 = tpu.memref_slice %arg2[%dma_wait3A_65, %dma_wait3A_66] : memref<10240x128xf32, #tpu.memory_space<hbm>> -> memref<10240x128xf32, #tpu.memory_space<hbm>>
      tpu.wait_indirect_dma semaphore(%arg18 : memref<!tpu.dma_semaphore, #tpu.memory_space<semaphore_mem>>) src(%dma_wait3A_67 : memref<10240x128xf32, #tpu.memory_space<hbm>>) dst(%arg15 : memref<128x128xf32, #tpu.memory_space<vmem>>)
      %dma_start3A_68 = arith.constant 1 : i32
      %dma_start3A_69 = arith.constant 0 : i32
      %dma_start3A_70 = tpu.memref_slice %arg13[%dma_start3A_68, %dma_start3A_69] : memref<16x128xi32, #tpu.memory_space<vmem>> -> memref<1x128xi32, #tpu.memory_space<vmem>>
      %dma_start3A_71 = tpu.memref_squeeze %dma_start3A_70 : memref<1x128xi32, #tpu.memory_space<vmem>> -> memref<128xi32, #tpu.memory_space<vmem>>
      %dma_start3A_72 = arith.constant 0 : i32
      %dma_start3A_73 = arith.constant 0 : i32
      %dma_start3A_74 = tpu.memref_slice %arg10[%dma_start3A_72, %dma_start3A_73] : memref<10240x128xf32, #tpu.memory_space<vmem_shared>> -> memref<10240x128xf32, #tpu.memory_space<vmem_shared>>
      tpu.enqueue_indirect_dma source(%arg15 : memref<128x128xf32, #tpu.memory_space<vmem>>) target(%dma_start3A_74 : memref<10240x128xf32, #tpu.memory_space<vmem_shared>>) offsets(%dma_start3A_71 : memref<128xi32, #tpu.memory_space<vmem>>) semaphore(%arg20 : memref<!tpu.dma_semaphore, #tpu.memory_space<semaphore_mem>>) {add = true}
      %dma_start3A_75 = arith.constant 1 : i32
      %dma_start3A_76 = arith.constant 0 : i32
      %dma_start3A_77 = tpu.memref_slice %arg12[%dma_start3A_75, %dma_start3A_76] : memref<16x128xi32, #tpu.memory_space<vmem>> -> memref<1x128xi32, #tpu.memory_space<vmem>>
      %dma_start3A_78 = tpu.memref_squeeze %dma_start3A_77 : memref<1x128xi32, #tpu.memory_space<vmem>> -> memref<128xi32, #tpu.memory_space<vmem>>
      %dma_start3A_79 = arith.constant 0 : i32
      %dma_start3A_80 = tpu.memref_slice %arg11[%dma_start3A_79] : memref<10240xf32, #tpu.memory_space<vmem_shared>> -> memref<10240xf32, #tpu.memory_space<vmem_shared>>
      tpu.enqueue_indirect_dma source(%arg16 : memref<128xf32, #tpu.memory_space<vmem>>) target(%dma_start3A_80 : memref<10240xf32, #tpu.memory_space<vmem_shared>>) offsets(%dma_start3A_78 : memref<128xi32, #tpu.memory_space<vmem>>) semaphore(%arg22 : memref<!tpu.dma_semaphore, #tpu.memory_space<semaphore_mem>>) {add = true}
      %dma_wait3A_81 = arith.constant 0 : i32
      %dma_wait3A_82 = arith.constant 0 : i32
      %dma_wait3A_83 = tpu.memref_slice %arg13[%dma_wait3A_81, %dma_wait3A_82] : memref<16x128xi32, #tpu.memory_space<vmem>> -> memref<1x128xi32, #tpu.memory_space<vmem>>
      %dma_wait3A_84 = tpu.memref_squeeze %dma_wait3A_83 : memref<1x128xi32, #tpu.memory_space<vmem>> -> memref<128xi32, #tpu.memory_space<vmem>>
      %dma_wait3A_85 = arith.constant 0 : i32
      %dma_wait3A_86 = arith.constant 0 : i32
      %dma_wait3A_87 = tpu.memref_slice %arg10[%dma_wait3A_85, %dma_wait3A_86] : memref<10240x128xf32, #tpu.memory_space<vmem_shared>> -> memref<10240x128xf32, #tpu.memory_space<vmem_shared>>
      tpu.wait_indirect_dma semaphore(%arg19 : memref<!tpu.dma_semaphore, #tpu.memory_space<semaphore_mem>>) src(%arg14 : memref<128x128xf32, #tpu.memory_space<vmem>>) dst(%dma_wait3A_87 : memref<10240x128xf32, #tpu.memory_space<vmem_shared>>)
      %dma_start3A_88 = arith.constant 2 : i32
      %dma_start3A_89 = arith.constant 0 : i32
      %dma_start3A_90 = tpu.memref_slice %arg12[%dma_start3A_88, %dma_start3A_89] : memref<16x128xi32, #tpu.memory_space<vmem>> -> memref<1x128xi32, #tpu.memory_space<vmem>>
      %dma_start3A_91 = tpu.memref_squeeze %dma_start3A_90 : memref<1x128xi32, #tpu.memory_space<vmem>> -> memref<128xi32, #tpu.memory_space<vmem>>
      %dma_start3A_92 = arith.constant 0 : i32
      %dma_start3A_93 = arith.constant 0 : i32
      %dma_start3A_94 = tpu.memref_slice %arg2[%dma_start3A_92, %dma_start3A_93] : memref<10240x128xf32, #tpu.memory_space<hbm>> -> memref<10240x128xf32, #tpu.memory_space<hbm>>
      tpu.enqueue_indirect_dma source(%dma_start3A_94 : memref<10240x128xf32, #tpu.memory_space<hbm>>) target(%arg14 : memref<128x128xf32, #tpu.memory_space<vmem>>) offsets(%dma_start3A_91 : memref<128xi32, #tpu.memory_space<vmem>>) semaphore(%arg17 : memref<!tpu.dma_semaphore, #tpu.memory_space<semaphore_mem>>)
      %dma_wait3A_95 = arith.constant 0 : i32
      %dma_wait3A_96 = arith.constant 0 : i32
      %dma_wait3A_97 = tpu.memref_slice %arg12[%dma_wait3A_95, %dma_wait3A_96] : memref<16x128xi32, #tpu.memory_space<vmem>> -> memref<1x128xi32, #tpu.memory_space<vmem>>
      %dma_wait3A_98 = tpu.memref_squeeze %dma_wait3A_97 : memref<1x128xi32, #tpu.memory_space<vmem>> -> memref<128xi32, #tpu.memory_space<vmem>>
      %dma_wait3A_99 = arith.constant 0 : i32
      %dma_wait3A_100 = arith.constant 0 : i32
      %dma_wait3A_101 = tpu.memref_slice %arg2[%dma_wait3A_99, %dma_wait3A_100] : memref<10240x128xf32, #tpu.memory_space<hbm>> -> memref<10240x128xf32, #tpu.memory_space<hbm>>
      tpu.wait_indirect_dma semaphore(%arg17 : memref<!tpu.dma_semaphore, #tpu.memory_space<semaphore_mem>>) src(%dma_wait3A_101 : memref<10240x128xf32, #tpu.memory_space<hbm>>) dst(%arg14 : memref<128x128xf32, #tpu.memory_space<vmem>>)
      %dma_wait3A_102 = arith.constant 0 : i32
      %dma_wait3A_103 = arith.constant 0 : i32
      %dma_wait3A_104 = tpu.memref_slice %arg12[%dma_wait3A_102, %dma_wait3A_103] : memref<16x128xi32, #tpu.memory_space<vmem>> -> memref<1x128xi32, #tpu.memory_space<vmem>>
      %dma_wait3A_105 = tpu.memref_squeeze %dma_wait3A_104 : memref<1x128xi32, #tpu.memory_space<vmem>> -> memref<128xi32, #tpu.memory_space<vmem>>
      %dma_wait3A_106 = arith.constant 0 : i32
      %dma_wait3A_107 = tpu.memref_slice %arg11[%dma_wait3A_106] : memref<10240xf32, #tpu.memory_space<vmem_shared>> -> memref<10240xf32, #tpu.memory_space<vmem_shared>>
      tpu.wait_indirect_dma semaphore(%arg21 : memref<!tpu.dma_semaphore, #tpu.memory_space<semaphore_mem>>) src(%arg16 : memref<128xf32, #tpu.memory_space<vmem>>) dst(%dma_wait3A_107 : memref<10240xf32, #tpu.memory_space<vmem_shared>>)
      %dma_start3A_108 = arith.constant 2 : i32
      %dma_start3A_109 = arith.constant 0 : i32
      %dma_start3A_110 = tpu.memref_slice %arg13[%dma_start3A_108, %dma_start3A_109] : memref<16x128xi32, #tpu.memory_space<vmem>> -> memref<1x128xi32, #tpu.memory_space<vmem>>
      %dma_start3A_111 = tpu.memref_squeeze %dma_start3A_110 : memref<1x128xi32, #tpu.memory_space<vmem>> -> memref<128xi32, #tpu.memory_space<vmem>>
      %dma_start3A_112 = arith.constant 0 : i32
      %dma_start3A_113 = arith.constant 0 : i32
      %dma_start3A_114 = tpu.memref_slice %arg10[%dma_start3A_112, %dma_start3A_113] : memref<10240x128xf32, #tpu.memory_space<vmem_shared>> -> memref<10240x128xf32, #tpu.memory_space<vmem_shared>>
      tpu.enqueue_indirect_dma source(%arg14 : memref<128x128xf32, #tpu.memory_space<vmem>>) target(%dma_start3A_114 : memref<10240x128xf32, #tpu.memory_space<vmem_shared>>) offsets(%dma_start3A_111 : memref<128xi32, #tpu.memory_space<vmem>>) semaphore(%arg19 : memref<!tpu.dma_semaphore, #tpu.memory_space<semaphore_mem>>) {add = true}
      %dma_start3A_115 = arith.constant 2 : i32
      %dma_start3A_116 = arith.constant 0 : i32
      %dma_start3A_117 = tpu.memref_slice %arg12[%dma_start3A_115, %dma_start3A_116] : memref<16x128xi32, #tpu.memory_space<vmem>> -> memref<1x128xi32, #tpu.memory_space<vmem>>
      %dma_start3A_118 = tpu.memref_squeeze %dma_start3A_117 : memref<1x128xi32, #tpu.memory_space<vmem>> -> memref<128xi32, #tpu.memory_space<vmem>>
      %dma_start3A_119 = arith.constant 0 : i32
      %dma_start3A_120 = tpu.memref_slice %arg11[%dma_start3A_119] : memref<10240xf32, #tpu.memory_space<vmem_shared>> -> memref<10240xf32, #tpu.memory_space<vmem_shared>>
      tpu.enqueue_indirect_dma source(%arg16 : memref<128xf32, #tpu.memory_space<vmem>>) target(%dma_start3A_120 : memref<10240xf32, #tpu.memory_space<vmem_shared>>) offsets(%dma_start3A_118 : memref<128xi32, #tpu.memory_space<vmem>>) semaphore(%arg21 : memref<!tpu.dma_semaphore, #tpu.memory_space<semaphore_mem>>) {add = true}
      %dma_wait3A_121 = arith.constant 0 : i32
      %dma_wait3A_122 = arith.constant 0 : i32
      %dma_wait3A_123 = tpu.memref_slice %arg13[%dma_wait3A_121, %dma_wait3A_122] : memref<16x128xi32, #tpu.memory_space<vmem>> -> memref<1x128xi32, #tpu.memory_space<vmem>>
      %dma_wait3A_124 = tpu.memref_squeeze %dma_wait3A_123 : memref<1x128xi32, #tpu.memory_space<vmem>> -> memref<128xi32, #tpu.memory_space<vmem>>
      %dma_wait3A_125 = arith.constant 0 : i32
      %dma_wait3A_126 = arith.constant 0 : i32
      %dma_wait3A_127 = tpu.memref_slice %arg10[%dma_wait3A_125, %dma_wait3A_126] : memref<10240x128xf32, #tpu.memory_space<vmem_shared>> -> memref<10240x128xf32, #tpu.memory_space<vmem_shared>>
      tpu.wait_indirect_dma semaphore(%arg20 : memref<!tpu.dma_semaphore, #tpu.memory_space<semaphore_mem>>) src(%arg15 : memref<128x128xf32, #tpu.memory_space<vmem>>) dst(%dma_wait3A_127 : memref<10240x128xf32, #tpu.memory_space<vmem_shared>>)
      %dma_start3A_128 = arith.constant 3 : i32
      %dma_start3A_129 = arith.constant 0 : i32
      %dma_start3A_130 = tpu.memref_slice %arg12[%dma_start3A_128, %dma_start3A_129] : memref<16x128xi32, #tpu.memory_space<vmem>> -> memref<1x128xi32, #tpu.memory_space<vmem>>
      %dma_start3A_131 = tpu.memref_squeeze %dma_start3A_130 : memref<1x128xi32, #tpu.memory_space<vmem>> -> memref<128xi32, #tpu.memory_space<vmem>>
      %dma_start3A_132 = arith.constant 0 : i32
      %dma_start3A_133 = arith.constant 0 : i32
      %dma_start3A_134 = tpu.memref_slice %arg2[%dma_start3A_132, %dma_start3A_133] : memref<10240x128xf32, #tpu.memory_space<hbm>> -> memref<10240x128xf32, #tpu.memory_space<hbm>>
      tpu.enqueue_indirect_dma source(%dma_start3A_134 : memref<10240x128xf32, #tpu.memory_space<hbm>>) target(%arg15 : memref<128x128xf32, #tpu.memory_space<vmem>>) offsets(%dma_start3A_131 : memref<128xi32, #tpu.memory_space<vmem>>) semaphore(%arg18 : memref<!tpu.dma_semaphore, #tpu.memory_space<semaphore_mem>>)
      %dma_wait3A_135 = arith.constant 0 : i32
      %dma_wait3A_136 = arith.constant 0 : i32
      %dma_wait3A_137 = tpu.memref_slice %arg12[%dma_wait3A_135, %dma_wait3A_136] : memref<16x128xi32, #tpu.memory_space<vmem>> -> memref<1x128xi32, #tpu.memory_space<vmem>>
      %dma_wait3A_138 = tpu.memref_squeeze %dma_wait3A_137 : memref<1x128xi32, #tpu.memory_space<vmem>> -> memref<128xi32, #tpu.memory_space<vmem>>
      %dma_wait3A_139 = arith.constant 0 : i32
      %dma_wait3A_140 = arith.constant 0 : i32
      %dma_wait3A_141 = tpu.memref_slice %arg2[%dma_wait3A_139, %dma_wait3A_140] : memref<10240x128xf32, #tpu.memory_space<hbm>> -> memref<10240x128xf32, #tpu.memory_space<hbm>>
      tpu.wait_indirect_dma semaphore(%arg18 : memref<!tpu.dma_semaphore, #tpu.memory_space<semaphore_mem>>) src(%dma_wait3A_141 : memref<10240x128xf32, #tpu.memory_space<hbm>>) dst(%arg15 : memref<128x128xf32, #tpu.memory_space<vmem>>)
      %dma_wait3A_142 = arith.constant 0 : i32
      %dma_wait3A_143 = arith.constant 0 : i32
      %dma_wait3A_144 = tpu.memref_slice %arg12[%dma_wait3A_142, %dma_wait3A_143] : memref<16x128xi32, #tpu.memory_space<vmem>> -> memref<1x128xi32, #tpu.memory_space<vmem>>
      %dma_wait3A_145 = tpu.memref_squeeze %dma_wait3A_144 : memref<1x128xi32, #tpu.memory_space<vmem>> -> memref<128xi32, #tpu.memory_space<vmem>>
      %dma_wait3A_146 = arith.constant 0 : i32
      %dma_wait3A_147 = tpu.memref_slice %arg11[%dma_wait3A_146] : memref<10240xf32, #tpu.memory_space<vmem_shared>> -> memref<10240xf32, #tpu.memory_space<vmem_shared>>
      tpu.wait_indirect_dma semaphore(%arg22 : memref<!tpu.dma_semaphore, #tpu.memory_space<semaphore_mem>>) src(%arg16 : memref<128xf32, #tpu.memory_space<vmem>>) dst(%dma_wait3A_147 : memref<10240xf32, #tpu.memory_space<vmem_shared>>)
      %dma_start3A_148 = arith.constant 3 : i32
      %dma_start3A_149 = arith.constant 0 : i32
      %dma_start3A_150 = tpu.memref_slice %arg13[%dma_start3A_148, %dma_start3A_149] : memref<16x128xi32, #tpu.memory_space<vmem>> -> memref<1x128xi32, #tpu.memory_space<vmem>>
      %dma_start3A_151 = tpu.memref_squeeze %dma_start3A_150 : memref<1x128xi32, #tpu.memory_space<vmem>> -> memref<128xi32, #tpu.memory_space<vmem>>
      %dma_start3A_152 = arith.constant 0 : i32
      %dma_start3A_153 = arith.constant 0 : i32
      %dma_start3A_154 = tpu.memref_slice %arg10[%dma_start3A_152, %dma_start3A_153] : memref<10240x128xf32, #tpu.memory_space<vmem_shared>> -> memref<10240x128xf32, #tpu.memory_space<vmem_shared>>
      tpu.enqueue_indirect_dma source(%arg15 : memref<128x128xf32, #tpu.memory_space<vmem>>) target(%dma_start3A_154 : memref<10240x128xf32, #tpu.memory_space<vmem_shared>>) offsets(%dma_start3A_151 : memref<128xi32, #tpu.memory_space<vmem>>) semaphore(%arg20 : memref<!tpu.dma_semaphore, #tpu.memory_space<semaphore_mem>>) {add = true}
      %dma_start3A_155 = arith.constant 3 : i32
      %dma_start3A_156 = arith.constant 0 : i32
      %dma_start3A_157 = tpu.memref_slice %arg12[%dma_start3A_155, %dma_start3A_156] : memref<16x128xi32, #tpu.memory_space<vmem>> -> memref<1x128xi32, #tpu.memory_space<vmem>>
      %dma_start3A_158 = tpu.memref_squeeze %dma_start3A_157 : memref<1x128xi32, #tpu.memory_space<vmem>> -> memref<128xi32, #tpu.memory_space<vmem>>
      %dma_start3A_159 = arith.constant 0 : i32
      %dma_start3A_160 = tpu.memref_slice %arg11[%dma_start3A_159] : memref<10240xf32, #tpu.memory_space<vmem_shared>> -> memref<10240xf32, #tpu.memory_space<vmem_shared>>
      tpu.enqueue_indirect_dma source(%arg16 : memref<128xf32, #tpu.memory_space<vmem>>) target(%dma_start3A_160 : memref<10240xf32, #tpu.memory_space<vmem_shared>>) offsets(%dma_start3A_158 : memref<128xi32, #tpu.memory_space<vmem>>) semaphore(%arg22 : memref<!tpu.dma_semaphore, #tpu.memory_space<semaphore_mem>>) {add = true}
      %dma_wait3A_161 = arith.constant 0 : i32
      %dma_wait3A_162 = arith.constant 0 : i32
      %dma_wait3A_163 = tpu.memref_slice %arg13[%dma_wait3A_161, %dma_wait3A_162] : memref<16x128xi32, #tpu.memory_space<vmem>> -> memref<1x128xi32, #tpu.memory_space<vmem>>
      %dma_wait3A_164 = tpu.memref_squeeze %dma_wait3A_163 : memref<1x128xi32, #tpu.memory_space<vmem>> -> memref<128xi32, #tpu.memory_space<vmem>>
      %dma_wait3A_165 = arith.constant 0 : i32
      %dma_wait3A_166 = arith.constant 0 : i32
      %dma_wait3A_167 = tpu.memref_slice %arg10[%dma_wait3A_165, %dma_wait3A_166] : memref<10240x128xf32, #tpu.memory_space<vmem_shared>> -> memref<10240x128xf32, #tpu.memory_space<vmem_shared>>
      tpu.wait_indirect_dma semaphore(%arg19 : memref<!tpu.dma_semaphore, #tpu.memory_space<semaphore_mem>>) src(%arg14 : memref<128x128xf32, #tpu.memory_space<vmem>>) dst(%dma_wait3A_167 : memref<10240x128xf32, #tpu.memory_space<vmem_shared>>)
      %dma_start3A_168 = arith.constant 4 : i32
      %dma_start3A_169 = arith.constant 0 : i32
      %dma_start3A_170 = tpu.memref_slice %arg12[%dma_start3A_168, %dma_start3A_169] : memref<16x128xi32, #tpu.memory_space<vmem>> -> memref<1x128xi32, #tpu.memory_space<vmem>>
      %dma_start3A_171 = tpu.memref_squeeze %dma_start3A_170 : memref<1x128xi32, #tpu.memory_space<vmem>> -> memref<128xi32, #tpu.memory_space<vmem>>
      %dma_start3A_172 = arith.constant 0 : i32
      %dma_start3A_173 = arith.constant 0 : i32
      %dma_start3A_174 = tpu.memref_slice %arg2[%dma_start3A_172, %dma_start3A_173] : memref<10240x128xf32, #tpu.memory_space<hbm>> -> memref<10240x128xf32, #tpu.memory_space<hbm>>
      tpu.enqueue_indirect_dma source(%dma_start3A_174 : memref<10240x128xf32, #tpu.memory_space<hbm>>) target(%arg14 : memref<128x128xf32, #tpu.memory_space<vmem>>) offsets(%dma_start3A_171 : memref<128xi32, #tpu.memory_space<vmem>>) semaphore(%arg17 : memref<!tpu.dma_semaphore, #tpu.memory_space<semaphore_mem>>)
      %dma_wait3A_175 = arith.constant 0 : i32
      %dma_wait3A_176 = arith.constant 0 : i32
      %dma_wait3A_177 = tpu.memref_slice %arg12[%dma_wait3A_175, %dma_wait3A_176] : memref<16x128xi32, #tpu.memory_space<vmem>> -> memref<1x128xi32, #tpu.memory_space<vmem>>
      %dma_wait3A_178 = tpu.memref_squeeze %dma_wait3A_177 : memref<1x128xi32, #tpu.memory_space<vmem>> -> memref<128xi32, #tpu.memory_space<vmem>>
      %dma_wait3A_179 = arith.constant 0 : i32
      %dma_wait3A_180 = arith.constant 0 : i32
      %dma_wait3A_181 = tpu.memref_slice %arg2[%dma_wait3A_179, %dma_wait3A_180] : memref<10240x128xf32, #tpu.memory_space<hbm>> -> memref<10240x128xf32, #tpu.memory_space<hbm>>
      tpu.wait_indirect_dma semaphore(%arg17 : memref<!tpu.dma_semaphore, #tpu.memory_space<semaphore_mem>>) src(%dma_wait3A_181 : memref<10240x128xf32, #tpu.memory_space<hbm>>) dst(%arg14 : memref<128x128xf32, #tpu.memory_space<vmem>>)
      %dma_wait3A_182 = arith.constant 0 : i32
      %dma_wait3A_183 = arith.constant 0 : i32
      %dma_wait3A_184 = tpu.memref_slice %arg12[%dma_wait3A_182, %dma_wait3A_183] : memref<16x128xi32, #tpu.memory_space<vmem>> -> memref<1x128xi32, #tpu.memory_space<vmem>>
      %dma_wait3A_185 = tpu.memref_squeeze %dma_wait3A_184 : memref<1x128xi32, #tpu.memory_space<vmem>> -> memref<128xi32, #tpu.memory_space<vmem>>
      %dma_wait3A_186 = arith.constant 0 : i32
      %dma_wait3A_187 = tpu.memref_slice %arg11[%dma_wait3A_186] : memref<10240xf32, #tpu.memory_space<vmem_shared>> -> memref<10240xf32, #tpu.memory_space<vmem_shared>>
      tpu.wait_indirect_dma semaphore(%arg21 : memref<!tpu.dma_semaphore, #tpu.memory_space<semaphore_mem>>) src(%arg16 : memref<128xf32, #tpu.memory_space<vmem>>) dst(%dma_wait3A_187 : memref<10240xf32, #tpu.memory_space<vmem_shared>>)
      %dma_start3A_188 = arith.constant 4 : i32
      %dma_start3A_189 = arith.constant 0 : i32
      %dma_start3A_190 = tpu.memref_slice %arg13[%dma_start3A_188, %dma_start3A_189] : memref<16x128xi32, #tpu.memory_space<vmem>> -> memref<1x128xi32, #tpu.memory_space<vmem>>
      %dma_start3A_191 = tpu.memref_squeeze %dma_start3A_190 : memref<1x128xi32, #tpu.memory_space<vmem>> -> memref<128xi32, #tpu.memory_space<vmem>>
      %dma_start3A_192 = arith.constant 0 : i32
      %dma_start3A_193 = arith.constant 0 : i32
      %dma_start3A_194 = tpu.memref_slice %arg10[%dma_start3A_192, %dma_start3A_193] : memref<10240x128xf32, #tpu.memory_space<vmem_shared>> -> memref<10240x128xf32, #tpu.memory_space<vmem_shared>>
      tpu.enqueue_indirect_dma source(%arg14 : memref<128x128xf32, #tpu.memory_space<vmem>>) target(%dma_start3A_194 : memref<10240x128xf32, #tpu.memory_space<vmem_shared>>) offsets(%dma_start3A_191 : memref<128xi32, #tpu.memory_space<vmem>>) semaphore(%arg19 : memref<!tpu.dma_semaphore, #tpu.memory_space<semaphore_mem>>) {add = true}
      %dma_start3A_195 = arith.constant 4 : i32
      %dma_start3A_196 = arith.constant 0 : i32
      %dma_start3A_197 = tpu.memref_slice %arg12[%dma_start3A_195, %dma_start3A_196] : memref<16x128xi32, #tpu.memory_space<vmem>> -> memref<1x128xi32, #tpu.memory_space<vmem>>
      %dma_start3A_198 = tpu.memref_squeeze %dma_start3A_197 : memref<1x128xi32, #tpu.memory_space<vmem>> -> memref<128xi32, #tpu.memory_space<vmem>>
      %dma_start3A_199 = arith.constant 0 : i32
      %dma_start3A_200 = tpu.memref_slice %arg11[%dma_start3A_199] : memref<10240xf32, #tpu.memory_space<vmem_shared>> -> memref<10240xf32, #tpu.memory_space<vmem_shared>>
      tpu.enqueue_indirect_dma source(%arg16 : memref<128xf32, #tpu.memory_space<vmem>>) target(%dma_start3A_200 : memref<10240xf32, #tpu.memory_space<vmem_shared>>) offsets(%dma_start3A_198 : memref<128xi32, #tpu.memory_space<vmem>>) semaphore(%arg21 : memref<!tpu.dma_semaphore, #tpu.memory_space<semaphore_mem>>) {add = true}
      %dma_wait3A_201 = arith.constant 0 : i32
      %dma_wait3A_202 = arith.constant 0 : i32
      %dma_wait3A_203 = tpu.memref_slice %arg13[%dma_wait3A_201, %dma_wait3A_202] : memref<16x128xi32, #tpu.memory_space<vmem>> -> memref<1x128xi32, #tpu.memory_space<vmem>>
      %dma_wait3A_204 = tpu.memref_squeeze %dma_wait3A_203 : memref<1x128xi32, #tpu.memory_space<vmem>> -> memref<128xi32, #tpu.memory_space<vmem>>
      %dma_wait3A_205 = arith.constant 0 : i32
      %dma_wait3A_206 = arith.constant 0 : i32
      %dma_wait3A_207 = tpu.memref_slice %arg10[%dma_wait3A_205, %dma_wait3A_206] : memref<10240x128xf32, #tpu.memory_space<vmem_shared>> -> memref<10240x128xf32, #tpu.memory_space<vmem_shared>>
      tpu.wait_indirect_dma semaphore(%arg20 : memref<!tpu.dma_semaphore, #tpu.memory_space<semaphore_mem>>) src(%arg15 : memref<128x128xf32, #tpu.memory_space<vmem>>) dst(%dma_wait3A_207 : memref<10240x128xf32, #tpu.memory_space<vmem_shared>>)
      %dma_start3A_208 = arith.constant 5 : i32
      %dma_start3A_209 = arith.constant 0 : i32
      %dma_start3A_210 = tpu.memref_slice %arg12[%dma_start3A_208, %dma_start3A_209] : memref<16x128xi32, #tpu.memory_space<vmem>> -> memref<1x128xi32, #tpu.memory_space<vmem>>
      %dma_start3A_211 = tpu.memref_squeeze %dma_start3A_210 : memref<1x128xi32, #tpu.memory_space<vmem>> -> memref<128xi32, #tpu.memory_space<vmem>>
      %dma_start3A_212 = arith.constant 0 : i32
      %dma_start3A_213 = arith.constant 0 : i32
      %dma_start3A_214 = tpu.memref_slice %arg2[%dma_start3A_212, %dma_start3A_213] : memref<10240x128xf32, #tpu.memory_space<hbm>> -> memref<10240x128xf32, #tpu.memory_space<hbm>>
      tpu.enqueue_indirect_dma source(%dma_start3A_214 : memref<10240x128xf32, #tpu.memory_space<hbm>>) target(%arg15 : memref<128x128xf32, #tpu.memory_space<vmem>>) offsets(%dma_start3A_211 : memref<128xi32, #tpu.memory_space<vmem>>) semaphore(%arg18 : memref<!tpu.dma_semaphore, #tpu.memory_space<semaphore_mem>>)
      %dma_wait3A_215 = arith.constant 0 : i32
      %dma_wait3A_216 = arith.constant 0 : i32
      %dma_wait3A_217 = tpu.memref_slice %arg12[%dma_wait3A_215, %dma_wait3A_216] : memref<16x128xi32, #tpu.memory_space<vmem>> -> memref<1x128xi32, #tpu.memory_space<vmem>>
      %dma_wait3A_218 = tpu.memref_squeeze %dma_wait3A_217 : memref<1x128xi32, #tpu.memory_space<vmem>> -> memref<128xi32, #tpu.memory_space<vmem>>
      %dma_wait3A_219 = arith.constant 0 : i32
      %dma_wait3A_220 = arith.constant 0 : i32
      %dma_wait3A_221 = tpu.memref_slice %arg2[%dma_wait3A_219, %dma_wait3A_220] : memref<10240x128xf32, #tpu.memory_space<hbm>> -> memref<10240x128xf32, #tpu.memory_space<hbm>>
      tpu.wait_indirect_dma semaphore(%arg18 : memref<!tpu.dma_semaphore, #tpu.memory_space<semaphore_mem>>) src(%dma_wait3A_221 : memref<10240x128xf32, #tpu.memory_space<hbm>>) dst(%arg15 : memref<128x128xf32, #tpu.memory_space<vmem>>)
      %dma_wait3A_222 = arith.constant 0 : i32
      %dma_wait3A_223 = arith.constant 0 : i32
      %dma_wait3A_224 = tpu.memref_slice %arg12[%dma_wait3A_222, %dma_wait3A_223] : memref<16x128xi32, #tpu.memory_space<vmem>> -> memref<1x128xi32, #tpu.memory_space<vmem>>
      %dma_wait3A_225 = tpu.memref_squeeze %dma_wait3A_224 : memref<1x128xi32, #tpu.memory_space<vmem>> -> memref<128xi32, #tpu.memory_space<vmem>>
      %dma_wait3A_226 = arith.constant 0 : i32
      %dma_wait3A_227 = tpu.memref_slice %arg11[%dma_wait3A_226] : memref<10240xf32, #tpu.memory_space<vmem_shared>> -> memref<10240xf32, #tpu.memory_space<vmem_shared>>
      tpu.wait_indirect_dma semaphore(%arg22 : memref<!tpu.dma_semaphore, #tpu.memory_space<semaphore_mem>>) src(%arg16 : memref<128xf32, #tpu.memory_space<vmem>>) dst(%dma_wait3A_227 : memref<10240xf32, #tpu.memory_space<vmem_shared>>)
      %dma_start3A_228 = arith.constant 5 : i32
      %dma_start3A_229 = arith.constant 0 : i32
      %dma_start3A_230 = tpu.memref_slice %arg13[%dma_start3A_228, %dma_start3A_229] : memref<16x128xi32, #tpu.memory_space<vmem>> -> memref<1x128xi32, #tpu.memory_space<vmem>>
      %dma_start3A_231 = tpu.memref_squeeze %dma_start3A_230 : memref<1x128xi32, #tpu.memory_space<vmem>> -> memref<128xi32, #tpu.memory_space<vmem>>
      %dma_start3A_232 = arith.constant 0 : i32
      %dma_start3A_233 = arith.constant 0 : i32
      %dma_start3A_234 = tpu.memref_slice %arg10[%dma_start3A_232, %dma_start3A_233] : memref<10240x128xf32, #tpu.memory_space<vmem_shared>> -> memref<10240x128xf32, #tpu.memory_space<vmem_shared>>
      tpu.enqueue_indirect_dma source(%arg15 : memref<128x128xf32, #tpu.memory_space<vmem>>) target(%dma_start3A_234 : memref<10240x128xf32, #tpu.memory_space<vmem_shared>>) offsets(%dma_start3A_231 : memref<128xi32, #tpu.memory_space<vmem>>) semaphore(%arg20 : memref<!tpu.dma_semaphore, #tpu.memory_space<semaphore_mem>>) {add = true}
      %dma_start3A_235 = arith.constant 5 : i32
      %dma_start3A_236 = arith.constant 0 : i32
      %dma_start3A_237 = tpu.memref_slice %arg12[%dma_start3A_235, %dma_start3A_236] : memref<16x128xi32, #tpu.memory_space<vmem>> -> memref<1x128xi32, #tpu.memory_space<vmem>>
      %dma_start3A_238 = tpu.memref_squeeze %dma_start3A_237 : memref<1x128xi32, #tpu.memory_space<vmem>> -> memref<128xi32, #tpu.memory_space<vmem>>
      %dma_start3A_239 = arith.constant 0 : i32
      %dma_start3A_240 = tpu.memref_slice %arg11[%dma_start3A_239] : memref<10240xf32, #tpu.memory_space<vmem_shared>> -> memref<10240xf32, #tpu.memory_space<vmem_shared>>
      tpu.enqueue_indirect_dma source(%arg16 : memref<128xf32, #tpu.memory_space<vmem>>) target(%dma_start3A_240 : memref<10240xf32, #tpu.memory_space<vmem_shared>>) offsets(%dma_start3A_238 : memref<128xi32, #tpu.memory_space<vmem>>) semaphore(%arg22 : memref<!tpu.dma_semaphore, #tpu.memory_space<semaphore_mem>>) {add = true}
      %dma_wait3A_241 = arith.constant 0 : i32
      %dma_wait3A_242 = arith.constant 0 : i32
      %dma_wait3A_243 = tpu.memref_slice %arg13[%dma_wait3A_241, %dma_wait3A_242] : memref<16x128xi32, #tpu.memory_space<vmem>> -> memref<1x128xi32, #tpu.memory_space<vmem>>
      %dma_wait3A_244 = tpu.memref_squeeze %dma_wait3A_243 : memref<1x128xi32, #tpu.memory_space<vmem>> -> memref<128xi32, #tpu.memory_space<vmem>>
      %dma_wait3A_245 = arith.constant 0 : i32
      %dma_wait3A_246 = arith.constant 0 : i32
      %dma_wait3A_247 = tpu.memref_slice %arg10[%dma_wait3A_245, %dma_wait3A_246] : memref<10240x128xf32, #tpu.memory_space<vmem_shared>> -> memref<10240x128xf32, #tpu.memory_space<vmem_shared>>
      tpu.wait_indirect_dma semaphore(%arg19 : memref<!tpu.dma_semaphore, #tpu.memory_space<semaphore_mem>>) src(%arg14 : memref<128x128xf32, #tpu.memory_space<vmem>>) dst(%dma_wait3A_247 : memref<10240x128xf32, #tpu.memory_space<vmem_shared>>)
      %dma_start3A_248 = arith.constant 6 : i32
      %dma_start3A_249 = arith.constant 0 : i32
      %dma_start3A_250 = tpu.memref_slice %arg12[%dma_start3A_248, %dma_start3A_249] : memref<16x128xi32, #tpu.memory_space<vmem>> -> memref<1x128xi32, #tpu.memory_space<vmem>>
      %dma_start3A_251 = tpu.memref_squeeze %dma_start3A_250 : memref<1x128xi32, #tpu.memory_space<vmem>> -> memref<128xi32, #tpu.memory_space<vmem>>
      %dma_start3A_252 = arith.constant 0 : i32
      %dma_start3A_253 = arith.constant 0 : i32
      %dma_start3A_254 = tpu.memref_slice %arg2[%dma_start3A_252, %dma_start3A_253] : memref<10240x128xf32, #tpu.memory_space<hbm>> -> memref<10240x128xf32, #tpu.memory_space<hbm>>
      tpu.enqueue_indirect_dma source(%dma_start3A_254 : memref<10240x128xf32, #tpu.memory_space<hbm>>) target(%arg14 : memref<128x128xf32, #tpu.memory_space<vmem>>) offsets(%dma_start3A_251 : memref<128xi32, #tpu.memory_space<vmem>>) semaphore(%arg17 : memref<!tpu.dma_semaphore, #tpu.memory_space<semaphore_mem>>)
      %dma_wait3A_255 = arith.constant 0 : i32
      %dma_wait3A_256 = arith.constant 0 : i32
      %dma_wait3A_257 = tpu.memref_slice %arg12[%dma_wait3A_255, %dma_wait3A_256] : memref<16x128xi32, #tpu.memory_space<vmem>> -> memref<1x128xi32, #tpu.memory_space<vmem>>
      %dma_wait3A_258 = tpu.memref_squeeze %dma_wait3A_257 : memref<1x128xi32, #tpu.memory_space<vmem>> -> memref<128xi32, #tpu.memory_space<vmem>>
      %dma_wait3A_259 = arith.constant 0 : i32
      %dma_wait3A_260 = arith.constant 0 : i32
      %dma_wait3A_261 = tpu.memref_slice %arg2[%dma_wait3A_259, %dma_wait3A_260] : memref<10240x128xf32, #tpu.memory_space<hbm>> -> memref<10240x128xf32, #tpu.memory_space<hbm>>
      tpu.wait_indirect_dma semaphore(%arg17 : memref<!tpu.dma_semaphore, #tpu.memory_space<semaphore_mem>>) src(%dma_wait3A_261 : memref<10240x128xf32, #tpu.memory_space<hbm>>) dst(%arg14 : memref<128x128xf32, #tpu.memory_space<vmem>>)
      %dma_wait3A_262 = arith.constant 0 : i32
      %dma_wait3A_263 = arith.constant 0 : i32
      %dma_wait3A_264 = tpu.memref_slice %arg12[%dma_wait3A_262, %dma_wait3A_263] : memref<16x128xi32, #tpu.memory_space<vmem>> -> memref<1x128xi32, #tpu.memory_space<vmem>>
      %dma_wait3A_265 = tpu.memref_squeeze %dma_wait3A_264 : memref<1x128xi32, #tpu.memory_space<vmem>> -> memref<128xi32, #tpu.memory_space<vmem>>
      %dma_wait3A_266 = arith.constant 0 : i32
      %dma_wait3A_267 = tpu.memref_slice %arg11[%dma_wait3A_266] : memref<10240xf32, #tpu.memory_space<vmem_shared>> -> memref<10240xf32, #tpu.memory_space<vmem_shared>>
      tpu.wait_indirect_dma semaphore(%arg21 : memref<!tpu.dma_semaphore, #tpu.memory_space<semaphore_mem>>) src(%arg16 : memref<128xf32, #tpu.memory_space<vmem>>) dst(%dma_wait3A_267 : memref<10240xf32, #tpu.memory_space<vmem_shared>>)
      %dma_start3A_268 = arith.constant 6 : i32
      %dma_start3A_269 = arith.constant 0 : i32
      %dma_start3A_270 = tpu.memref_slice %arg13[%dma_start3A_268, %dma_start3A_269] : memref<16x128xi32, #tpu.memory_space<vmem>> -> memref<1x128xi32, #tpu.memory_space<vmem>>
      %dma_start3A_271 = tpu.memref_squeeze %dma_start3A_270 : memref<1x128xi32, #tpu.memory_space<vmem>> -> memref<128xi32, #tpu.memory_space<vmem>>
      %dma_start3A_272 = arith.constant 0 : i32
      %dma_start3A_273 = arith.constant 0 : i32
      %dma_start3A_274 = tpu.memref_slice %arg10[%dma_start3A_272, %dma_start3A_273] : memref<10240x128xf32, #tpu.memory_space<vmem_shared>> -> memref<10240x128xf32, #tpu.memory_space<vmem_shared>>
      tpu.enqueue_indirect_dma source(%arg14 : memref<128x128xf32, #tpu.memory_space<vmem>>) target(%dma_start3A_274 : memref<10240x128xf32, #tpu.memory_space<vmem_shared>>) offsets(%dma_start3A_271 : memref<128xi32, #tpu.memory_space<vmem>>) semaphore(%arg19 : memref<!tpu.dma_semaphore, #tpu.memory_space<semaphore_mem>>) {add = true}
      %dma_start3A_275 = arith.constant 6 : i32
      %dma_start3A_276 = arith.constant 0 : i32
      %dma_start3A_277 = tpu.memref_slice %arg12[%dma_start3A_275, %dma_start3A_276] : memref<16x128xi32, #tpu.memory_space<vmem>> -> memref<1x128xi32, #tpu.memory_space<vmem>>
      %dma_start3A_278 = tpu.memref_squeeze %dma_start3A_277 : memref<1x128xi32, #tpu.memory_space<vmem>> -> memref<128xi32, #tpu.memory_space<vmem>>
      %dma_start3A_279 = arith.constant 0 : i32
      %dma_start3A_280 = tpu.memref_slice %arg11[%dma_start3A_279] : memref<10240xf32, #tpu.memory_space<vmem_shared>> -> memref<10240xf32, #tpu.memory_space<vmem_shared>>
      tpu.enqueue_indirect_dma source(%arg16 : memref<128xf32, #tpu.memory_space<vmem>>) target(%dma_start3A_280 : memref<10240xf32, #tpu.memory_space<vmem_shared>>) offsets(%dma_start3A_278 : memref<128xi32, #tpu.memory_space<vmem>>) semaphore(%arg21 : memref<!tpu.dma_semaphore, #tpu.memory_space<semaphore_mem>>) {add = true}
      %dma_wait3A_281 = arith.constant 0 : i32
      %dma_wait3A_282 = arith.constant 0 : i32
      %dma_wait3A_283 = tpu.memref_slice %arg13[%dma_wait3A_281, %dma_wait3A_282] : memref<16x128xi32, #tpu.memory_space<vmem>> -> memref<1x128xi32, #tpu.memory_space<vmem>>
      %dma_wait3A_284 = tpu.memref_squeeze %dma_wait3A_283 : memref<1x128xi32, #tpu.memory_space<vmem>> -> memref<128xi32, #tpu.memory_space<vmem>>
      %dma_wait3A_285 = arith.constant 0 : i32
      %dma_wait3A_286 = arith.constant 0 : i32
      %dma_wait3A_287 = tpu.memref_slice %arg10[%dma_wait3A_285, %dma_wait3A_286] : memref<10240x128xf32, #tpu.memory_space<vmem_shared>> -> memref<10240x128xf32, #tpu.memory_space<vmem_shared>>
      tpu.wait_indirect_dma semaphore(%arg20 : memref<!tpu.dma_semaphore, #tpu.memory_space<semaphore_mem>>) src(%arg15 : memref<128x128xf32, #tpu.memory_space<vmem>>) dst(%dma_wait3A_287 : memref<10240x128xf32, #tpu.memory_space<vmem_shared>>)
      %dma_start3A_288 = arith.constant 7 : i32
      %dma_start3A_289 = arith.constant 0 : i32
      %dma_start3A_290 = tpu.memref_slice %arg12[%dma_start3A_288, %dma_start3A_289] : memref<16x128xi32, #tpu.memory_space<vmem>> -> memref<1x128xi32, #tpu.memory_space<vmem>>
      %dma_start3A_291 = tpu.memref_squeeze %dma_start3A_290 : memref<1x128xi32, #tpu.memory_space<vmem>> -> memref<128xi32, #tpu.memory_space<vmem>>
      %dma_start3A_292 = arith.constant 0 : i32
      %dma_start3A_293 = arith.constant 0 : i32
      %dma_start3A_294 = tpu.memref_slice %arg2[%dma_start3A_292, %dma_start3A_293] : memref<10240x128xf32, #tpu.memory_space<hbm>> -> memref<10240x128xf32, #tpu.memory_space<hbm>>
      tpu.enqueue_indirect_dma source(%dma_start3A_294 : memref<10240x128xf32, #tpu.memory_space<hbm>>) target(%arg15 : memref<128x128xf32, #tpu.memory_space<vmem>>) offsets(%dma_start3A_291 : memref<128xi32, #tpu.memory_space<vmem>>) semaphore(%arg18 : memref<!tpu.dma_semaphore, #tpu.memory_space<semaphore_mem>>)
      %dma_wait3A_295 = arith.constant 0 : i32
      %dma_wait3A_296 = arith.constant 0 : i32
      %dma_wait3A_297 = tpu.memref_slice %arg12[%dma_wait3A_295, %dma_wait3A_296] : memref<16x128xi32, #tpu.memory_space<vmem>> -> memref<1x128xi32, #tpu.memory_space<vmem>>
      %dma_wait3A_298 = tpu.memref_squeeze %dma_wait3A_297 : memref<1x128xi32, #tpu.memory_space<vmem>> -> memref<128xi32, #tpu.memory_space<vmem>>
      %dma_wait3A_299 = arith.constant 0 : i32
      %dma_wait3A_300 = arith.constant 0 : i32
      %dma_wait3A_301 = tpu.memref_slice %arg2[%dma_wait3A_299, %dma_wait3A_300] : memref<10240x128xf32, #tpu.memory_space<hbm>> -> memref<10240x128xf32, #tpu.memory_space<hbm>>
      tpu.wait_indirect_dma semaphore(%arg18 : memref<!tpu.dma_semaphore, #tpu.memory_space<semaphore_mem>>) src(%dma_wait3A_301 : memref<10240x128xf32, #tpu.memory_space<hbm>>) dst(%arg15 : memref<128x128xf32, #tpu.memory_space<vmem>>)
      %dma_wait3A_302 = arith.constant 0 : i32
      %dma_wait3A_303 = arith.constant 0 : i32
      %dma_wait3A_304 = tpu.memref_slice %arg12[%dma_wait3A_302, %dma_wait3A_303] : memref<16x128xi32, #tpu.memory_space<vmem>> -> memref<1x128xi32, #tpu.memory_space<vmem>>
      %dma_wait3A_305 = tpu.memref_squeeze %dma_wait3A_304 : memref<1x128xi32, #tpu.memory_space<vmem>> -> memref<128xi32, #tpu.memory_space<vmem>>
      %dma_wait3A_306 = arith.constant 0 : i32
      %dma_wait3A_307 = tpu.memref_slice %arg11[%dma_wait3A_306] : memref<10240xf32, #tpu.memory_space<vmem_shared>> -> memref<10240xf32, #tpu.memory_space<vmem_shared>>
      tpu.wait_indirect_dma semaphore(%arg22 : memref<!tpu.dma_semaphore, #tpu.memory_space<semaphore_mem>>) src(%arg16 : memref<128xf32, #tpu.memory_space<vmem>>) dst(%dma_wait3A_307 : memref<10240xf32, #tpu.memory_space<vmem_shared>>)
      %dma_start3A_308 = arith.constant 7 : i32
      %dma_start3A_309 = arith.constant 0 : i32
      %dma_start3A_310 = tpu.memref_slice %arg13[%dma_start3A_308, %dma_start3A_309] : memref<16x128xi32, #tpu.memory_space<vmem>> -> memref<1x128xi32, #tpu.memory_space<vmem>>
      %dma_start3A_311 = tpu.memref_squeeze %dma_start3A_310 : memref<1x128xi32, #tpu.memory_space<vmem>> -> memref<128xi32, #tpu.memory_space<vmem>>
      %dma_start3A_312 = arith.constant 0 : i32
      %dma_start3A_313 = arith.constant 0 : i32
      %dma_start3A_314 = tpu.memref_slice %arg10[%dma_start3A_312, %dma_start3A_313] : memref<10240x128xf32, #tpu.memory_space<vmem_shared>> -> memref<10240x128xf32, #tpu.memory_space<vmem_shared>>
      tpu.enqueue_indirect_dma source(%arg15 : memref<128x128xf32, #tpu.memory_space<vmem>>) target(%dma_start3A_314 : memref<10240x128xf32, #tpu.memory_space<vmem_shared>>) offsets(%dma_start3A_311 : memref<128xi32, #tpu.memory_space<vmem>>) semaphore(%arg20 : memref<!tpu.dma_semaphore, #tpu.memory_space<semaphore_mem>>) {add = true}
      %dma_start3A_315 = arith.constant 7 : i32
      %dma_start3A_316 = arith.constant 0 : i32
      %dma_start3A_317 = tpu.memref_slice %arg12[%dma_start3A_315, %dma_start3A_316] : memref<16x128xi32, #tpu.memory_space<vmem>> -> memref<1x128xi32, #tpu.memory_space<vmem>>
      %dma_start3A_318 = tpu.memref_squeeze %dma_start3A_317 : memref<1x128xi32, #tpu.memory_space<vmem>> -> memref<128xi32, #tpu.memory_space<vmem>>
      %dma_start3A_319 = arith.constant 0 : i32
      %dma_start3A_320 = tpu.memref_slice %arg11[%dma_start3A_319] : memref<10240xf32, #tpu.memory_space<vmem_shared>> -> memref<10240xf32, #tpu.memory_space<vmem_shared>>
      tpu.enqueue_indirect_dma source(%arg16 : memref<128xf32, #tpu.memory_space<vmem>>) target(%dma_start3A_320 : memref<10240xf32, #tpu.memory_space<vmem_shared>>) offsets(%dma_start3A_318 : memref<128xi32, #tpu.memory_space<vmem>>) semaphore(%arg22 : memref<!tpu.dma_semaphore, #tpu.memory_space<semaphore_mem>>) {add = true}
      %dma_wait3A_321 = arith.constant 0 : i32
      %dma_wait3A_322 = arith.constant 0 : i32
      %dma_wait3A_323 = tpu.memref_slice %arg13[%dma_wait3A_321, %dma_wait3A_322] : memref<16x128xi32, #tpu.memory_space<vmem>> -> memref<1x128xi32, #tpu.memory_space<vmem>>
      %dma_wait3A_324 = tpu.memref_squeeze %dma_wait3A_323 : memref<1x128xi32, #tpu.memory_space<vmem>> -> memref<128xi32, #tpu.memory_space<vmem>>
      %dma_wait3A_325 = arith.constant 0 : i32
      %dma_wait3A_326 = arith.constant 0 : i32
      %dma_wait3A_327 = tpu.memref_slice %arg10[%dma_wait3A_325, %dma_wait3A_326] : memref<10240x128xf32, #tpu.memory_space<vmem_shared>> -> memref<10240x128xf32, #tpu.memory_space<vmem_shared>>
      tpu.wait_indirect_dma semaphore(%arg19 : memref<!tpu.dma_semaphore, #tpu.memory_space<semaphore_mem>>) src(%arg14 : memref<128x128xf32, #tpu.memory_space<vmem>>) dst(%dma_wait3A_327 : memref<10240x128xf32, #tpu.memory_space<vmem_shared>>)
      %dma_start3A_328 = arith.constant 8 : i32
      %dma_start3A_329 = arith.constant 0 : i32
      %dma_start3A_330 = tpu.memref_slice %arg12[%dma_start3A_328, %dma_start3A_329] : memref<16x128xi32, #tpu.memory_space<vmem>> -> memref<1x128xi32, #tpu.memory_space<vmem>>
      %dma_start3A_331 = tpu.memref_squeeze %dma_start3A_330 : memref<1x128xi32, #tpu.memory_space<vmem>> -> memref<128xi32, #tpu.memory_space<vmem>>
      %dma_start3A_332 = arith.constant 0 : i32
      %dma_start3A_333 = arith.constant 0 : i32
      %dma_start3A_334 = tpu.memref_slice %arg2[%dma_start3A_332, %dma_start3A_333] : memref<10240x128xf32, #tpu.memory_space<hbm>> -> memref<10240x128xf32, #tpu.memory_space<hbm>>
      tpu.enqueue_indirect_dma source(%dma_start3A_334 : memref<10240x128xf32, #tpu.memory_space<hbm>>) target(%arg14 : memref<128x128xf32, #tpu.memory_space<vmem>>) offsets(%dma_start3A_331 : memref<128xi32, #tpu.memory_space<vmem>>) semaphore(%arg17 : memref<!tpu.dma_semaphore, #tpu.memory_space<semaphore_mem>>)
      %dma_wait3A_335 = arith.constant 0 : i32
      %dma_wait3A_336 = arith.constant 0 : i32
      %dma_wait3A_337 = tpu.memref_slice %arg12[%dma_wait3A_335, %dma_wait3A_336] : memref<16x128xi32, #tpu.memory_space<vmem>> -> memref<1x128xi32, #tpu.memory_space<vmem>>
      %dma_wait3A_338 = tpu.memref_squeeze %dma_wait3A_337 : memref<1x128xi32, #tpu.memory_space<vmem>> -> memref<128xi32, #tpu.memory_space<vmem>>
      %dma_wait3A_339 = arith.constant 0 : i32
      %dma_wait3A_340 = arith.constant 0 : i32
      %dma_wait3A_341 = tpu.memref_slice %arg2[%dma_wait3A_339, %dma_wait3A_340] : memref<10240x128xf32, #tpu.memory_space<hbm>> -> memref<10240x128xf32, #tpu.memory_space<hbm>>
      tpu.wait_indirect_dma semaphore(%arg17 : memref<!tpu.dma_semaphore, #tpu.memory_space<semaphore_mem>>) src(%dma_wait3A_341 : memref<10240x128xf32, #tpu.memory_space<hbm>>) dst(%arg14 : memref<128x128xf32, #tpu.memory_space<vmem>>)
      %dma_wait3A_342 = arith.constant 0 : i32
      %dma_wait3A_343 = arith.constant 0 : i32
      %dma_wait3A_344 = tpu.memref_slice %arg12[%dma_wait3A_342, %dma_wait3A_343] : memref<16x128xi32, #tpu.memory_space<vmem>> -> memref<1x128xi32, #tpu.memory_space<vmem>>
      %dma_wait3A_345 = tpu.memref_squeeze %dma_wait3A_344 : memref<1x128xi32, #tpu.memory_space<vmem>> -> memref<128xi32, #tpu.memory_space<vmem>>
      %dma_wait3A_346 = arith.constant 0 : i32
      %dma_wait3A_347 = tpu.memref_slice %arg11[%dma_wait3A_346] : memref<10240xf32, #tpu.memory_space<vmem_shared>> -> memref<10240xf32, #tpu.memory_space<vmem_shared>>
      tpu.wait_indirect_dma semaphore(%arg21 : memref<!tpu.dma_semaphore, #tpu.memory_space<semaphore_mem>>) src(%arg16 : memref<128xf32, #tpu.memory_space<vmem>>) dst(%dma_wait3A_347 : memref<10240xf32, #tpu.memory_space<vmem_shared>>)
      %dma_start3A_348 = arith.constant 8 : i32
      %dma_start3A_349 = arith.constant 0 : i32
      %dma_start3A_350 = tpu.memref_slice %arg13[%dma_start3A_348, %dma_start3A_349] : memref<16x128xi32, #tpu.memory_space<vmem>> -> memref<1x128xi32, #tpu.memory_space<vmem>>
      %dma_start3A_351 = tpu.memref_squeeze %dma_start3A_350 : memref<1x128xi32, #tpu.memory_space<vmem>> -> memref<128xi32, #tpu.memory_space<vmem>>
      %dma_start3A_352 = arith.constant 0 : i32
      %dma_start3A_353 = arith.constant 0 : i32
      %dma_start3A_354 = tpu.memref_slice %arg10[%dma_start3A_352, %dma_start3A_353] : memref<10240x128xf32, #tpu.memory_space<vmem_shared>> -> memref<10240x128xf32, #tpu.memory_space<vmem_shared>>
      tpu.enqueue_indirect_dma source(%arg14 : memref<128x128xf32, #tpu.memory_space<vmem>>) target(%dma_start3A_354 : memref<10240x128xf32, #tpu.memory_space<vmem_shared>>) offsets(%dma_start3A_351 : memref<128xi32, #tpu.memory_space<vmem>>) semaphore(%arg19 : memref<!tpu.dma_semaphore, #tpu.memory_space<semaphore_mem>>) {add = true}
      %dma_start3A_355 = arith.constant 8 : i32
      %dma_start3A_356 = arith.constant 0 : i32
      %dma_start3A_357 = tpu.memref_slice %arg12[%dma_start3A_355, %dma_start3A_356] : memref<16x128xi32, #tpu.memory_space<vmem>> -> memref<1x128xi32, #tpu.memory_space<vmem>>
      %dma_start3A_358 = tpu.memref_squeeze %dma_start3A_357 : memref<1x128xi32, #tpu.memory_space<vmem>> -> memref<128xi32, #tpu.memory_space<vmem>>
      %dma_start3A_359 = arith.constant 0 : i32
      %dma_start3A_360 = tpu.memref_slice %arg11[%dma_start3A_359] : memref<10240xf32, #tpu.memory_space<vmem_shared>> -> memref<10240xf32, #tpu.memory_space<vmem_shared>>
      tpu.enqueue_indirect_dma source(%arg16 : memref<128xf32, #tpu.memory_space<vmem>>) target(%dma_start3A_360 : memref<10240xf32, #tpu.memory_space<vmem_shared>>) offsets(%dma_start3A_358 : memref<128xi32, #tpu.memory_space<vmem>>) semaphore(%arg21 : memref<!tpu.dma_semaphore, #tpu.memory_space<semaphore_mem>>) {add = true}
      %dma_wait3A_361 = arith.constant 0 : i32
      %dma_wait3A_362 = arith.constant 0 : i32
      %dma_wait3A_363 = tpu.memref_slice %arg13[%dma_wait3A_361, %dma_wait3A_362] : memref<16x128xi32, #tpu.memory_space<vmem>> -> memref<1x128xi32, #tpu.memory_space<vmem>>
      %dma_wait3A_364 = tpu.memref_squeeze %dma_wait3A_363 : memref<1x128xi32, #tpu.memory_space<vmem>> -> memref<128xi32, #tpu.memory_space<vmem>>
      %dma_wait3A_365 = arith.constant 0 : i32
      %dma_wait3A_366 = arith.constant 0 : i32
      %dma_wait3A_367 = tpu.memref_slice %arg10[%dma_wait3A_365, %dma_wait3A_366] : memref<10240x128xf32, #tpu.memory_space<vmem_shared>> -> memref<10240x128xf32, #tpu.memory_space<vmem_shared>>
      tpu.wait_indirect_dma semaphore(%arg20 : memref<!tpu.dma_semaphore, #tpu.memory_space<semaphore_mem>>) src(%arg15 : memref<128x128xf32, #tpu.memory_space<vmem>>) dst(%dma_wait3A_367 : memref<10240x128xf32, #tpu.memory_space<vmem_shared>>)
      %dma_start3A_368 = arith.constant 9 : i32
      %dma_start3A_369 = arith.constant 0 : i32
      %dma_start3A_370 = tpu.memref_slice %arg12[%dma_start3A_368, %dma_start3A_369] : memref<16x128xi32, #tpu.memory_space<vmem>> -> memref<1x128xi32, #tpu.memory_space<vmem>>
      %dma_start3A_371 = tpu.memref_squeeze %dma_start3A_370 : memref<1x128xi32, #tpu.memory_space<vmem>> -> memref<128xi32, #tpu.memory_space<vmem>>
      %dma_start3A_372 = arith.constant 0 : i32
      %dma_start3A_373 = arith.constant 0 : i32
      %dma_start3A_374 = tpu.memref_slice %arg2[%dma_start3A_372, %dma_start3A_373] : memref<10240x128xf32, #tpu.memory_space<hbm>> -> memref<10240x128xf32, #tpu.memory_space<hbm>>
      tpu.enqueue_indirect_dma source(%dma_start3A_374 : memref<10240x128xf32, #tpu.memory_space<hbm>>) target(%arg15 : memref<128x128xf32, #tpu.memory_space<vmem>>) offsets(%dma_start3A_371 : memref<128xi32, #tpu.memory_space<vmem>>) semaphore(%arg18 : memref<!tpu.dma_semaphore, #tpu.memory_space<semaphore_mem>>)
      %dma_wait3A_375 = arith.constant 0 : i32
      %dma_wait3A_376 = arith.constant 0 : i32
      %dma_wait3A_377 = tpu.memref_slice %arg12[%dma_wait3A_375, %dma_wait3A_376] : memref<16x128xi32, #tpu.memory_space<vmem>> -> memref<1x128xi32, #tpu.memory_space<vmem>>
      %dma_wait3A_378 = tpu.memref_squeeze %dma_wait3A_377 : memref<1x128xi32, #tpu.memory_space<vmem>> -> memref<128xi32, #tpu.memory_space<vmem>>
      %dma_wait3A_379 = arith.constant 0 : i32
      %dma_wait3A_380 = arith.constant 0 : i32
      %dma_wait3A_381 = tpu.memref_slice %arg2[%dma_wait3A_379, %dma_wait3A_380] : memref<10240x128xf32, #tpu.memory_space<hbm>> -> memref<10240x128xf32, #tpu.memory_space<hbm>>
      tpu.wait_indirect_dma semaphore(%arg18 : memref<!tpu.dma_semaphore, #tpu.memory_space<semaphore_mem>>) src(%dma_wait3A_381 : memref<10240x128xf32, #tpu.memory_space<hbm>>) dst(%arg15 : memref<128x128xf32, #tpu.memory_space<vmem>>)
      %dma_wait3A_382 = arith.constant 0 : i32
      %dma_wait3A_383 = arith.constant 0 : i32
      %dma_wait3A_384 = tpu.memref_slice %arg12[%dma_wait3A_382, %dma_wait3A_383] : memref<16x128xi32, #tpu.memory_space<vmem>> -> memref<1x128xi32, #tpu.memory_space<vmem>>
      %dma_wait3A_385 = tpu.memref_squeeze %dma_wait3A_384 : memref<1x128xi32, #tpu.memory_space<vmem>> -> memref<128xi32, #tpu.memory_space<vmem>>
      %dma_wait3A_386 = arith.constant 0 : i32
      %dma_wait3A_387 = tpu.memref_slice %arg11[%dma_wait3A_386] : memref<10240xf32, #tpu.memory_space<vmem_shared>> -> memref<10240xf32, #tpu.memory_space<vmem_shared>>
      tpu.wait_indirect_dma semaphore(%arg22 : memref<!tpu.dma_semaphore, #tpu.memory_space<semaphore_mem>>) src(%arg16 : memref<128xf32, #tpu.memory_space<vmem>>) dst(%dma_wait3A_387 : memref<10240xf32, #tpu.memory_space<vmem_shared>>)
      %dma_start3A_388 = arith.constant 9 : i32
      %dma_start3A_389 = arith.constant 0 : i32
      %dma_start3A_390 = tpu.memref_slice %arg13[%dma_start3A_388, %dma_start3A_389] : memref<16x128xi32, #tpu.memory_space<vmem>> -> memref<1x128xi32, #tpu.memory_space<vmem>>
      %dma_start3A_391 = tpu.memref_squeeze %dma_start3A_390 : memref<1x128xi32, #tpu.memory_space<vmem>> -> memref<128xi32, #tpu.memory_space<vmem>>
      %dma_start3A_392 = arith.constant 0 : i32
      %dma_start3A_393 = arith.constant 0 : i32
      %dma_start3A_394 = tpu.memref_slice %arg10[%dma_start3A_392, %dma_start3A_393] : memref<10240x128xf32, #tpu.memory_space<vmem_shared>> -> memref<10240x128xf32, #tpu.memory_space<vmem_shared>>
      tpu.enqueue_indirect_dma source(%arg15 : memref<128x128xf32, #tpu.memory_space<vmem>>) target(%dma_start3A_394 : memref<10240x128xf32, #tpu.memory_space<vmem_shared>>) offsets(%dma_start3A_391 : memref<128xi32, #tpu.memory_space<vmem>>) semaphore(%arg20 : memref<!tpu.dma_semaphore, #tpu.memory_space<semaphore_mem>>) {add = true}
      %dma_start3A_395 = arith.constant 9 : i32
      %dma_start3A_396 = arith.constant 0 : i32
      %dma_start3A_397 = tpu.memref_slice %arg12[%dma_start3A_395, %dma_start3A_396] : memref<16x128xi32, #tpu.memory_space<vmem>> -> memref<1x128xi32, #tpu.memory_space<vmem>>
      %dma_start3A_398 = tpu.memref_squeeze %dma_start3A_397 : memref<1x128xi32, #tpu.memory_space<vmem>> -> memref<128xi32, #tpu.memory_space<vmem>>
      %dma_start3A_399 = arith.constant 0 : i32
      %dma_start3A_400 = tpu.memref_slice %arg11[%dma_start3A_399] : memref<10240xf32, #tpu.memory_space<vmem_shared>> -> memref<10240xf32, #tpu.memory_space<vmem_shared>>
      tpu.enqueue_indirect_dma source(%arg16 : memref<128xf32, #tpu.memory_space<vmem>>) target(%dma_start3A_400 : memref<10240xf32, #tpu.memory_space<vmem_shared>>) offsets(%dma_start3A_398 : memref<128xi32, #tpu.memory_space<vmem>>) semaphore(%arg22 : memref<!tpu.dma_semaphore, #tpu.memory_space<semaphore_mem>>) {add = true}
      %dma_wait3A_401 = arith.constant 0 : i32
      %dma_wait3A_402 = arith.constant 0 : i32
      %dma_wait3A_403 = tpu.memref_slice %arg13[%dma_wait3A_401, %dma_wait3A_402] : memref<16x128xi32, #tpu.memory_space<vmem>> -> memref<1x128xi32, #tpu.memory_space<vmem>>
      %dma_wait3A_404 = tpu.memref_squeeze %dma_wait3A_403 : memref<1x128xi32, #tpu.memory_space<vmem>> -> memref<128xi32, #tpu.memory_space<vmem>>
      %dma_wait3A_405 = arith.constant 0 : i32
      %dma_wait3A_406 = arith.constant 0 : i32
      %dma_wait3A_407 = tpu.memref_slice %arg10[%dma_wait3A_405, %dma_wait3A_406] : memref<10240x128xf32, #tpu.memory_space<vmem_shared>> -> memref<10240x128xf32, #tpu.memory_space<vmem_shared>>
      tpu.wait_indirect_dma semaphore(%arg19 : memref<!tpu.dma_semaphore, #tpu.memory_space<semaphore_mem>>) src(%arg14 : memref<128x128xf32, #tpu.memory_space<vmem>>) dst(%dma_wait3A_407 : memref<10240x128xf32, #tpu.memory_space<vmem_shared>>)
      %dma_start3A_408 = arith.constant 10 : i32
      %dma_start3A_409 = arith.constant 0 : i32
      %dma_start3A_410 = tpu.memref_slice %arg12[%dma_start3A_408, %dma_start3A_409] : memref<16x128xi32, #tpu.memory_space<vmem>> -> memref<1x128xi32, #tpu.memory_space<vmem>>
      %dma_start3A_411 = tpu.memref_squeeze %dma_start3A_410 : memref<1x128xi32, #tpu.memory_space<vmem>> -> memref<128xi32, #tpu.memory_space<vmem>>
      %dma_start3A_412 = arith.constant 0 : i32
      %dma_start3A_413 = arith.constant 0 : i32
      %dma_start3A_414 = tpu.memref_slice %arg2[%dma_start3A_412, %dma_start3A_413] : memref<10240x128xf32, #tpu.memory_space<hbm>> -> memref<10240x128xf32, #tpu.memory_space<hbm>>
      tpu.enqueue_indirect_dma source(%dma_start3A_414 : memref<10240x128xf32, #tpu.memory_space<hbm>>) target(%arg14 : memref<128x128xf32, #tpu.memory_space<vmem>>) offsets(%dma_start3A_411 : memref<128xi32, #tpu.memory_space<vmem>>) semaphore(%arg17 : memref<!tpu.dma_semaphore, #tpu.memory_space<semaphore_mem>>)
      %dma_wait3A_415 = arith.constant 0 : i32
      %dma_wait3A_416 = arith.constant 0 : i32
      %dma_wait3A_417 = tpu.memref_slice %arg12[%dma_wait3A_415, %dma_wait3A_416] : memref<16x128xi32, #tpu.memory_space<vmem>> -> memref<1x128xi32, #tpu.memory_space<vmem>>
      %dma_wait3A_418 = tpu.memref_squeeze %dma_wait3A_417 : memref<1x128xi32, #tpu.memory_space<vmem>> -> memref<128xi32, #tpu.memory_space<vmem>>
      %dma_wait3A_419 = arith.constant 0 : i32
      %dma_wait3A_420 = arith.constant 0 : i32
      %dma_wait3A_421 = tpu.memref_slice %arg2[%dma_wait3A_419, %dma_wait3A_420] : memref<10240x128xf32, #tpu.memory_space<hbm>> -> memref<10240x128xf32, #tpu.memory_space<hbm>>
      tpu.wait_indirect_dma semaphore(%arg17 : memref<!tpu.dma_semaphore, #tpu.memory_space<semaphore_mem>>) src(%dma_wait3A_421 : memref<10240x128xf32, #tpu.memory_space<hbm>>) dst(%arg14 : memref<128x128xf32, #tpu.memory_space<vmem>>)
      %dma_wait3A_422 = arith.constant 0 : i32
      %dma_wait3A_423 = arith.constant 0 : i32
      %dma_wait3A_424 = tpu.memref_slice %arg12[%dma_wait3A_422, %dma_wait3A_423] : memref<16x128xi32, #tpu.memory_space<vmem>> -> memref<1x128xi32, #tpu.memory_space<vmem>>
      %dma_wait3A_425 = tpu.memref_squeeze %dma_wait3A_424 : memref<1x128xi32, #tpu.memory_space<vmem>> -> memref<128xi32, #tpu.memory_space<vmem>>
      %dma_wait3A_426 = arith.constant 0 : i32
      %dma_wait3A_427 = tpu.memref_slice %arg11[%dma_wait3A_426] : memref<10240xf32, #tpu.memory_space<vmem_shared>> -> memref<10240xf32, #tpu.memory_space<vmem_shared>>
      tpu.wait_indirect_dma semaphore(%arg21 : memref<!tpu.dma_semaphore, #tpu.memory_space<semaphore_mem>>) src(%arg16 : memref<128xf32, #tpu.memory_space<vmem>>) dst(%dma_wait3A_427 : memref<10240xf32, #tpu.memory_space<vmem_shared>>)
      %dma_start3A_428 = arith.constant 10 : i32
      %dma_start3A_429 = arith.constant 0 : i32
      %dma_start3A_430 = tpu.memref_slice %arg13[%dma_start3A_428, %dma_start3A_429] : memref<16x128xi32, #tpu.memory_space<vmem>> -> memref<1x128xi32, #tpu.memory_space<vmem>>
      %dma_start3A_431 = tpu.memref_squeeze %dma_start3A_430 : memref<1x128xi32, #tpu.memory_space<vmem>> -> memref<128xi32, #tpu.memory_space<vmem>>
      %dma_start3A_432 = arith.constant 0 : i32
      %dma_start3A_433 = arith.constant 0 : i32
      %dma_start3A_434 = tpu.memref_slice %arg10[%dma_start3A_432, %dma_start3A_433] : memref<10240x128xf32, #tpu.memory_space<vmem_shared>> -> memref<10240x128xf32, #tpu.memory_space<vmem_shared>>
      tpu.enqueue_indirect_dma source(%arg14 : memref<128x128xf32, #tpu.memory_space<vmem>>) target(%dma_start3A_434 : memref<10240x128xf32, #tpu.memory_space<vmem_shared>>) offsets(%dma_start3A_431 : memref<128xi32, #tpu.memory_space<vmem>>) semaphore(%arg19 : memref<!tpu.dma_semaphore, #tpu.memory_space<semaphore_mem>>) {add = true}
      %dma_start3A_435 = arith.constant 10 : i32
      %dma_start3A_436 = arith.constant 0 : i32
      %dma_start3A_437 = tpu.memref_slice %arg12[%dma_start3A_435, %dma_start3A_436] : memref<16x128xi32, #tpu.memory_space<vmem>> -> memref<1x128xi32, #tpu.memory_space<vmem>>
      %dma_start3A_438 = tpu.memref_squeeze %dma_start3A_437 : memref<1x128xi32, #tpu.memory_space<vmem>> -> memref<128xi32, #tpu.memory_space<vmem>>
      %dma_start3A_439 = arith.constant 0 : i32
      %dma_start3A_440 = tpu.memref_slice %arg11[%dma_start3A_439] : memref<10240xf32, #tpu.memory_space<vmem_shared>> -> memref<10240xf32, #tpu.memory_space<vmem_shared>>
      tpu.enqueue_indirect_dma source(%arg16 : memref<128xf32, #tpu.memory_space<vmem>>) target(%dma_start3A_440 : memref<10240xf32, #tpu.memory_space<vmem_shared>>) offsets(%dma_start3A_438 : memref<128xi32, #tpu.memory_space<vmem>>) semaphore(%arg21 : memref<!tpu.dma_semaphore, #tpu.memory_space<semaphore_mem>>) {add = true}
      %dma_wait3A_441 = arith.constant 0 : i32
      %dma_wait3A_442 = arith.constant 0 : i32
      %dma_wait3A_443 = tpu.memref_slice %arg13[%dma_wait3A_441, %dma_wait3A_442] : memref<16x128xi32, #tpu.memory_space<vmem>> -> memref<1x128xi32, #tpu.memory_space<vmem>>
      %dma_wait3A_444 = tpu.memref_squeeze %dma_wait3A_443 : memref<1x128xi32, #tpu.memory_space<vmem>> -> memref<128xi32, #tpu.memory_space<vmem>>
      %dma_wait3A_445 = arith.constant 0 : i32
      %dma_wait3A_446 = arith.constant 0 : i32
      %dma_wait3A_447 = tpu.memref_slice %arg10[%dma_wait3A_445, %dma_wait3A_446] : memref<10240x128xf32, #tpu.memory_space<vmem_shared>> -> memref<10240x128xf32, #tpu.memory_space<vmem_shared>>
      tpu.wait_indirect_dma semaphore(%arg20 : memref<!tpu.dma_semaphore, #tpu.memory_space<semaphore_mem>>) src(%arg15 : memref<128x128xf32, #tpu.memory_space<vmem>>) dst(%dma_wait3A_447 : memref<10240x128xf32, #tpu.memory_space<vmem_shared>>)
      %dma_start3A_448 = arith.constant 11 : i32
      %dma_start3A_449 = arith.constant 0 : i32
      %dma_start3A_450 = tpu.memref_slice %arg12[%dma_start3A_448, %dma_start3A_449] : memref<16x128xi32, #tpu.memory_space<vmem>> -> memref<1x128xi32, #tpu.memory_space<vmem>>
      %dma_start3A_451 = tpu.memref_squeeze %dma_start3A_450 : memref<1x128xi32, #tpu.memory_space<vmem>> -> memref<128xi32, #tpu.memory_space<vmem>>
      %dma_start3A_452 = arith.constant 0 : i32
      %dma_start3A_453 = arith.constant 0 : i32
      %dma_start3A_454 = tpu.memref_slice %arg2[%dma_start3A_452, %dma_start3A_453] : memref<10240x128xf32, #tpu.memory_space<hbm>> -> memref<10240x128xf32, #tpu.memory_space<hbm>>
      tpu.enqueue_indirect_dma source(%dma_start3A_454 : memref<10240x128xf32, #tpu.memory_space<hbm>>) target(%arg15 : memref<128x128xf32, #tpu.memory_space<vmem>>) offsets(%dma_start3A_451 : memref<128xi32, #tpu.memory_space<vmem>>) semaphore(%arg18 : memref<!tpu.dma_semaphore, #tpu.memory_space<semaphore_mem>>)
      %dma_wait3A_455 = arith.constant 0 : i32
      %dma_wait3A_456 = arith.constant 0 : i32
      %dma_wait3A_457 = tpu.memref_slice %arg12[%dma_wait3A_455, %dma_wait3A_456] : memref<16x128xi32, #tpu.memory_space<vmem>> -> memref<1x128xi32, #tpu.memory_space<vmem>>
      %dma_wait3A_458 = tpu.memref_squeeze %dma_wait3A_457 : memref<1x128xi32, #tpu.memory_space<vmem>> -> memref<128xi32, #tpu.memory_space<vmem>>
      %dma_wait3A_459 = arith.constant 0 : i32
      %dma_wait3A_460 = arith.constant 0 : i32
      %dma_wait3A_461 = tpu.memref_slice %arg2[%dma_wait3A_459, %dma_wait3A_460] : memref<10240x128xf32, #tpu.memory_space<hbm>> -> memref<10240x128xf32, #tpu.memory_space<hbm>>
      tpu.wait_indirect_dma semaphore(%arg18 : memref<!tpu.dma_semaphore, #tpu.memory_space<semaphore_mem>>) src(%dma_wait3A_461 : memref<10240x128xf32, #tpu.memory_space<hbm>>) dst(%arg15 : memref<128x128xf32, #tpu.memory_space<vmem>>)
      %dma_wait3A_462 = arith.constant 0 : i32
      %dma_wait3A_463 = arith.constant 0 : i32
      %dma_wait3A_464 = tpu.memref_slice %arg12[%dma_wait3A_462, %dma_wait3A_463] : memref<16x128xi32, #tpu.memory_space<vmem>> -> memref<1x128xi32, #tpu.memory_space<vmem>>
      %dma_wait3A_465 = tpu.memref_squeeze %dma_wait3A_464 : memref<1x128xi32, #tpu.memory_space<vmem>> -> memref<128xi32, #tpu.memory_space<vmem>>
      %dma_wait3A_466 = arith.constant 0 : i32
      %dma_wait3A_467 = tpu.memref_slice %arg11[%dma_wait3A_466] : memref<10240xf32, #tpu.memory_space<vmem_shared>> -> memref<10240xf32, #tpu.memory_space<vmem_shared>>
      tpu.wait_indirect_dma semaphore(%arg22 : memref<!tpu.dma_semaphore, #tpu.memory_space<semaphore_mem>>) src(%arg16 : memref<128xf32, #tpu.memory_space<vmem>>) dst(%dma_wait3A_467 : memref<10240xf32, #tpu.memory_space<vmem_shared>>)
      %dma_start3A_468 = arith.constant 11 : i32
      %dma_start3A_469 = arith.constant 0 : i32
      %dma_start3A_470 = tpu.memref_slice %arg13[%dma_start3A_468, %dma_start3A_469] : memref<16x128xi32, #tpu.memory_space<vmem>> -> memref<1x128xi32, #tpu.memory_space<vmem>>
      %dma_start3A_471 = tpu.memref_squeeze %dma_start3A_470 : memref<1x128xi32, #tpu.memory_space<vmem>> -> memref<128xi32, #tpu.memory_space<vmem>>
      %dma_start3A_472 = arith.constant 0 : i32
      %dma_start3A_473 = arith.constant 0 : i32
      %dma_start3A_474 = tpu.memref_slice %arg10[%dma_start3A_472, %dma_start3A_473] : memref<10240x128xf32, #tpu.memory_space<vmem_shared>> -> memref<10240x128xf32, #tpu.memory_space<vmem_shared>>
      tpu.enqueue_indirect_dma source(%arg15 : memref<128x128xf32, #tpu.memory_space<vmem>>) target(%dma_start3A_474 : memref<10240x128xf32, #tpu.memory_space<vmem_shared>>) offsets(%dma_start3A_471 : memref<128xi32, #tpu.memory_space<vmem>>) semaphore(%arg20 : memref<!tpu.dma_semaphore, #tpu.memory_space<semaphore_mem>>) {add = true}
      %dma_start3A_475 = arith.constant 11 : i32
      %dma_start3A_476 = arith.constant 0 : i32
      %dma_start3A_477 = tpu.memref_slice %arg12[%dma_start3A_475, %dma_start3A_476] : memref<16x128xi32, #tpu.memory_space<vmem>> -> memref<1x128xi32, #tpu.memory_space<vmem>>
      %dma_start3A_478 = tpu.memref_squeeze %dma_start3A_477 : memref<1x128xi32, #tpu.memory_space<vmem>> -> memref<128xi32, #tpu.memory_space<vmem>>
      %dma_start3A_479 = arith.constant 0 : i32
      %dma_start3A_480 = tpu.memref_slice %arg11[%dma_start3A_479] : memref<10240xf32, #tpu.memory_space<vmem_shared>> -> memref<10240xf32, #tpu.memory_space<vmem_shared>>
      tpu.enqueue_indirect_dma source(%arg16 : memref<128xf32, #tpu.memory_space<vmem>>) target(%dma_start3A_480 : memref<10240xf32, #tpu.memory_space<vmem_shared>>) offsets(%dma_start3A_478 : memref<128xi32, #tpu.memory_space<vmem>>) semaphore(%arg22 : memref<!tpu.dma_semaphore, #tpu.memory_space<semaphore_mem>>) {add = true}
      %dma_wait3A_481 = arith.constant 0 : i32
      %dma_wait3A_482 = arith.constant 0 : i32
      %dma_wait3A_483 = tpu.memref_slice %arg13[%dma_wait3A_481, %dma_wait3A_482] : memref<16x128xi32, #tpu.memory_space<vmem>> -> memref<1x128xi32, #tpu.memory_space<vmem>>
      %dma_wait3A_484 = tpu.memref_squeeze %dma_wait3A_483 : memref<1x128xi32, #tpu.memory_space<vmem>> -> memref<128xi32, #tpu.memory_space<vmem>>
      %dma_wait3A_485 = arith.constant 0 : i32
      %dma_wait3A_486 = arith.constant 0 : i32
      %dma_wait3A_487 = tpu.memref_slice %arg10[%dma_wait3A_485, %dma_wait3A_486] : memref<10240x128xf32, #tpu.memory_space<vmem_shared>> -> memref<10240x128xf32, #tpu.memory_space<vmem_shared>>
      tpu.wait_indirect_dma semaphore(%arg19 : memref<!tpu.dma_semaphore, #tpu.memory_space<semaphore_mem>>) src(%arg14 : memref<128x128xf32, #tpu.memory_space<vmem>>) dst(%dma_wait3A_487 : memref<10240x128xf32, #tpu.memory_space<vmem_shared>>)
      %dma_start3A_488 = arith.constant 12 : i32
      %dma_start3A_489 = arith.constant 0 : i32
      %dma_start3A_490 = tpu.memref_slice %arg12[%dma_start3A_488, %dma_start3A_489] : memref<16x128xi32, #tpu.memory_space<vmem>> -> memref<1x128xi32, #tpu.memory_space<vmem>>
      %dma_start3A_491 = tpu.memref_squeeze %dma_start3A_490 : memref<1x128xi32, #tpu.memory_space<vmem>> -> memref<128xi32, #tpu.memory_space<vmem>>
      %dma_start3A_492 = arith.constant 0 : i32
      %dma_start3A_493 = arith.constant 0 : i32
      %dma_start3A_494 = tpu.memref_slice %arg2[%dma_start3A_492, %dma_start3A_493] : memref<10240x128xf32, #tpu.memory_space<hbm>> -> memref<10240x128xf32, #tpu.memory_space<hbm>>
      tpu.enqueue_indirect_dma source(%dma_start3A_494 : memref<10240x128xf32, #tpu.memory_space<hbm>>) target(%arg14 : memref<128x128xf32, #tpu.memory_space<vmem>>) offsets(%dma_start3A_491 : memref<128xi32, #tpu.memory_space<vmem>>) semaphore(%arg17 : memref<!tpu.dma_semaphore, #tpu.memory_space<semaphore_mem>>)
      %dma_wait3A_495 = arith.constant 0 : i32
      %dma_wait3A_496 = arith.constant 0 : i32
      %dma_wait3A_497 = tpu.memref_slice %arg12[%dma_wait3A_495, %dma_wait3A_496] : memref<16x128xi32, #tpu.memory_space<vmem>> -> memref<1x128xi32, #tpu.memory_space<vmem>>
      %dma_wait3A_498 = tpu.memref_squeeze %dma_wait3A_497 : memref<1x128xi32, #tpu.memory_space<vmem>> -> memref<128xi32, #tpu.memory_space<vmem>>
      %dma_wait3A_499 = arith.constant 0 : i32
      %dma_wait3A_500 = arith.constant 0 : i32
      %dma_wait3A_501 = tpu.memref_slice %arg2[%dma_wait3A_499, %dma_wait3A_500] : memref<10240x128xf32, #tpu.memory_space<hbm>> -> memref<10240x128xf32, #tpu.memory_space<hbm>>
      tpu.wait_indirect_dma semaphore(%arg17 : memref<!tpu.dma_semaphore, #tpu.memory_space<semaphore_mem>>) src(%dma_wait3A_501 : memref<10240x128xf32, #tpu.memory_space<hbm>>) dst(%arg14 : memref<128x128xf32, #tpu.memory_space<vmem>>)
      %dma_wait3A_502 = arith.constant 0 : i32
      %dma_wait3A_503 = arith.constant 0 : i32
      %dma_wait3A_504 = tpu.memref_slice %arg12[%dma_wait3A_502, %dma_wait3A_503] : memref<16x128xi32, #tpu.memory_space<vmem>> -> memref<1x128xi32, #tpu.memory_space<vmem>>
      %dma_wait3A_505 = tpu.memref_squeeze %dma_wait3A_504 : memref<1x128xi32, #tpu.memory_space<vmem>> -> memref<128xi32, #tpu.memory_space<vmem>>
      %dma_wait3A_506 = arith.constant 0 : i32
      %dma_wait3A_507 = tpu.memref_slice %arg11[%dma_wait3A_506] : memref<10240xf32, #tpu.memory_space<vmem_shared>> -> memref<10240xf32, #tpu.memory_space<vmem_shared>>
      tpu.wait_indirect_dma semaphore(%arg21 : memref<!tpu.dma_semaphore, #tpu.memory_space<semaphore_mem>>) src(%arg16 : memref<128xf32, #tpu.memory_space<vmem>>) dst(%dma_wait3A_507 : memref<10240xf32, #tpu.memory_space<vmem_shared>>)
      %dma_start3A_508 = arith.constant 12 : i32
      %dma_start3A_509 = arith.constant 0 : i32
      %dma_start3A_510 = tpu.memref_slice %arg13[%dma_start3A_508, %dma_start3A_509] : memref<16x128xi32, #tpu.memory_space<vmem>> -> memref<1x128xi32, #tpu.memory_space<vmem>>
      %dma_start3A_511 = tpu.memref_squeeze %dma_start3A_510 : memref<1x128xi32, #tpu.memory_space<vmem>> -> memref<128xi32, #tpu.memory_space<vmem>>
      %dma_start3A_512 = arith.constant 0 : i32
      %dma_start3A_513 = arith.constant 0 : i32
      %dma_start3A_514 = tpu.memref_slice %arg10[%dma_start3A_512, %dma_start3A_513] : memref<10240x128xf32, #tpu.memory_space<vmem_shared>> -> memref<10240x128xf32, #tpu.memory_space<vmem_shared>>
      tpu.enqueue_indirect_dma source(%arg14 : memref<128x128xf32, #tpu.memory_space<vmem>>) target(%dma_start3A_514 : memref<10240x128xf32, #tpu.memory_space<vmem_shared>>) offsets(%dma_start3A_511 : memref<128xi32, #tpu.memory_space<vmem>>) semaphore(%arg19 : memref<!tpu.dma_semaphore, #tpu.memory_space<semaphore_mem>>) {add = true}
      %dma_start3A_515 = arith.constant 12 : i32
      %dma_start3A_516 = arith.constant 0 : i32
      %dma_start3A_517 = tpu.memref_slice %arg12[%dma_start3A_515, %dma_start3A_516] : memref<16x128xi32, #tpu.memory_space<vmem>> -> memref<1x128xi32, #tpu.memory_space<vmem>>
      %dma_start3A_518 = tpu.memref_squeeze %dma_start3A_517 : memref<1x128xi32, #tpu.memory_space<vmem>> -> memref<128xi32, #tpu.memory_space<vmem>>
      %dma_start3A_519 = arith.constant 0 : i32
      %dma_start3A_520 = tpu.memref_slice %arg11[%dma_start3A_519] : memref<10240xf32, #tpu.memory_space<vmem_shared>> -> memref<10240xf32, #tpu.memory_space<vmem_shared>>
      tpu.enqueue_indirect_dma source(%arg16 : memref<128xf32, #tpu.memory_space<vmem>>) target(%dma_start3A_520 : memref<10240xf32, #tpu.memory_space<vmem_shared>>) offsets(%dma_start3A_518 : memref<128xi32, #tpu.memory_space<vmem>>) semaphore(%arg21 : memref<!tpu.dma_semaphore, #tpu.memory_space<semaphore_mem>>) {add = true}
      %dma_wait3A_521 = arith.constant 0 : i32
      %dma_wait3A_522 = arith.constant 0 : i32
      %dma_wait3A_523 = tpu.memref_slice %arg13[%dma_wait3A_521, %dma_wait3A_522] : memref<16x128xi32, #tpu.memory_space<vmem>> -> memref<1x128xi32, #tpu.memory_space<vmem>>
      %dma_wait3A_524 = tpu.memref_squeeze %dma_wait3A_523 : memref<1x128xi32, #tpu.memory_space<vmem>> -> memref<128xi32, #tpu.memory_space<vmem>>
      %dma_wait3A_525 = arith.constant 0 : i32
      %dma_wait3A_526 = arith.constant 0 : i32
      %dma_wait3A_527 = tpu.memref_slice %arg10[%dma_wait3A_525, %dma_wait3A_526] : memref<10240x128xf32, #tpu.memory_space<vmem_shared>> -> memref<10240x128xf32, #tpu.memory_space<vmem_shared>>
      tpu.wait_indirect_dma semaphore(%arg20 : memref<!tpu.dma_semaphore, #tpu.memory_space<semaphore_mem>>) src(%arg15 : memref<128x128xf32, #tpu.memory_space<vmem>>) dst(%dma_wait3A_527 : memref<10240x128xf32, #tpu.memory_space<vmem_shared>>)
      %dma_start3A_528 = arith.constant 13 : i32
      %dma_start3A_529 = arith.constant 0 : i32
      %dma_start3A_530 = tpu.memref_slice %arg12[%dma_start3A_528, %dma_start3A_529] : memref<16x128xi32, #tpu.memory_space<vmem>> -> memref<1x128xi32, #tpu.memory_space<vmem>>
      %dma_start3A_531 = tpu.memref_squeeze %dma_start3A_530 : memref<1x128xi32, #tpu.memory_space<vmem>> -> memref<128xi32, #tpu.memory_space<vmem>>
      %dma_start3A_532 = arith.constant 0 : i32
      %dma_start3A_533 = arith.constant 0 : i32
      %dma_start3A_534 = tpu.memref_slice %arg2[%dma_start3A_532, %dma_start3A_533] : memref<10240x128xf32, #tpu.memory_space<hbm>> -> memref<10240x128xf32, #tpu.memory_space<hbm>>
      tpu.enqueue_indirect_dma source(%dma_start3A_534 : memref<10240x128xf32, #tpu.memory_space<hbm>>) target(%arg15 : memref<128x128xf32, #tpu.memory_space<vmem>>) offsets(%dma_start3A_531 : memref<128xi32, #tpu.memory_space<vmem>>) semaphore(%arg18 : memref<!tpu.dma_semaphore, #tpu.memory_space<semaphore_mem>>)
      %dma_wait3A_535 = arith.constant 0 : i32
      %dma_wait3A_536 = arith.constant 0 : i32
      %dma_wait3A_537 = tpu.memref_slice %arg12[%dma_wait3A_535, %dma_wait3A_536] : memref<16x128xi32, #tpu.memory_space<vmem>> -> memref<1x128xi32, #tpu.memory_space<vmem>>
      %dma_wait3A_538 = tpu.memref_squeeze %dma_wait3A_537 : memref<1x128xi32, #tpu.memory_space<vmem>> -> memref<128xi32, #tpu.memory_space<vmem>>
      %dma_wait3A_539 = arith.constant 0 : i32
      %dma_wait3A_540 = arith.constant 0 : i32
      %dma_wait3A_541 = tpu.memref_slice %arg2[%dma_wait3A_539, %dma_wait3A_540] : memref<10240x128xf32, #tpu.memory_space<hbm>> -> memref<10240x128xf32, #tpu.memory_space<hbm>>
      tpu.wait_indirect_dma semaphore(%arg18 : memref<!tpu.dma_semaphore, #tpu.memory_space<semaphore_mem>>) src(%dma_wait3A_541 : memref<10240x128xf32, #tpu.memory_space<hbm>>) dst(%arg15 : memref<128x128xf32, #tpu.memory_space<vmem>>)
      %dma_wait3A_542 = arith.constant 0 : i32
      %dma_wait3A_543 = arith.constant 0 : i32
      %dma_wait3A_544 = tpu.memref_slice %arg12[%dma_wait3A_542, %dma_wait3A_543] : memref<16x128xi32, #tpu.memory_space<vmem>> -> memref<1x128xi32, #tpu.memory_space<vmem>>
      %dma_wait3A_545 = tpu.memref_squeeze %dma_wait3A_544 : memref<1x128xi32, #tpu.memory_space<vmem>> -> memref<128xi32, #tpu.memory_space<vmem>>
      %dma_wait3A_546 = arith.constant 0 : i32
      %dma_wait3A_547 = tpu.memref_slice %arg11[%dma_wait3A_546] : memref<10240xf32, #tpu.memory_space<vmem_shared>> -> memref<10240xf32, #tpu.memory_space<vmem_shared>>
      tpu.wait_indirect_dma semaphore(%arg22 : memref<!tpu.dma_semaphore, #tpu.memory_space<semaphore_mem>>) src(%arg16 : memref<128xf32, #tpu.memory_space<vmem>>) dst(%dma_wait3A_547 : memref<10240xf32, #tpu.memory_space<vmem_shared>>)
      %dma_start3A_548 = arith.constant 13 : i32
      %dma_start3A_549 = arith.constant 0 : i32
      %dma_start3A_550 = tpu.memref_slice %arg13[%dma_start3A_548, %dma_start3A_549] : memref<16x128xi32, #tpu.memory_space<vmem>> -> memref<1x128xi32, #tpu.memory_space<vmem>>
      %dma_start3A_551 = tpu.memref_squeeze %dma_start3A_550 : memref<1x128xi32, #tpu.memory_space<vmem>> -> memref<128xi32, #tpu.memory_space<vmem>>
      %dma_start3A_552 = arith.constant 0 : i32
      %dma_start3A_553 = arith.constant 0 : i32
      %dma_start3A_554 = tpu.memref_slice %arg10[%dma_start3A_552, %dma_start3A_553] : memref<10240x128xf32, #tpu.memory_space<vmem_shared>> -> memref<10240x128xf32, #tpu.memory_space<vmem_shared>>
      tpu.enqueue_indirect_dma source(%arg15 : memref<128x128xf32, #tpu.memory_space<vmem>>) target(%dma_start3A_554 : memref<10240x128xf32, #tpu.memory_space<vmem_shared>>) offsets(%dma_start3A_551 : memref<128xi32, #tpu.memory_space<vmem>>) semaphore(%arg20 : memref<!tpu.dma_semaphore, #tpu.memory_space<semaphore_mem>>) {add = true}
      %dma_start3A_555 = arith.constant 13 : i32
      %dma_start3A_556 = arith.constant 0 : i32
      %dma_start3A_557 = tpu.memref_slice %arg12[%dma_start3A_555, %dma_start3A_556] : memref<16x128xi32, #tpu.memory_space<vmem>> -> memref<1x128xi32, #tpu.memory_space<vmem>>
      %dma_start3A_558 = tpu.memref_squeeze %dma_start3A_557 : memref<1x128xi32, #tpu.memory_space<vmem>> -> memref<128xi32, #tpu.memory_space<vmem>>
      %dma_start3A_559 = arith.constant 0 : i32
      %dma_start3A_560 = tpu.memref_slice %arg11[%dma_start3A_559] : memref<10240xf32, #tpu.memory_space<vmem_shared>> -> memref<10240xf32, #tpu.memory_space<vmem_shared>>
      tpu.enqueue_indirect_dma source(%arg16 : memref<128xf32, #tpu.memory_space<vmem>>) target(%dma_start3A_560 : memref<10240xf32, #tpu.memory_space<vmem_shared>>) offsets(%dma_start3A_558 : memref<128xi32, #tpu.memory_space<vmem>>) semaphore(%arg22 : memref<!tpu.dma_semaphore, #tpu.memory_space<semaphore_mem>>) {add = true}
      %dma_wait3A_561 = arith.constant 0 : i32
      %dma_wait3A_562 = arith.constant 0 : i32
      %dma_wait3A_563 = tpu.memref_slice %arg13[%dma_wait3A_561, %dma_wait3A_562] : memref<16x128xi32, #tpu.memory_space<vmem>> -> memref<1x128xi32, #tpu.memory_space<vmem>>
      %dma_wait3A_564 = tpu.memref_squeeze %dma_wait3A_563 : memref<1x128xi32, #tpu.memory_space<vmem>> -> memref<128xi32, #tpu.memory_space<vmem>>
      %dma_wait3A_565 = arith.constant 0 : i32
      %dma_wait3A_566 = arith.constant 0 : i32
      %dma_wait3A_567 = tpu.memref_slice %arg10[%dma_wait3A_565, %dma_wait3A_566] : memref<10240x128xf32, #tpu.memory_space<vmem_shared>> -> memref<10240x128xf32, #tpu.memory_space<vmem_shared>>
      tpu.wait_indirect_dma semaphore(%arg19 : memref<!tpu.dma_semaphore, #tpu.memory_space<semaphore_mem>>) src(%arg14 : memref<128x128xf32, #tpu.memory_space<vmem>>) dst(%dma_wait3A_567 : memref<10240x128xf32, #tpu.memory_space<vmem_shared>>)
      %dma_start3A_568 = arith.constant 14 : i32
      %dma_start3A_569 = arith.constant 0 : i32
      %dma_start3A_570 = tpu.memref_slice %arg12[%dma_start3A_568, %dma_start3A_569] : memref<16x128xi32, #tpu.memory_space<vmem>> -> memref<1x128xi32, #tpu.memory_space<vmem>>
      %dma_start3A_571 = tpu.memref_squeeze %dma_start3A_570 : memref<1x128xi32, #tpu.memory_space<vmem>> -> memref<128xi32, #tpu.memory_space<vmem>>
      %dma_start3A_572 = arith.constant 0 : i32
      %dma_start3A_573 = arith.constant 0 : i32
      %dma_start3A_574 = tpu.memref_slice %arg2[%dma_start3A_572, %dma_start3A_573] : memref<10240x128xf32, #tpu.memory_space<hbm>> -> memref<10240x128xf32, #tpu.memory_space<hbm>>
      tpu.enqueue_indirect_dma source(%dma_start3A_574 : memref<10240x128xf32, #tpu.memory_space<hbm>>) target(%arg14 : memref<128x128xf32, #tpu.memory_space<vmem>>) offsets(%dma_start3A_571 : memref<128xi32, #tpu.memory_space<vmem>>) semaphore(%arg17 : memref<!tpu.dma_semaphore, #tpu.memory_space<semaphore_mem>>)
      %dma_wait3A_575 = arith.constant 0 : i32
      %dma_wait3A_576 = arith.constant 0 : i32
      %dma_wait3A_577 = tpu.memref_slice %arg12[%dma_wait3A_575, %dma_wait3A_576] : memref<16x128xi32, #tpu.memory_space<vmem>> -> memref<1x128xi32, #tpu.memory_space<vmem>>
      %dma_wait3A_578 = tpu.memref_squeeze %dma_wait3A_577 : memref<1x128xi32, #tpu.memory_space<vmem>> -> memref<128xi32, #tpu.memory_space<vmem>>
      %dma_wait3A_579 = arith.constant 0 : i32
      %dma_wait3A_580 = arith.constant 0 : i32
      %dma_wait3A_581 = tpu.memref_slice %arg2[%dma_wait3A_579, %dma_wait3A_580] : memref<10240x128xf32, #tpu.memory_space<hbm>> -> memref<10240x128xf32, #tpu.memory_space<hbm>>
      tpu.wait_indirect_dma semaphore(%arg17 : memref<!tpu.dma_semaphore, #tpu.memory_space<semaphore_mem>>) src(%dma_wait3A_581 : memref<10240x128xf32, #tpu.memory_space<hbm>>) dst(%arg14 : memref<128x128xf32, #tpu.memory_space<vmem>>)
      %dma_wait3A_582 = arith.constant 0 : i32
      %dma_wait3A_583 = arith.constant 0 : i32
      %dma_wait3A_584 = tpu.memref_slice %arg12[%dma_wait3A_582, %dma_wait3A_583] : memref<16x128xi32, #tpu.memory_space<vmem>> -> memref<1x128xi32, #tpu.memory_space<vmem>>
      %dma_wait3A_585 = tpu.memref_squeeze %dma_wait3A_584 : memref<1x128xi32, #tpu.memory_space<vmem>> -> memref<128xi32, #tpu.memory_space<vmem>>
      %dma_wait3A_586 = arith.constant 0 : i32
      %dma_wait3A_587 = tpu.memref_slice %arg11[%dma_wait3A_586] : memref<10240xf32, #tpu.memory_space<vmem_shared>> -> memref<10240xf32, #tpu.memory_space<vmem_shared>>
      tpu.wait_indirect_dma semaphore(%arg21 : memref<!tpu.dma_semaphore, #tpu.memory_space<semaphore_mem>>) src(%arg16 : memref<128xf32, #tpu.memory_space<vmem>>) dst(%dma_wait3A_587 : memref<10240xf32, #tpu.memory_space<vmem_shared>>)
      %dma_start3A_588 = arith.constant 14 : i32
      %dma_start3A_589 = arith.constant 0 : i32
      %dma_start3A_590 = tpu.memref_slice %arg13[%dma_start3A_588, %dma_start3A_589] : memref<16x128xi32, #tpu.memory_space<vmem>> -> memref<1x128xi32, #tpu.memory_space<vmem>>
      %dma_start3A_591 = tpu.memref_squeeze %dma_start3A_590 : memref<1x128xi32, #tpu.memory_space<vmem>> -> memref<128xi32, #tpu.memory_space<vmem>>
      %dma_start3A_592 = arith.constant 0 : i32
      %dma_start3A_593 = arith.constant 0 : i32
      %dma_start3A_594 = tpu.memref_slice %arg10[%dma_start3A_592, %dma_start3A_593] : memref<10240x128xf32, #tpu.memory_space<vmem_shared>> -> memref<10240x128xf32, #tpu.memory_space<vmem_shared>>
      tpu.enqueue_indirect_dma source(%arg14 : memref<128x128xf32, #tpu.memory_space<vmem>>) target(%dma_start3A_594 : memref<10240x128xf32, #tpu.memory_space<vmem_shared>>) offsets(%dma_start3A_591 : memref<128xi32, #tpu.memory_space<vmem>>) semaphore(%arg19 : memref<!tpu.dma_semaphore, #tpu.memory_space<semaphore_mem>>) {add = true}
      %dma_start3A_595 = arith.constant 14 : i32
      %dma_start3A_596 = arith.constant 0 : i32
      %dma_start3A_597 = tpu.memref_slice %arg12[%dma_start3A_595, %dma_start3A_596] : memref<16x128xi32, #tpu.memory_space<vmem>> -> memref<1x128xi32, #tpu.memory_space<vmem>>
      %dma_start3A_598 = tpu.memref_squeeze %dma_start3A_597 : memref<1x128xi32, #tpu.memory_space<vmem>> -> memref<128xi32, #tpu.memory_space<vmem>>
      %dma_start3A_599 = arith.constant 0 : i32
      %dma_start3A_600 = tpu.memref_slice %arg11[%dma_start3A_599] : memref<10240xf32, #tpu.memory_space<vmem_shared>> -> memref<10240xf32, #tpu.memory_space<vmem_shared>>
      tpu.enqueue_indirect_dma source(%arg16 : memref<128xf32, #tpu.memory_space<vmem>>) target(%dma_start3A_600 : memref<10240xf32, #tpu.memory_space<vmem_shared>>) offsets(%dma_start3A_598 : memref<128xi32, #tpu.memory_space<vmem>>) semaphore(%arg21 : memref<!tpu.dma_semaphore, #tpu.memory_space<semaphore_mem>>) {add = true}
      %dma_wait3A_601 = arith.constant 0 : i32
      %dma_wait3A_602 = arith.constant 0 : i32
      %dma_wait3A_603 = tpu.memref_slice %arg13[%dma_wait3A_601, %dma_wait3A_602] : memref<16x128xi32, #tpu.memory_space<vmem>> -> memref<1x128xi32, #tpu.memory_space<vmem>>
      %dma_wait3A_604 = tpu.memref_squeeze %dma_wait3A_603 : memref<1x128xi32, #tpu.memory_space<vmem>> -> memref<128xi32, #tpu.memory_space<vmem>>
      %dma_wait3A_605 = arith.constant 0 : i32
      %dma_wait3A_606 = arith.constant 0 : i32
      %dma_wait3A_607 = tpu.memref_slice %arg10[%dma_wait3A_605, %dma_wait3A_606] : memref<10240x128xf32, #tpu.memory_space<vmem_shared>> -> memref<10240x128xf32, #tpu.memory_space<vmem_shared>>
      tpu.wait_indirect_dma semaphore(%arg20 : memref<!tpu.dma_semaphore, #tpu.memory_space<semaphore_mem>>) src(%arg15 : memref<128x128xf32, #tpu.memory_space<vmem>>) dst(%dma_wait3A_607 : memref<10240x128xf32, #tpu.memory_space<vmem_shared>>)
      %dma_start3A_608 = arith.constant 15 : i32
      %dma_start3A_609 = arith.constant 0 : i32
      %dma_start3A_610 = tpu.memref_slice %arg12[%dma_start3A_608, %dma_start3A_609] : memref<16x128xi32, #tpu.memory_space<vmem>> -> memref<1x128xi32, #tpu.memory_space<vmem>>
      %dma_start3A_611 = tpu.memref_squeeze %dma_start3A_610 : memref<1x128xi32, #tpu.memory_space<vmem>> -> memref<128xi32, #tpu.memory_space<vmem>>
      %dma_start3A_612 = arith.constant 0 : i32
      %dma_start3A_613 = arith.constant 0 : i32
      %dma_start3A_614 = tpu.memref_slice %arg2[%dma_start3A_612, %dma_start3A_613] : memref<10240x128xf32, #tpu.memory_space<hbm>> -> memref<10240x128xf32, #tpu.memory_space<hbm>>
      tpu.enqueue_indirect_dma source(%dma_start3A_614 : memref<10240x128xf32, #tpu.memory_space<hbm>>) target(%arg15 : memref<128x128xf32, #tpu.memory_space<vmem>>) offsets(%dma_start3A_611 : memref<128xi32, #tpu.memory_space<vmem>>) semaphore(%arg18 : memref<!tpu.dma_semaphore, #tpu.memory_space<semaphore_mem>>)
      %dma_wait3A_615 = arith.constant 0 : i32
      %dma_wait3A_616 = arith.constant 0 : i32
      %dma_wait3A_617 = tpu.memref_slice %arg12[%dma_wait3A_615, %dma_wait3A_616] : memref<16x128xi32, #tpu.memory_space<vmem>> -> memref<1x128xi32, #tpu.memory_space<vmem>>
      %dma_wait3A_618 = tpu.memref_squeeze %dma_wait3A_617 : memref<1x128xi32, #tpu.memory_space<vmem>> -> memref<128xi32, #tpu.memory_space<vmem>>
      %dma_wait3A_619 = arith.constant 0 : i32
      %dma_wait3A_620 = arith.constant 0 : i32
      %dma_wait3A_621 = tpu.memref_slice %arg2[%dma_wait3A_619, %dma_wait3A_620] : memref<10240x128xf32, #tpu.memory_space<hbm>> -> memref<10240x128xf32, #tpu.memory_space<hbm>>
      tpu.wait_indirect_dma semaphore(%arg18 : memref<!tpu.dma_semaphore, #tpu.memory_space<semaphore_mem>>) src(%dma_wait3A_621 : memref<10240x128xf32, #tpu.memory_space<hbm>>) dst(%arg15 : memref<128x128xf32, #tpu.memory_space<vmem>>)
      %dma_wait3A_622 = arith.constant 0 : i32
      %dma_wait3A_623 = arith.constant 0 : i32
      %dma_wait3A_624 = tpu.memref_slice %arg12[%dma_wait3A_622, %dma_wait3A_623] : memref<16x128xi32, #tpu.memory_space<vmem>> -> memref<1x128xi32, #tpu.memory_space<vmem>>
      %dma_wait3A_625 = tpu.memref_squeeze %dma_wait3A_624 : memref<1x128xi32, #tpu.memory_space<vmem>> -> memref<128xi32, #tpu.memory_space<vmem>>
      %dma_wait3A_626 = arith.constant 0 : i32
      %dma_wait3A_627 = tpu.memref_slice %arg11[%dma_wait3A_626] : memref<10240xf32, #tpu.memory_space<vmem_shared>> -> memref<10240xf32, #tpu.memory_space<vmem_shared>>
      tpu.wait_indirect_dma semaphore(%arg22 : memref<!tpu.dma_semaphore, #tpu.memory_space<semaphore_mem>>) src(%arg16 : memref<128xf32, #tpu.memory_space<vmem>>) dst(%dma_wait3A_627 : memref<10240xf32, #tpu.memory_space<vmem_shared>>)
      %dma_start3A_628 = arith.constant 15 : i32
      %dma_start3A_629 = arith.constant 0 : i32
      %dma_start3A_630 = tpu.memref_slice %arg13[%dma_start3A_628, %dma_start3A_629] : memref<16x128xi32, #tpu.memory_space<vmem>> -> memref<1x128xi32, #tpu.memory_space<vmem>>
      %dma_start3A_631 = tpu.memref_squeeze %dma_start3A_630 : memref<1x128xi32, #tpu.memory_space<vmem>> -> memref<128xi32, #tpu.memory_space<vmem>>
      %dma_start3A_632 = arith.constant 0 : i32
      %dma_start3A_633 = arith.constant 0 : i32
      %dma_start3A_634 = tpu.memref_slice %arg10[%dma_start3A_632, %dma_start3A_633] : memref<10240x128xf32, #tpu.memory_space<vmem_shared>> -> memref<10240x128xf32, #tpu.memory_space<vmem_shared>>
      tpu.enqueue_indirect_dma source(%arg15 : memref<128x128xf32, #tpu.memory_space<vmem>>) target(%dma_start3A_634 : memref<10240x128xf32, #tpu.memory_space<vmem_shared>>) offsets(%dma_start3A_631 : memref<128xi32, #tpu.memory_space<vmem>>) semaphore(%arg20 : memref<!tpu.dma_semaphore, #tpu.memory_space<semaphore_mem>>) {add = true}
      %dma_start3A_635 = arith.constant 15 : i32
      %dma_start3A_636 = arith.constant 0 : i32
      %dma_start3A_637 = tpu.memref_slice %arg12[%dma_start3A_635, %dma_start3A_636] : memref<16x128xi32, #tpu.memory_space<vmem>> -> memref<1x128xi32, #tpu.memory_space<vmem>>
      %dma_start3A_638 = tpu.memref_squeeze %dma_start3A_637 : memref<1x128xi32, #tpu.memory_space<vmem>> -> memref<128xi32, #tpu.memory_space<vmem>>
      %dma_start3A_639 = arith.constant 0 : i32
      %dma_start3A_640 = tpu.memref_slice %arg11[%dma_start3A_639] : memref<10240xf32, #tpu.memory_space<vmem_shared>> -> memref<10240xf32, #tpu.memory_space<vmem_shared>>
      tpu.enqueue_indirect_dma source(%arg16 : memref<128xf32, #tpu.memory_space<vmem>>) target(%dma_start3A_640 : memref<10240xf32, #tpu.memory_space<vmem_shared>>) offsets(%dma_start3A_638 : memref<128xi32, #tpu.memory_space<vmem>>) semaphore(%arg22 : memref<!tpu.dma_semaphore, #tpu.memory_space<semaphore_mem>>) {add = true}
      %dma_wait3A_641 = arith.constant 0 : i32
      %dma_wait3A_642 = arith.constant 0 : i32
      %dma_wait3A_643 = tpu.memref_slice %arg13[%dma_wait3A_641, %dma_wait3A_642] : memref<16x128xi32, #tpu.memory_space<vmem>> -> memref<1x128xi32, #tpu.memory_space<vmem>>
      %dma_wait3A_644 = tpu.memref_squeeze %dma_wait3A_643 : memref<1x128xi32, #tpu.memory_space<vmem>> -> memref<128xi32, #tpu.memory_space<vmem>>
      %dma_wait3A_645 = arith.constant 0 : i32
      %dma_wait3A_646 = arith.constant 0 : i32
      %dma_wait3A_647 = tpu.memref_slice %arg10[%dma_wait3A_645, %dma_wait3A_646] : memref<10240x128xf32, #tpu.memory_space<vmem_shared>> -> memref<10240x128xf32, #tpu.memory_space<vmem_shared>>
      tpu.wait_indirect_dma semaphore(%arg19 : memref<!tpu.dma_semaphore, #tpu.memory_space<semaphore_mem>>) src(%arg14 : memref<128x128xf32, #tpu.memory_space<vmem>>) dst(%dma_wait3A_647 : memref<10240x128xf32, #tpu.memory_space<vmem_shared>>)
      %dma_wait3A_648 = arith.constant 0 : i32
      %dma_wait3A_649 = arith.constant 0 : i32
      %dma_wait3A_650 = tpu.memref_slice %arg13[%dma_wait3A_648, %dma_wait3A_649] : memref<16x128xi32, #tpu.memory_space<vmem>> -> memref<1x128xi32, #tpu.memory_space<vmem>>
      %dma_wait3A_651 = tpu.memref_squeeze %dma_wait3A_650 : memref<1x128xi32, #tpu.memory_space<vmem>> -> memref<128xi32, #tpu.memory_space<vmem>>
      %dma_wait3A_652 = arith.constant 0 : i32
      %dma_wait3A_653 = arith.constant 0 : i32
      %dma_wait3A_654 = tpu.memref_slice %arg10[%dma_wait3A_652, %dma_wait3A_653] : memref<10240x128xf32, #tpu.memory_space<vmem_shared>> -> memref<10240x128xf32, #tpu.memory_space<vmem_shared>>
      tpu.wait_indirect_dma semaphore(%arg20 : memref<!tpu.dma_semaphore, #tpu.memory_space<semaphore_mem>>) src(%arg15 : memref<128x128xf32, #tpu.memory_space<vmem>>) dst(%dma_wait3A_654 : memref<10240x128xf32, #tpu.memory_space<vmem_shared>>)
      %dma_wait3A_655 = arith.constant 0 : i32
      %dma_wait3A_656 = arith.constant 0 : i32
      %dma_wait3A_657 = tpu.memref_slice %arg12[%dma_wait3A_655, %dma_wait3A_656] : memref<16x128xi32, #tpu.memory_space<vmem>> -> memref<1x128xi32, #tpu.memory_space<vmem>>
      %dma_wait3A_658 = tpu.memref_squeeze %dma_wait3A_657 : memref<1x128xi32, #tpu.memory_space<vmem>> -> memref<128xi32, #tpu.memory_space<vmem>>
      %dma_wait3A_659 = arith.constant 0 : i32
      %dma_wait3A_660 = tpu.memref_slice %arg11[%dma_wait3A_659] : memref<10240xf32, #tpu.memory_space<vmem_shared>> -> memref<10240xf32, #tpu.memory_space<vmem_shared>>
      tpu.wait_indirect_dma semaphore(%arg21 : memref<!tpu.dma_semaphore, #tpu.memory_space<semaphore_mem>>) src(%arg16 : memref<128xf32, #tpu.memory_space<vmem>>) dst(%dma_wait3A_660 : memref<10240xf32, #tpu.memory_space<vmem_shared>>)
      %dma_wait3A_661 = arith.constant 0 : i32
      %dma_wait3A_662 = arith.constant 0 : i32
      %dma_wait3A_663 = tpu.memref_slice %arg12[%dma_wait3A_661, %dma_wait3A_662] : memref<16x128xi32, #tpu.memory_space<vmem>> -> memref<1x128xi32, #tpu.memory_space<vmem>>
      %dma_wait3A_664 = tpu.memref_squeeze %dma_wait3A_663 : memref<1x128xi32, #tpu.memory_space<vmem>> -> memref<128xi32, #tpu.memory_space<vmem>>
      %dma_wait3A_665 = arith.constant 0 : i32
      %dma_wait3A_666 = tpu.memref_slice %arg11[%dma_wait3A_665] : memref<10240xf32, #tpu.memory_space<vmem_shared>> -> memref<10240xf32, #tpu.memory_space<vmem_shared>>
      tpu.wait_indirect_dma semaphore(%arg22 : memref<!tpu.dma_semaphore, #tpu.memory_space<semaphore_mem>>) src(%arg16 : memref<128xf32, #tpu.memory_space<vmem>>) dst(%dma_wait3A_666 : memref<10240xf32, #tpu.memory_space<vmem_shared>>)
    }
    %barrier3A_22 = arith.constant 0 : index
    tpu.barrier barrier_id(%barrier3A_22)
    %mul3A_23 = arith.constant 640 : i32
    %mul3A_24 = arith.muli %arg1, %mul3A_23 : i32
    "tpu.region"() ({
      %run_scoped3A = tpu.sem_alloc : memref<!tpu.dma_semaphore, #tpu.memory_space<semaphore_mem>>
      %dma_start3A = arith.constant 0 : i32
      %dma_start3A_25 = tpu.memref_slice %arg8[%arg0, %mul3A_24, %dma_start3A] : memref<2x10240x128xf32, #tpu.memory_space<hbm>> -> memref<1x640x128xf32, #tpu.memory_space<hbm>>
      %dma_start3A_26 = tpu.memref_squeeze %dma_start3A_25 : memref<1x640x128xf32, #tpu.memory_space<hbm>> -> memref<640x128xf32, #tpu.memory_space<hbm>>
      %dma_start3A_27 = arith.constant 0 : i32
      %dma_start3A_28 = tpu.memref_slice %arg10[%mul3A_24, %dma_start3A_27] : memref<10240x128xf32, #tpu.memory_space<vmem_shared>> -> memref<640x128xf32, #tpu.memory_space<vmem_shared>>
      tpu.enqueue_dma source(%dma_start3A_28 : memref<640x128xf32, #tpu.memory_space<vmem_shared>>) target(%dma_start3A_26 : memref<640x128xf32, #tpu.memory_space<hbm>>) target_semaphore(%run_scoped3A : memref<!tpu.dma_semaphore, #tpu.memory_space<semaphore_mem>>)
      %dma_wait3A = arith.constant 0 : i32
      %dma_wait3A_29 = tpu.memref_slice %arg8[%arg0, %mul3A_24, %dma_wait3A] : memref<2x10240x128xf32, #tpu.memory_space<hbm>> -> memref<1x640x128xf32, #tpu.memory_space<hbm>>
      %dma_wait3A_30 = tpu.memref_squeeze %dma_wait3A_29 : memref<1x640x128xf32, #tpu.memory_space<hbm>> -> memref<640x128xf32, #tpu.memory_space<hbm>>
      %dma_wait3A_31 = arith.constant 0 : i32
      %dma_wait3A_32 = tpu.memref_slice %arg10[%mul3A_24, %dma_wait3A_31] : memref<10240x128xf32, #tpu.memory_space<vmem_shared>> -> memref<640x128xf32, #tpu.memory_space<vmem_shared>>
      tpu.wait_dma2 semaphore(%run_scoped3A : memref<!tpu.dma_semaphore, #tpu.memory_space<semaphore_mem>>) src(%dma_wait3A_32 : memref<640x128xf32, #tpu.memory_space<vmem_shared>>) dst(%dma_wait3A_30 : memref<640x128xf32, #tpu.memory_space<hbm>>)
      tpu.yield
    }) : () -> ()
    "tpu.region"() ({
      %run_scoped3A = tpu.sem_alloc : memref<!tpu.dma_semaphore, #tpu.memory_space<semaphore_mem>>
      %dma_start3A = tpu.memref_slice %arg9[%arg0, %mul3A_24] : memref<2x10240xf32, #tpu.memory_space<hbm>> -> memref<1x640xf32, #tpu.memory_space<hbm>>
      %dma_start3A_25 = tpu.memref_squeeze %dma_start3A : memref<1x640xf32, #tpu.memory_space<hbm>> -> memref<640xf32, #tpu.memory_space<hbm>>
      %dma_start3A_26 = tpu.memref_slice %arg11[%mul3A_24] : memref<10240xf32, #tpu.memory_space<vmem_shared>> -> memref<640xf32, #tpu.memory_space<vmem_shared>>
      tpu.enqueue_dma source(%dma_start3A_26 : memref<640xf32, #tpu.memory_space<vmem_shared>>) target(%dma_start3A_25 : memref<640xf32, #tpu.memory_space<hbm>>) target_semaphore(%run_scoped3A : memref<!tpu.dma_semaphore, #tpu.memory_space<semaphore_mem>>)
      %dma_wait3A = tpu.memref_slice %arg9[%arg0, %mul3A_24] : memref<2x10240xf32, #tpu.memory_space<hbm>> -> memref<1x640xf32, #tpu.memory_space<hbm>>
      %dma_wait3A_27 = tpu.memref_squeeze %dma_wait3A : memref<1x640xf32, #tpu.memory_space<hbm>> -> memref<640xf32, #tpu.memory_space<hbm>>
      %dma_wait3A_28 = tpu.memref_slice %arg11[%mul3A_24] : memref<10240xf32, #tpu.memory_space<vmem_shared>> -> memref<640xf32, #tpu.memory_space<vmem_shared>>
      tpu.wait_dma2 semaphore(%run_scoped3A : memref<!tpu.dma_semaphore, #tpu.memory_space<semaphore_mem>>) src(%dma_wait3A_28 : memref<640xf32, #tpu.memory_space<vmem_shared>>) dst(%dma_wait3A_27 : memref<640xf32, #tpu.memory_space<hbm>>)
      tpu.yield
    }) : () -> ()
    return
  }
}

module attributes {stable_mosaic.version = 14 : i64} {
  func.func @body(%arg0: i32, %arg1: memref<2x256x128xf32, #tpu.memory_space<vmem>>, %arg2: memref<256x2xf32, #tpu.memory_space<vmem>>, %arg3: memref<256x128xf32, #tpu.memory_space<vmem>>, %arg4: memref<128x128xf32, #tpu.memory_space<vmem>>, %arg5: memref<1x128xf32, #tpu.memory_space<vmem>>, %arg6: memref<256x128xf32, #tpu.memory_space<vmem>>) attributes {dimension_semantics = [#tpu.dimension_semantics<arbitrary>], iteration_bounds = array<i64: 40>, scalar_prefetch = 0 : i64, scratch_operands = 0 : i64, tpu.core_type = #tpu.core_type<tc>, window_params = [{transform_indices = @transform_0, window_bounds = array<i64: 2, 256, 128>}, {transform_indices = @transform_1, window_bounds = array<i64: 256, 2>}, {transform_indices = @transform_2, window_bounds = array<i64: 256, 128>}, {pipeline_mode = #tpu.pipeline_mode<synchronous>, transform_indices = @transform_3, window_bounds = array<i64: 128, 128>}, {pipeline_mode = #tpu.pipeline_mode<synchronous>, transform_indices = @transform_4, window_bounds = array<i64: 1, 128>}, {transform_indices = @transform_5, window_bounds = array<i64: 256, 128>}]} {
    %get3A = arith.constant 0 : index
    %get3A_0 = arith.constant 0 : index
    %get3A_1 = arith.constant 0 : index
    %get3A_2 = vector.load %arg1[%get3A, %get3A_0, %get3A_1] : memref<2x256x128xf32, #tpu.memory_space<vmem>>, vector<1x256x128xf32>
    %get3A_3 = vector.shape_cast %get3A_2 : vector<1x256x128xf32> to vector<256x128xf32>
    %get3A_4 = arith.constant 1 : index
    %get3A_5 = arith.constant 0 : index
    %get3A_6 = arith.constant 0 : index
    %get3A_7 = vector.load %arg1[%get3A_4, %get3A_5, %get3A_6] : memref<2x256x128xf32, #tpu.memory_space<vmem>>, vector<1x256x128xf32>
    %get3A_8 = vector.shape_cast %get3A_7 : vector<1x256x128xf32> to vector<256x128xf32>
    %add3A = arith.addf %get3A_3, %get3A_8 : vector<256x128xf32>
    %get3A_9 = arith.constant 0 : index
    %get3A_10 = arith.constant 0 : index
    %get3A_11 = vector.load %arg2[%get3A_9, %get3A_10] : memref<256x2xf32, #tpu.memory_space<vmem>>, vector<256x2xf32>
    %slice3A = vector.extract_strided_slice %get3A_11 {offsets = [0, 0], sizes = [256, 1], strides = [1, 1]} : vector<256x2xf32> to vector<256x1xf32>
    %slice3A_12 = vector.extract_strided_slice %get3A_11 {offsets = [0, 1], sizes = [256, 1], strides = [1, 1]} : vector<256x2xf32> to vector<256x1xf32>
    %add3A_13 = arith.addf %slice3A, %slice3A_12 : vector<256x1xf32>
    %max3A = arith.constant 1.000000e+00 : f32
    %max3A_14 = vector.broadcast %max3A : f32 to vector<256x1xf32>
    %max3A_15 = arith.maximumf %add3A_13, %max3A_14 : vector<256x1xf32>
    %div3A = vector.broadcast %max3A_15 : vector<256x1xf32> to vector<256x128xf32>
    %div3A_16 = arith.divf %add3A, %div3A : vector<256x128xf32>
    %get3A_17 = arith.constant 0 : index
    %get3A_18 = arith.constant 0 : index
    %get3A_19 = vector.load %arg3[%get3A_17, %get3A_18] : memref<256x128xf32, #tpu.memory_space<vmem>>, vector<256x128xf32>
    %add3A_20 = arith.addf %div3A_16, %get3A_19 : vector<256x128xf32>
    %get3A_21 = arith.constant 0 : index
    %get3A_22 = arith.constant 0 : index
    %get3A_23 = vector.load %arg4[%get3A_21, %get3A_22] : memref<128x128xf32, #tpu.memory_space<vmem>>, vector<128x128xf32>
    %dot_general3A = arith.constant dense<0.000000e+00> : vector<256x128xf32>
    %dot_general3A_24 = tpu.matmul %add3A_20, %get3A_23, %dot_general3A {dimension_numbers = #tpu.dot_dimension_numbers<[1], [1], [0], [0], [0, 0, 1, 0], [], []>, transpose_lhs_hint = false} : vector<256x128xf32>, vector<128x128xf32>, vector<256x128xf32> -> vector<256x128xf32>
    %get3A_25 = arith.constant 0 : index
    %get3A_26 = arith.constant 0 : index
    %get3A_27 = vector.load %arg5[%get3A_25, %get3A_26] : memref<1x128xf32, #tpu.memory_space<vmem>>, vector<1x128xf32>
    %add3A_28 = vector.broadcast %get3A_27 : vector<1x128xf32> to vector<256x128xf32>
    %add3A_29 = arith.addf %dot_general3A_24, %add3A_28 : vector<256x128xf32>
    %swap3A = arith.constant 0 : index
    %swap3A_30 = arith.constant 0 : index
    %swap3A_31 = vector.load %arg6[%swap3A, %swap3A_30] : memref<256x128xf32, #tpu.memory_space<vmem>>, vector<256x128xf32>
    tpu.vector_store %arg6[%swap3A, %swap3A_30], %add3A_29 {strides = array<i32>} : memref<256x128xf32, #tpu.memory_space<vmem>>, vector<256x128xf32>,
    return
  }
  func.func @transform_0(%arg0: i32) -> (i32, i32, i32) {
    %c0_i32 = arith.constant 0 : i32
    %c0_i32_0 = arith.constant 0 : i32
    %c0_i32_1 = arith.constant 0 : i32
    return %c0_i32, %arg0, %c0_i32_0 : i32, i32, i32
  }
  func.func @transform_1(%arg0: i32) -> (i32, i32) {
    %c0_i32 = arith.constant 0 : i32
    %c0_i32_0 = arith.constant 0 : i32
    return %arg0, %c0_i32 : i32, i32
  }
  func.func @transform_2(%arg0: i32) -> (i32, i32) {
    %c0_i32 = arith.constant 0 : i32
    %c0_i32_0 = arith.constant 0 : i32
    return %arg0, %c0_i32 : i32, i32
  }
  func.func @transform_3(%arg0: i32) -> (i32, i32) {
    %c0_i32 = arith.constant 0 : i32
    %c0_i32_0 = arith.constant 0 : i32
    %c0_i32_1 = arith.constant 0 : i32
    return %c0_i32, %c0_i32_0 : i32, i32
  }
  func.func @transform_4(%arg0: i32) -> (i32, i32) {
    %c0_i32 = arith.constant 0 : i32
    %c0_i32_0 = arith.constant 0 : i32
    %c0_i32_1 = arith.constant 0 : i32
    return %c0_i32, %c0_i32_0 : i32, i32
  }
  func.func @transform_5(%arg0: i32) -> (i32, i32) {
    %c0_i32 = arith.constant 0 : i32
    %c0_i32_0 = arith.constant 0 : i32
    return %arg0, %c0_i32 : i32, i32
  }
}

</mosaic_0001>

<sc_bundles>
// kernel: kernel.4.cloned.1.call-start
scs
__scs_entry_jumppad:
0x0: {  	(pc) =	sbr.rel $0x88, $3  }
0x1: {  	(tag) =	ssettag $0x0;
	lr =	simm.s32 $0x1  }
0x2: {  	[smem:$0x3F9D] =	sst lr;
	_ =	strace $0xD0000000  }
0x3: {  	_ = 	snop  }
0x4: {  	_ = 	snop  }
0x5: {  	_ = 	snop  }
0x6: {  	_ = 	snop  }
0x7: {  	_ = 	snop  }
__scs_overlays_trampoline_lowered:
0x8: {  	[smem:$0x3FAC] =	sst s0  }
0x9: {  	[smem:$0x3FAD] =	sst s1  }
0xa: {  	[smem:$0x3FAE] =	sst s2  }
0xb: {  	[smem:$0x3FAF] =	sst s3  }
0xc: {  	[smem:$0x3FB0] =	sst s4  }
0xd: {  	[smem:$0x3FB1] =	sst s5  }
0xe: {  	[smem:$0x3FB2] =	sst s6  }
0xf: {  	[smem:$0x3FB3] =	sst s7  }
0x10: {  	[smem:$0x3FB4] =	sst s8  }
0x11: {  	[smem:$0x3FB5] =	sst s9;
	s0 =	simm.s32 @!p0 $0x0  }
0x12: {  	s1 =	sld [smem:$0x3F9B];
	s0 =	simm.s32 @p0 $0x1  }
0x13: {  	[smem:$0x3FB6] =	sst s0;
	s0 =	simm.s32 @!p1 $0x0  }
0x14: {  	s2 =	sld [smem:$0x3F9A];
	s0 =	simm.s32 @p1 $0x1  }
0x15: {  	[smem:$0x3FB7] =	sst s0;
	s0 =	simm.s32 @!p2 $0x0  }
0x16: {  	s3 =	sld [smem:$0x3FDB];
	s0 =	simm.s32 @p2 $0x1  }
0x17: {  	s4 =	simm.s32 $0x1BF5;
	[smem:$0x3FB9] =	sst s0  }
0x18: {  	s0 =	sld [smem:$0x3F9C];
	_ =	swait.ge [sflag:s4], $0x0  }
0x19: {  	s7 =	sld [smem:$0x3F9D]  }
0x1a: {  	s8 =	sadd.s32 $0xFFFFE003, lr  }
0x1b: {  	s9 =	sadd.s32 $0xFFFFFEF7, lr;
	s5 =	simm.s32 $0xFFFFFFFF;
	p2 =	slt.u32 s8, $0xFFFFF086  }
0x1c: {  	p1 =	slt.u32 s9, $0xF7A;
	s5 =	simm.s32 @!p2 $0x0  }
0x1d: {  	s5 =	simm.s32 @p1 $0x1;
	p0 =	seq.s32 s7, s2  }
0x1e: {  	s7 =	smul.u32 @!p0 $0xF7A, s2;
	p2 =	seq.s32 @!p0 s5, $0x0  }
0x1f: {  	s9 =	smul.u32 $0xF7A, s1;
	s8 =	simm.s32 @!p0 $0x1BF5;
	p2 =	por !p2, p0  }
0x20: {  	[sflag:s8] =	ssyncset.s32 @!p0 $0xFFFFF086;
	s6 =	sadd.s32 @!p0 s3, s7;
	s7 =	simm.s32 @!p0 $0x108  }
0x21: {  	s3 =	sadd.s32 s3, s9;
	s6 =	sadd.s32 @!p0 $0x88, s6;
	s7 =	simm.s32 @p2 $0x1082  }
0x22: {  	[simem:s7], [sflag:s8] =	dma.local @!p0 [hbm:s6], $0xF7A  }
0x23: {  	s9 =	sor.u32 $0xD0000000, s2;
	s6 =	simm.s32 $0x108;
	_ =	swait.ge @!p0 [sflag:s8], $0x0  }
0x24: {  	s3 =	sadd.s32 $0x88, s3;
	s6 =	simm.s32 @!p1 $0x1082;
	[sflag:s4] =	ssyncset.s32 $0xFFFFF086  }
0x25: {  	[simem:s6], [sflag:s4] =	dma.local [hbm:s3], $0xF7A  }
0x26: {  	[smem:$0x3F9D] =	sst s1;
	(tag) =	ssettag s2;
	_ =	strace s9  }
0x27: {  	s1 =	sld [smem:$0x3FAD]  }
0x28: {  	s2 =	sld [smem:$0x3FAE]  }
0x29: {  	s4 =	sld [smem:$0x3FB0]  }
0x2a: {  	p0 =	seq.s32 s5, $0x0;
	s5 =	sld [smem:$0x3FB1]  }
0x2b: {  	s6 =	sld [smem:$0x3FB2]  }
0x2c: {  	s7 =	sld [smem:$0x3FB3]  }
0x2d: {  	s3 =	simm.s32 $0x108;
	s8 =	sld [smem:$0x3FB4]  }
0x2e: {  	s3 =	simm.s32 @!p0 $0x1082;
	s9 =	sld [smem:$0x3FB5]  }
0x2f: {  	lr =	sadd.s32 s0, s3;
	s0 =	sld [smem:$0x3FAC]  }
0x30: {  	s3 =	sld [smem:$0x3FAF]  }
0x31: {  	[smem:$0x3FB8] =	sst s10  }
0x32: {  	s10 =	sld [smem:$0x3FB6];
	_ =	sdelay $0x3  }
0x33: {  	p0 =	seq.s32 s10, $0x1;
	s10 =	sld [smem:$0x3FB8];
	_ =	sdelay $0x3  }
0x34: {  	[smem:$0x3FB8] =	sst s10  }
0x35: {  	s10 =	sld [smem:$0x3FB7];
	_ =	sdelay $0x3  }
0x36: {  	p1 =	seq.s32 s10, $0x1;
	s10 =	sld [smem:$0x3FB8];
	_ =	sdelay $0x3  }
0x37: {  	[smem:$0x3FB8] =	sst s10  }
0x38: {  	s10 =	sld [smem:$0x3FB9]  }
0x39: {  	_ = 	snop;
	(pc) =	sbr.ind lr, $3  }
0x3a: {  	_ = 	snop  }
0x3b: {  	_ = 	snop  }
0x3c: {  	p2 =	seq.s32 s10, $0x1;
	s10 =	sld [smem:$0x3FB8]  }
0x3d: {  	_ =	shalt  }
0x3e: {  	_ =	shalt  }
0x3f: {  	_ =	shalt  }
0x40: {  	_ =	shalt  }
0x41: {  	_ =	shalt  }
0x42: {  	_ =	shalt  }
0x43: {  	_ =	shalt  }
0x44: {  	_ =	shalt  }
0x45: {  	_ =	shalt  }
0x46: {  	_ =	shalt  }
0x47: {  	_ =	shalt  }
0x48: {  	_ =	shalt  }
0x49: {  	_ =	shalt  }
0x4a: {  	_ =	shalt  }
0x4b: {  	_ =	shalt  }
0x4c: {  	_ =	shalt  }
0x4d: {  	_ =	shalt  }
0x4e: {  	_ =	shalt  }
0x4f: {  	_ =	shalt  }
0x50: {  	_ =	shalt  }
0x51: {  	_ =	shalt  }
0x52: {  	_ =	shalt  }
0x53: {  	_ =	shalt  }
0x54: {  	_ =	shalt  }
0x55: {  	_ =	shalt  }
0x56: {  	_ =	shalt  }
0x57: {  	_ =	shalt  }
0x58: {  	_ =	shalt  }
0x59: {  	_ =	shalt  }
0x5a: {  	_ =	shalt  }
0x5b: {  	_ =	shalt  }
0x5c: {  	_ =	shalt  }
0x5d: {  	_ =	shalt  }
0x5e: {  	_ =	shalt  }
0x5f: {  	_ =	shalt  }
0x60: {  	_ =	shalt  }
0x61: {  	_ =	shalt  }
0x62: {  	_ =	shalt  }
0x63: {  	_ =	shalt  }
0x64: {  	_ =	shalt  }
0x65: {  	_ =	shalt  }
0x66: {  	_ =	shalt  }
0x67: {  	_ =	shalt  }
0x68: {  	_ =	shalt  }
0x69: {  	_ =	shalt  }
0x6a: {  	_ =	shalt  }
0x6b: {  	_ =	shalt  }
0x6c: {  	_ =	shalt  }
0x6d: {  	_ =	shalt  }
0x6e: {  	_ =	shalt  }
0x6f: {  	_ =	shalt  }
0x70: {  	_ =	shalt  }
0x71: {  	_ =	shalt  }
0x72: {  	_ =	shalt  }
0x73: {  	_ =	shalt  }
0x74: {  	_ =	shalt  }
0x75: {  	_ =	shalt  }
0x76: {  	_ =	shalt  }
0x77: {  	_ =	shalt  }
0x78: {  	_ =	shalt  }
0x79: {  	_ =	shalt  }
0x7a: {  	_ =	shalt  }
0x7b: {  	_ =	shalt  }
0x7c: {  	_ =	shalt  }
0x7d: {  	_ =	shalt  }
0x7e: {  	_ =	shalt  }
0x7f: {  	_ =	shalt  }
0x80: {  	_ =	shalt  }
0x81: {  	_ =	shalt  }
0x82: {  	_ =	shalt  }
0x83: {  	_ =	shalt  }
0x84: {  	_ =	shalt  }
0x85: {  	_ =	shalt  }
0x86: {  	_ =	shalt  }
0x87: {  	_ =	shalt  }
.Lfunc_end0:
.L_simem_size_0:
called_computation_lowered:
.L_overlay_start_0:
0x88: {  	s2 =	sld [smem:$0x3FD9]  }
0x89: {  	s3 =	sld [smem:$0x3FFE];
	_ =	sdelay $0x1  }
0x8a: {  	s1 =	srdreg.scid  }
0x8b: {  	s0 =	sand.u32 $0x1, s1  }
0x8c: {  	s17 =	sshll.u32 s0, $0xA;
	s2 =	sadd.s32 s3, s2  }
0x8d: {  	s2 =	sadd.s32 s2, s17  }
0x8e: {  	[smem:$0x3FC4] =	sst s2  }
0x8f: {  	_ = 	snop  }
0x90: {  	s2 =	sld [smem:$0x3FD0];
	(tm) =	ssettm $0x1  }
0x91: {  	s18 =	sld [smem:$0x3FFB];
	_ =	sdelay $0x3  }
0x92: {  	_ =	strace s18  }
0x93: {  	s3 =	sld [smem:$0x3FFC];
	_ =	sdelay $0x3  }
0x94: {  	_ =	strace s3  }
0x95: {  	s3 =	sld [smem:$0x3FFD];
	_ =	sdelay $0x3  }
0x96: {  	_ =	strace s3  }
0x97: {  	_ =	strace $0x8FFFFFFF  }
0x98: {  	s19 =	sld [smem:$0x3FDB];
	_ =	sdelay $0x1  }
0x99: {  	s4 =	simm.s32 $_scs_section_size  }
0x9a: {  	s5 =	simm.s32 $_size__tile_overlayer_lowered;
	s6 =	simm.s32 $_tile_overlayer_lowered  }
0x9b: {  	s22 =	simm.s32 $0x1BFF;
	s21 =	sshll.u32 s6, $0x1;
	s3 =	sadd.s32 s4, s19  }
0x9c: {  	s7 =	simm.s32 $0x0;
	s20 =	sshll.u32 s5, $0x1;
	s5 =	sadd.s32 s21, s3  }
0x9d: {  	[timem:s7], [sflag:s22] =	dma.local [hbm:s5], s20  }
0x9e: {  	_ =	swait.ge [sflag:s22], s20  }
0x9f: {  	s4 =	ssub.s32 $0x0, s20;
	[sflag:s22] =	ssyncset.done $0x0  }
0xa0: {  	[sflag:s22] =	ssyncadd.s32 s4;
	_ =	sdelay $0x1  }
0xa1: {  	s23 =	simm.s32 $0x1B8B  }
0xa2: {  	_ =	swait.ge [sflag:s23], $0x1  }
0xa3: {  	[sflag:s23] =	ssyncset.done $0x0  }
0xa4: {  	s25 =	simm.s32 $0x1B8E;
	s24 =	sld [smem:$0x3FFE];
	[sflag:s23] =	ssyncadd.s32 $0xFFFFFFFF  }
0xa5: {  	s26 =	simm.s32 $execute0_lowered;
	[smem:$0x3FD2] =	sst s25  }
0xa6: {  	s5 =	sshll.u32 s26, $0x1;
	_ =	strace $0x80000046;
	[dreg:$0x1] =	wrdreg $0xFFFFFFFF  }
0xa7: {  	s28 =	simm.s32 $_size_execute0_lowered;
	s3 =	sadd.s32 s3, s5;
	[dreg:$0x0] =	wrdreg $0x0  }
0xa8: {  	s5 =	sshll.u32 s28, $0x1;
	[dreg:$0x2] =	wrdreg s3  }
0xa9: {  	[dreg:$0x3] =	wrdreg s5  }
0xaa: {  	[dreg:$0x4] =	wrdreg $0xC0  }
0xab: {  	_ =	task [dreg:s7], $0x5FFFF  }
0xac: {  	[dreg:$0x1] =	wrdreg $0xFFFFFFFF  }
0xad: {  	[dreg:$0x0] =	wrdreg $0x60  }
0xae: {  	[dreg:$0x2] =	wrdreg s24  }
0xaf: {  	[dreg:$0x3] =	wrdreg s2  }
0xb0: {  	[dreg:$0x4] =	wrdreg $0x0  }
0xb1: {  	[dreg:$0x5] =	wrdreg $0x140000  }
0xb2: {  	[dreg:$0x6] =	wrdreg $0x9  }
0xb3: {  	_ =	task.clear_ibuf [dreg:s7], $0x7FFFF;
	_ =	strace $0x90000046  }
0xb4: {  	s29 =	simm.s32 $0x9;
	_ =	strace $0x80000048  }
0xb5: {  	_ =	swait.ge [sflag:s29], $0x1  }
0xb6: {  	[sflag:s29] =	ssyncadd.s32 $0xFFFFFFFF  }
0xb7: {  	_ =	strace $0x90000048  }
0xb8: {  	_ =	sfence  }
0xb9: {  	s30 =	sld [smem:$0x0];
	_ =	sdelay $0x2  }
0xba: {  	s31 =	sshll.u32 s1, $0xD;
	s1 =	sshrl.u32 s1, $0x2  }
0xbb: {  	s3 =	sand.u32 $0x4000, s31;
	s1 =	sadd.s32 s1, s30  }
0xbc: {  	s0 =	sor.u32 s3, s0;
	s1 =	sshll.u32 s1, $0x11  }
0xbd: {  	s0 =	sor.u32 s1, s0  }
0xbe: {  	s0 =	sadd.s32 $0x8F2B, s0  }
0xbf: {  	[sflag:s0] =	ssyncadd.remote.s32 $0x1  }
0xc0: {  	_ =	sfence.sel $0xFFFF  }
0xc1: {  	[dreg:$0x0] =	wrdreg $0xFFFFFFFF;
	(pc) =	sbr.abs _section_cstart, $3  }
0xc2: {  	[dreg:$0x1] =	wrdreg $0xFFFFFFFF  }
0xc3: {  	_ =	task.clear_ibuf [dreg:s7], $0x2FFFF;
	_ =	strace $0x9FFFFFFF  }
0xc4: {  	(tm) =	ssettm $0x7FFFFFFF  }
0xc5: {  	_ =	shalt  }
tec
execute0_lowered:
.L_overlay_start_1:
0x0: {  	(tag) =	ssettag $0x1  }
0x1: {  	s0 =	rddreg [dreg:$0x0]  }
0x2: {  	s1 =	rddreg [dreg:$0x1]  }
0x3: {  	s2 =	rddreg [dreg:$0x2]  }
0x4: {  	s3 =	rddreg [dreg:$0x3];
	s4 =	srdreg.scid  }
0x5: {  	s14 =	stileid.u32;
	s15 =	simm.s32 $0x0;
	s29 =	simm.s32 $0x3  }
0x6: {  	s31 =	simm.s32 $0x5;
	s4 =	sand.u32 $0x1, s4;
	s5 =	smul.u32 $0x9, s14  }
0x7: {  	[smem:$0x7FF] =	sst s15;
	s6 =	sor.u32 $0x90, s14;
	s8 =	smul.u32 $0x14000, s14  }
0x8: {  	s10 =	sadd.s32 $0x33400, s0;
	s12 =	sadd.s32 $0x33200, s0;
	s13 =	smul.u32 $0x500, s14  }
0x9: {  	s16 =	sadd.s32 $0x33000, s0;
	_ =	strace $0x80000047;
	[dreg:$0x5] =	wrdreg s10  }
0xa: {  	s11 =	smul.u32 $0x50000, s14;
	s21 =	sshll.u32 s14, $0x6;
	[dreg:$0x6] =	wrdreg s12  }
0xb: {  	p0 =	seq.s32 s4, $0x0;
	s7 =	smul.u32 $0x140000, s4;
	[dreg:$0x7] =	wrdreg s16  }
0xc: {  	s17 =	sshll.u32 s4, $0x7;
	s18 =	ssub.s32 $0x2, s4;
	s24 =	sor.u32 $0x1C07, s21  }
0xd: {  	s16 =	simm.s32 $0x7;
	s21 =	simm.s32 $0x80;
	s6 =	smov.u32 @p0 s5  }
0xe: {  	s5 =	sadd.s32 $0xB000, s0;
	s12 =	sshrl.u32 s18, $0x1;
	s20 =	sshrl.u32 s11, $0x2  }
0xf: {  	p0 =	sne.s32 s4, $0x0;
	[dreg:$0x8] =	wrdreg s24;
	s11 =	simm.s32 $0x14680  }
0x10: {  	s6 =	sshll.u32 s6, $0x8;
	s7 =	sadd.s32 s8, s7;
	s8 =	sor.u32 s17, s13  }
0x11: {  	s13 =	smul.u32 $0xA00, s14;
	s19 =	ssub.s32 s18, s12;
	s10 =	sadd.s32 s20, s2  }
0x12: {  	s18 =	simm.s32 $0x1D280;
	s12 =	simm.s32 $0x14980;
	s14 =	simm.s32 $0x14A00  }
0x13: {  	s9 =	sadd.s32 s6, s0;
	s7 =	sshrl.u32 s7, $0x3;
	s8 =	sshrl.u32 s8, $0x3  }
0x14: {  	s25 =	smax.u32 s19, $0x1;
	s26 =	sadd.s32 s6, s1;
	s30 =	sshrl.u32 s10, $0x3  }
0x15: {  	s19 =	simm.s32 $0x14280;
	s1 =	simm.s32 $0x4;
	s10 =	simm.s32 $0x14900  }
0x16: {  	s7 =	sadd.s32 s7, s0;
	s0 =	sadd.s32 s8, s0;
	[dreg:$0xb] =	wrdreg s25  }
0x17: {  	s22 =	sshrl.u32 s13, $0x2;
	[dreg:$0xc] =	wrdreg s26;
	s28 =	sadd.s32 $0x1000, s9  }
0x18: {  	s25 =	simm.s32 $0x19280;
	s26 =	simm.s32 $0x2;
	[dreg:$0xe] =	wrdreg s30  }
0x19: {  	s8 =	simm.s32 $0x14500;
	s13 =	simm.s32 $0x14580;
	s9 =	simm.s32 $0x14600  }
0x1a: {  	s23 =	sadd.s32 s22, s3;
	s7 =	sadd.s32 $0x36600, s7;
	[dreg:$0xd] =	wrdreg s28  }
0x1b: {  	s0 =	sadd.s32 $0x35C00, s0;
	s22 =	simm.s32 $0x15280;
	[dreg:$0x9] =	wrdreg s7  }
0x1c: {  	[dreg:$0xa] =	wrdreg s0;
	s20 =	sshrl.u32 s23, $0x3;
	s23 =	simm.s32 $0x1  }
0x1d: {  	s7 =	simm.s32 $0x6;
	s0 =	simm.s32 $0x0;
	[dreg:$0xf] =	wrdreg s20  }
.LBB2_1:
0x1e: {  	[dreg:$0x10] =	wrdreg s0  }
0x1f: {  	s6 =	rddreg [dreg:$0x5]  }
0x20: {  	[spmem:s30], [sflag:s24] =	dma.local [hbm:s6], $0x2800  }
0x21: {  	_ =	swait.ge [sflag:s16], $0x2800  }
0x22: {  	[sflag:s16] =	ssyncset.done $0x0  }
0x23: {  	s17 =	rddreg [dreg:$0x6];
	[sflag:s16] =	ssyncadd.s32 $0xFFFFD800  }
0x24: {  	[spmem:s20], [sflag:s24] =	dma.local [hbm:s17], $0x50  }
0x25: {  	_ =	swait.ge [sflag:s16], $0x50  }
0x26: {  	[sflag:s16] =	ssyncset.done $0x0  }
0x27: {  	s28 =	rddreg [dreg:$0x7];
	[sflag:s16] =	ssyncadd.s32 $0xFFFFFFB0  }
0x28: {  	[tilespmem:s18], [sflag:$0x7] =	stream.linear.gather [hbm4b:s28+s15], $0x80, $0x38;
	[tilespmem:$0x1D300] =	vst v63  }
0x29: {  	_ =	swait.ge [sflag:s16], $0x80  }
0x2a: {  	[sflag:s16] =	ssyncset.done $0x0  }
0x2b: {  	[sflag:s16] =	ssyncadd.s32 $0xFFFFFF80  }
0x2c: {  	s0 =	simm.s32 $0x14700;
	[bflag:$0x0] =	sbarrier.arrive $0xFFFF  }
0x2d: {  	s4 =	simm.s32 $0x14800;
	s30 =	simm.s32 $0x0;
	s20 =	rddreg [dreg:$0xd]  }
0x2e: {  	s6 =	simm.s32 $0x14880;
	s15 =	simm.s32 $0x14780;
	s24 =	rddreg [dreg:$0xc]  }
.LBB2_2:
0x2f: {  	s17 =	simm.s32 $0x0  }
0x30: {  	[tilespmem:s19], [sflag:$0x7] =	stream.linear.gather [hbm4b:s20+s17], $0x800, $0x38;
	[tilespmem:$0x1D300] =	vst v63  }
0x31: {  	_ =	swait.ge [sflag:s16], $0x800  }
0x32: {  	[sflag:s16] =	ssyncset.done $0x0  }
0x33: {  	s28 =	simm.s32 $0x14A80;
	[sflag:s16] =	ssyncadd.s32 $0xFFFFF800  }
0x34: {  	[tilespmem:s28], [sflag:$0x7] =	stream.linear.gather [hbm4b:s24+s17], $0x800, $0x38;
	[tilespmem:$0x1D300] =	vst v63  }
0x35: {  	_ =	swait.ge [sflag:s16], $0x800  }
0x36: {  	[sflag:s16] =	ssyncset.done $0x0  }
0x37: {  	[sflag:s16] =	ssyncadd.s32 $0xFFFFF800  }
0x38: {  	[tilespmem:s22], [sflag:$0x1] =	stream.indirect.gather [hbm4b:s5+s21], $0x80, s19, s21, $0xb8;
	[tilespmem:$0x1D300] =	vst v63  }
0x39: {  	_ =	swait.ge [sflag:s23], $0x4000  }
0x3a: {  	[sflag:s23] =	ssyncset.done $0x0  }
0x3b: {  	[sflag:s23] =	ssyncadd.s32 $0xFFFFC000  }
0x3c: {  	[spmem:s2] =	stream.indirect.scatter.add.f32 [tilespmem:s22], [sflag:$0x3], $0x80, s28, s21, $0xb8;
	[tilespmem:$0x1D300] =	vst v63  }
0x3d: {  	_ = 	snop  }
0x3e: {  	[spmem:s3] =	stream.indirect.scatter.add.f32 [tilespmem:s18], [sflag:$0x5], $0x1, s19, s21, $0xb8;
	[tilespmem:$0x1D300] =	vst v63  }
0x3f: {  	s17 =	simm.s32 $0x14300  }
0x40: {  	[tilespmem:s25], [sflag:$0x2] =	stream.indirect.gather [hbm4b:s5+s21], $0x80, s17, s21, $0xb8;
	[tilespmem:$0x1D300] =	vst v63  }
0x41: {  	_ =	swait.ge [sflag:s26], $0x4000  }
0x42: {  	[sflag:s26] =	ssyncset.done $0x0  }
0x43: {  	s28 =	simm.s32 $0x14B00;
	[sflag:s26] =	ssyncadd.s32 $0xFFFFC000  }
0x44: {  	[spmem:s2] =	stream.indirect.scatter.add.f32 [tilespmem:s25], [sflag:$0x4], $0x80, s28, s21, $0xb8;
	[tilespmem:$0x1D300] =	vst v63  }
0x45: {  	_ = 	snop  }
0x46: {  	[spmem:s3] =	stream.indirect.scatter.add.f32 [tilespmem:s18], [sflag:$0x6], $0x1, s17, s21, $0xb8;
	[tilespmem:$0x1D300] =	vst v63  }
0x47: {  	_ =	swait.ge [sflag:s29], $0x4000  }
0x48: {  	[sflag:s29] =	ssyncset.done $0x0  }
0x49: {  	s17 =	simm.s32 $0x14380;
	[sflag:s29] =	ssyncadd.s32 $0xFFFFC000  }
0x4a: {  	[tilespmem:s22], [sflag:$0x1] =	stream.indirect.gather [hbm4b:s5+s21], $0x80, s17, s21, $0xb8;
	[tilespmem:$0x1D300] =	vst v63  }
0x4b: {  	_ =	swait.ge [sflag:s23], $0x4000  }
0x4c: {  	[sflag:s23] =	ssyncset.done $0x0  }
0x4d: {  	[sflag:s23] =	ssyncadd.s32 $0xFFFFC000  }
0x4e: {  	_ =	swait.ge [sflag:s31], $0x80  }
0x4f: {  	[sflag:s31] =	ssyncset.done $0x0  }
0x50: {  	s28 =	simm.s32 $0x14B80;
	[sflag:s31] =	ssyncadd.s32 $0xFFFFFF80  }
0x51: {  	[spmem:s2] =	stream.indirect.scatter.add.f32 [tilespmem:s22], [sflag:$0x3], $0x80, s28, s21, $0xb8;
	[tilespmem:$0x1D300] =	vst v63  }
0x52: {  	_ = 	snop  }
0x53: {  	[spmem:s3] =	stream.indirect.scatter.add.f32 [tilespmem:s18], [sflag:$0x5], $0x1, s17, s21, $0xb8;
	[tilespmem:$0x1D300] =	vst v63  }
0x54: {  	_ =	swait.ge [sflag:s1], $0x4000  }
0x55: {  	[sflag:s1] =	ssyncset.done $0x0  }
0x56: {  	s17 =	simm.s32 $0x14400;
	[sflag:s1] =	ssyncadd.s32 $0xFFFFC000  }
0x57: {  	[tilespmem:s25], [sflag:$0x2] =	stream.indirect.gather [hbm4b:s5+s21], $0x80, s17, s21, $0xb8;
	[tilespmem:$0x1D300] =	vst v63  }
0x58: {  	_ =	swait.ge [sflag:s26], $0x4000  }
0x59: {  	[sflag:s26] =	ssyncset.done $0x0  }
0x5a: {  	[sflag:s26] =	ssyncadd.s32 $0xFFFFC000  }
0x5b: {  	_ =	swait.ge [sflag:s7], $0x80  }
0x5c: {  	[sflag:s7] =	ssyncset.done $0x0  }
0x5d: {  	s28 =	simm.s32 $0x14C00;
	[sflag:s7] =	ssyncadd.s32 $0xFFFFFF80  }
0x5e: {  	[spmem:s2] =	stream.indirect.scatter.add.f32 [tilespmem:s25], [sflag:$0x4], $0x80, s28, s21, $0xb8;
	[tilespmem:$0x1D300] =	vst v63  }
0x5f: {  	_ = 	snop  }
0x60: {  	[spmem:s3] =	stream.indirect.scatter.add.f32 [tilespmem:s18], [sflag:$0x6], $0x1, s17, s21, $0xb8;
	[tilespmem:$0x1D300] =	vst v63  }
0x61: {  	_ =	swait.ge [sflag:s29], $0x4000  }
0x62: {  	[sflag:s29] =	ssyncset.done $0x0  }
0x63: {  	s17 =	simm.s32 $0x14480;
	[sflag:s29] =	ssyncadd.s32 $0xFFFFC000  }
0x64: {  	[tilespmem:s22], [sflag:$0x1] =	stream.indirect.gather [hbm4b:s5+s21], $0x80, s17, s21, $0xb8;
	[tilespmem:$0x1D300] =	vst v63  }
0x65: {  	_ =	swait.ge [sflag:s23], $0x4000  }
0x66: {  	[sflag:s23] =	ssyncset.done $0x0  }
0x67: {  	[sflag:s23] =	ssyncadd.s32 $0xFFFFC000  }
0x68: {  	_ =	swait.ge [sflag:s31], $0x80  }
0x69: {  	[sflag:s31] =	ssyncset.done $0x0  }
0x6a: {  	s28 =	simm.s32 $0x14C80;
	[sflag:s31] =	ssyncadd.s32 $0xFFFFFF80  }
0x6b: {  	[spmem:s2] =	stream.indirect.scatter.add.f32 [tilespmem:s22], [sflag:$0x3], $0x80, s28, s21, $0xb8;
	[tilespmem:$0x1D300] =	vst v63  }
0x6c: {  	_ = 	snop  }
0x6d: {  	[spmem:s3] =	stream.indirect.scatter.add.f32 [tilespmem:s18], [sflag:$0x5], $0x1, s17, s21, $0xb8;
	[tilespmem:$0x1D300] =	vst v63  }
0x6e: {  	_ =	swait.ge [sflag:s1], $0x4000  }
0x6f: {  	[sflag:s1] =	ssyncset.done $0x0  }
0x70: {  	[sflag:s1] =	ssyncadd.s32 $0xFFFFC000  }
0x71: {  	[tilespmem:s25], [sflag:$0x2] =	stream.indirect.gather [hbm4b:s5+s21], $0x80, s8, s21, $0xb8;
	[tilespmem:$0x1D300] =	vst v63  }
0x72: {  	_ =	swait.ge [sflag:s26], $0x4000  }
0x73: {  	[sflag:s26] =	ssyncset.done $0x0  }
0x74: {  	[sflag:s26] =	ssyncadd.s32 $0xFFFFC000  }
0x75: {  	_ =	swait.ge [sflag:s7], $0x80  }
0x76: {  	[sflag:s7] =	ssyncset.done $0x0  }
0x77: {  	s28 =	simm.s32 $0x14D00;
	[sflag:s7] =	ssyncadd.s32 $0xFFFFFF80  }
0x78: {  	[spmem:s2] =	stream.indirect.scatter.add.f32 [tilespmem:s25], [sflag:$0x4], $0x80, s28, s21, $0xb8;
	[tilespmem:$0x1D300] =	vst v63  }
0x79: {  	_ = 	snop  }
0x7a: {  	[spmem:s3] =	stream.indirect.scatter.add.f32 [tilespmem:s18], [sflag:$0x6], $0x1, s8, s21, $0xb8;
	[tilespmem:$0x1D300] =	vst v63  }
0x7b: {  	_ =	swait.ge [sflag:s29], $0x4000  }
0x7c: {  	[sflag:s29] =	ssyncset.done $0x0  }
0x7d: {  	[sflag:s29] =	ssyncadd.s32 $0xFFFFC000  }
0x7e: {  	[tilespmem:s22], [sflag:$0x1] =	stream.indirect.gather [hbm4b:s5+s21], $0x80, s13, s21, $0xb8;
	[tilespmem:$0x1D300] =	vst v63  }
0x7f: {  	_ =	swait.ge [sflag:s23], $0x4000  }
0x80: {  	[sflag:s23] =	ssyncset.done $0x0  }
0x81: {  	[sflag:s23] =	ssyncadd.s32 $0xFFFFC000  }
0x82: {  	_ =	swait.ge [sflag:s31], $0x80  }
0x83: {  	[sflag:s31] =	ssyncset.done $0x0  }
0x84: {  	s28 =	simm.s32 $0x14D80;
	[sflag:s31] =	ssyncadd.s32 $0xFFFFFF80  }
0x85: {  	[spmem:s2] =	stream.indirect.scatter.add.f32 [tilespmem:s22], [sflag:$0x3], $0x80, s28, s21, $0xb8;
	[tilespmem:$0x1D300] =	vst v63  }
0x86: {  	_ = 	snop  }
0x87: {  	[spmem:s3] =	stream.indirect.scatter.add.f32 [tilespmem:s18], [sflag:$0x5], $0x1, s13, s21, $0xb8;
	[tilespmem:$0x1D300] =	vst v63  }
0x88: {  	_ =	swait.ge [sflag:s1], $0x4000  }
0x89: {  	[sflag:s1] =	ssyncset.done $0x0  }
0x8a: {  	[sflag:s1] =	ssyncadd.s32 $0xFFFFC000  }
0x8b: {  	[tilespmem:s25], [sflag:$0x2] =	stream.indirect.gather [hbm4b:s5+s21], $0x80, s9, s21, $0xb8;
	[tilespmem:$0x1D300] =	vst v63  }
0x8c: {  	_ =	swait.ge [sflag:s26], $0x4000  }
0x8d: {  	[sflag:s26] =	ssyncset.done $0x0  }
0x8e: {  	[sflag:s26] =	ssyncadd.s32 $0xFFFFC000  }
0x8f: {  	_ =	swait.ge [sflag:s7], $0x80  }
0x90: {  	[sflag:s7] =	ssyncset.done $0x0  }
0x91: {  	s28 =	simm.s32 $0x14E00;
	[sflag:s7] =	ssyncadd.s32 $0xFFFFFF80  }
0x92: {  	[spmem:s2] =	stream.indirect.scatter.add.f32 [tilespmem:s25], [sflag:$0x4], $0x80, s28, s21, $0xb8;
	[tilespmem:$0x1D300] =	vst v63  }
0x93: {  	_ = 	snop  }
0x94: {  	[spmem:s3] =	stream.indirect.scatter.add.f32 [tilespmem:s18], [sflag:$0x6], $0x1, s9, s21, $0xb8;
	[tilespmem:$0x1D300] =	vst v63  }
0x95: {  	_ =	swait.ge [sflag:s29], $0x4000  }
0x96: {  	[sflag:s29] =	ssyncset.done $0x0  }
0x97: {  	[sflag:s29] =	ssyncadd.s32 $0xFFFFC000  }
0x98: {  	[tilespmem:s22], [sflag:$0x1] =	stream.indirect.gather [hbm4b:s5+s21], $0x80, s11, s21, $0xb8;
	[tilespmem:$0x1D300] =	vst v63  }
0x99: {  	_ =	swait.ge [sflag:s23], $0x4000  }
0x9a: {  	[sflag:s23] =	ssyncset.done $0x0  }
0x9b: {  	[sflag:s23] =	ssyncadd.s32 $0xFFFFC000  }
0x9c: {  	_ =	swait.ge [sflag:s31], $0x80  }
0x9d: {  	[sflag:s31] =	ssyncset.done $0x0  }
0x9e: {  	s28 =	simm.s32 $0x14E80;
	[sflag:s31] =	ssyncadd.s32 $0xFFFFFF80  }
0x9f: {  	[spmem:s2] =	stream.indirect.scatter.add.f32 [tilespmem:s22], [sflag:$0x3], $0x80, s28, s21, $0xb8;
	[tilespmem:$0x1D300] =	vst v63  }
0xa0: {  	_ = 	snop  }
0xa1: {  	[spmem:s3] =	stream.indirect.scatter.add.f32 [tilespmem:s18], [sflag:$0x5], $0x1, s11, s21, $0xb8;
	[tilespmem:$0x1D300] =	vst v63  }
0xa2: {  	_ =	swait.ge [sflag:s1], $0x4000  }
0xa3: {  	[sflag:s1] =	ssyncset.done $0x0  }
0xa4: {  	[sflag:s1] =	ssyncadd.s32 $0xFFFFC000  }
0xa5: {  	[tilespmem:s25], [sflag:$0x2] =	stream.indirect.gather [hbm4b:s5+s21], $0x80, s0, s21, $0xb8;
	[tilespmem:$0x1D300] =	vst v63  }
0xa6: {  	_ =	swait.ge [sflag:s26], $0x4000  }
0xa7: {  	[sflag:s26] =	ssyncset.done $0x0  }
0xa8: {  	[sflag:s26] =	ssyncadd.s32 $0xFFFFC000  }
0xa9: {  	_ =	swait.ge [sflag:s7], $0x80  }
0xaa: {  	[sflag:s7] =	ssyncset.done $0x0  }
0xab: {  	s28 =	simm.s32 $0x14F00;
	[sflag:s7] =	ssyncadd.s32 $0xFFFFFF80  }
0xac: {  	[spmem:s2] =	stream.indirect.scatter.add.f32 [tilespmem:s25], [sflag:$0x4], $0x80, s28, s21, $0xb8;
	[tilespmem:$0x1D300] =	vst v63  }
0xad: {  	_ = 	snop  }
0xae: {  	[spmem:s3] =	stream.indirect.scatter.add.f32 [tilespmem:s18], [sflag:$0x6], $0x1, s0, s21, $0xb8;
	[tilespmem:$0x1D300] =	vst v63  }
0xaf: {  	_ =	swait.ge [sflag:s29], $0x4000  }
0xb0: {  	[sflag:s29] =	ssyncset.done $0x0  }
0xb1: {  	[sflag:s29] =	ssyncadd.s32 $0xFFFFC000  }
0xb2: {  	[tilespmem:s22], [sflag:$0x1] =	stream.indirect.gather [hbm4b:s5+s21], $0x80, s15, s21, $0xb8;
	[tilespmem:$0x1D300] =	vst v63  }
0xb3: {  	_ =	swait.ge [sflag:s23], $0x4000  }
0xb4: {  	[sflag:s23] =	ssyncset.done $0x0  }
0xb5: {  	[sflag:s23] =	ssyncadd.s32 $0xFFFFC000  }
0xb6: {  	_ =	swait.ge [sflag:s31], $0x80  }
0xb7: {  	[sflag:s31] =	ssyncset.done $0x0  }
0xb8: {  	s28 =	simm.s32 $0x14F80;
	[sflag:s31] =	ssyncadd.s32 $0xFFFFFF80  }
0xb9: {  	[spmem:s2] =	stream.indirect.scatter.add.f32 [tilespmem:s22], [sflag:$0x3], $0x80, s28, s21, $0xb8;
	[tilespmem:$0x1D300] =	vst v63  }
0xba: {  	_ = 	snop  }
0xbb: {  	[spmem:s3] =	stream.indirect.scatter.add.f32 [tilespmem:s18], [sflag:$0x5], $0x1, s15, s21, $0xb8;
	[tilespmem:$0x1D300] =	vst v63  }
0xbc: {  	_ =	swait.ge [sflag:s1], $0x4000  }
0xbd: {  	[sflag:s1] =	ssyncset.done $0x0  }
0xbe: {  	[sflag:s1] =	ssyncadd.s32 $0xFFFFC000  }
0xbf: {  	[tilespmem:s25], [sflag:$0x2] =	stream.indirect.gather [hbm4b:s5+s21], $0x80, s4, s21, $0xb8;
	[tilespmem:$0x1D300] =	vst v63  }
0xc0: {  	_ =	swait.ge [sflag:s26], $0x4000  }
0xc1: {  	[sflag:s26] =	ssyncset.done $0x0  }
0xc2: {  	[sflag:s26] =	ssyncadd.s32 $0xFFFFC000  }
0xc3: {  	_ =	swait.ge [sflag:s7], $0x80  }
0xc4: {  	[sflag:s7] =	ssyncset.done $0x0  }
0xc5: {  	s28 =	simm.s32 $0x15000;
	[sflag:s7] =	ssyncadd.s32 $0xFFFFFF80  }
0xc6: {  	[spmem:s2] =	stream.indirect.scatter.add.f32 [tilespmem:s25], [sflag:$0x4], $0x80, s28, s21, $0xb8;
	[tilespmem:$0x1D300] =	vst v63  }
0xc7: {  	_ = 	snop  }
0xc8: {  	[spmem:s3] =	stream.indirect.scatter.add.f32 [tilespmem:s18], [sflag:$0x6], $0x1, s4, s21, $0xb8;
	[tilespmem:$0x1D300] =	vst v63  }
0xc9: {  	_ =	swait.ge [sflag:s29], $0x4000  }
0xca: {  	[sflag:s29] =	ssyncset.done $0x0  }
0xcb: {  	[sflag:s29] =	ssyncadd.s32 $0xFFFFC000  }
0xcc: {  	[tilespmem:s22], [sflag:$0x1] =	stream.indirect.gather [hbm4b:s5+s21], $0x80, s6, s21, $0xb8;
	[tilespmem:$0x1D300] =	vst v63  }
0xcd: {  	_ =	swait.ge [sflag:s23], $0x4000  }
0xce: {  	[sflag:s23] =	ssyncset.done $0x0  }
0xcf: {  	[sflag:s23] =	ssyncadd.s32 $0xFFFFC000  }
0xd0: {  	_ =	swait.ge [sflag:s31], $0x80  }
0xd1: {  	[sflag:s31] =	ssyncset.done $0x0  }
0xd2: {  	s28 =	simm.s32 $0x15080;
	[sflag:s31] =	ssyncadd.s32 $0xFFFFFF80  }
0xd3: {  	[spmem:s2] =	stream.indirect.scatter.add.f32 [tilespmem:s22], [sflag:$0x3], $0x80, s28, s21, $0xb8;
	[tilespmem:$0x1D300] =	vst v63  }
0xd4: {  	_ = 	snop  }
0xd5: {  	[spmem:s3] =	stream.indirect.scatter.add.f32 [tilespmem:s18], [sflag:$0x5], $0x1, s6, s21, $0xb8;
	[tilespmem:$0x1D300] =	vst v63  }
0xd6: {  	_ =	swait.ge [sflag:s1], $0x4000  }
0xd7: {  	[sflag:s1] =	ssyncset.done $0x0  }
0xd8: {  	[sflag:s1] =	ssyncadd.s32 $0xFFFFC000  }
0xd9: {  	[tilespmem:s25], [sflag:$0x2] =	stream.indirect.gather [hbm4b:s5+s21], $0x80, s10, s21, $0xb8;
	[tilespmem:$0x1D300] =	vst v63  }
0xda: {  	_ =	swait.ge [sflag:s26], $0x4000  }
0xdb: {  	[sflag:s26] =	ssyncset.done $0x0  }
0xdc: {  	[sflag:s26] =	ssyncadd.s32 $0xFFFFC000  }
0xdd: {  	_ =	swait.ge [sflag:s7], $0x80  }
0xde: {  	[sflag:s7] =	ssyncset.done $0x0  }
0xdf: {  	s28 =	simm.s32 $0x15100;
	[sflag:s7] =	ssyncadd.s32 $0xFFFFFF80  }
0xe0: {  	[spmem:s2] =	stream.indirect.scatter.add.f32 [tilespmem:s25], [sflag:$0x4], $0x80, s28, s21, $0xb8;
	[tilespmem:$0x1D300] =	vst v63  }
0xe1: {  	_ = 	snop  }
0xe2: {  	[spmem:s3] =	stream.indirect.scatter.add.f32 [tilespmem:s18], [sflag:$0x6], $0x1, s10, s21, $0xb8;
	[tilespmem:$0x1D300] =	vst v63  }
0xe3: {  	_ =	swait.ge [sflag:s29], $0x4000  }
0xe4: {  	[sflag:s29] =	ssyncset.done $0x0  }
0xe5: {  	[sflag:s29] =	ssyncadd.s32 $0xFFFFC000  }
0xe6: {  	[tilespmem:s22], [sflag:$0x1] =	stream.indirect.gather [hbm4b:s5+s21], $0x80, s12, s21, $0xb8;
	[tilespmem:$0x1D300] =	vst v63  }
0xe7: {  	_ =	swait.ge [sflag:s23], $0x4000  }
0xe8: {  	[sflag:s23] =	ssyncset.done $0x0  }
0xe9: {  	[sflag:s23] =	ssyncadd.s32 $0xFFFFC000  }
0xea: {  	_ =	swait.ge [sflag:s31], $0x80  }
0xeb: {  	[sflag:s31] =	ssyncset.done $0x0  }
0xec: {  	s28 =	simm.s32 $0x15180;
	[sflag:s31] =	ssyncadd.s32 $0xFFFFFF80  }
0xed: {  	[spmem:s2] =	stream.indirect.scatter.add.f32 [tilespmem:s22], [sflag:$0x3], $0x80, s28, s21, $0xb8;
	[tilespmem:$0x1D300] =	vst v63  }
0xee: {  	_ = 	snop  }
0xef: {  	[spmem:s3] =	stream.indirect.scatter.add.f32 [tilespmem:s18], [sflag:$0x5], $0x1, s12, s21, $0xb8;
	[tilespmem:$0x1D300] =	vst v63  }
0xf0: {  	_ =	swait.ge [sflag:s1], $0x4000  }
0xf1: {  	[sflag:s1] =	ssyncset.done $0x0  }
0xf2: {  	[sflag:s1] =	ssyncadd.s32 $0xFFFFC000  }
0xf3: {  	[tilespmem:s25], [sflag:$0x2] =	stream.indirect.gather [hbm4b:s5+s21], $0x80, s14, s21, $0xb8;
	[tilespmem:$0x1D300] =	vst v63  }
0xf4: {  	_ =	swait.ge [sflag:s26], $0x4000  }
0xf5: {  	[sflag:s26] =	ssyncset.done $0x0  }
0xf6: {  	[sflag:s26] =	ssyncadd.s32 $0xFFFFC000  }
0xf7: {  	_ =	swait.ge [sflag:s7], $0x80  }
0xf8: {  	[sflag:s7] =	ssyncset.done $0x0  }
0xf9: {  	s28 =	simm.s32 $0x15200;
	[sflag:s7] =	ssyncadd.s32 $0xFFFFFF80  }
0xfa: {  	[spmem:s2] =	stream.indirect.scatter.add.f32 [tilespmem:s25], [sflag:$0x4], $0x80, s28, s21, $0xb8;
	[tilespmem:$0x1D300] =	vst v63  }
0xfb: {  	_ = 	snop  }
0xfc: {  	[spmem:s3] =	stream.indirect.scatter.add.f32 [tilespmem:s18], [sflag:$0x6], $0x1, s14, s21, $0xb8;
	[tilespmem:$0x1D300] =	vst v63  }
0xfd: {  	_ =	swait.ge [sflag:s29], $0x4000  }
0xfe: {  	[sflag:s29] =	ssyncset.done $0x0  }
0xff: {  	[sflag:s29] =	ssyncadd.s32 $0xFFFFC000  }
0x100: {  	_ =	swait.ge [sflag:s1], $0x4000  }
0x101: {  	[sflag:s1] =	ssyncset.done $0x0  }
0x102: {  	p1 =	slt.u32 @!p0 s30, $0x8;
	[sflag:s1] =	ssyncadd.s32 $0xFFFFC000  }
0x103: {  	p1 =	por p0, !p1;
	_ =	swait.ge [sflag:s31], $0x80  }
.Ltmp0:
0x104: {  	[sflag:s31] =	ssyncset.done $0x0;
	(pc) =	sbr.rel @!p1 .LBB2_2-.Ltmp0, $4  }
0x105: {  	[sflag:s31] =	ssyncadd.s32 $0xFFFFFF80  }
0x106: {  	_ =	swait.ge [sflag:s7], $0x80  }
0x107: {  	s30 =	sadd.s32 $0x1, s30;
	[sflag:s7] =	ssyncset.done $0x0  }
0x108: {  	s20 =	sadd.s32 $0x100, s20;
	s24 =	sadd.s32 $0x100, s24;
	[sflag:s7] =	ssyncadd.s32 $0xFFFFFF80  }
0x109: {  	[bflag:$0x0] =	sbarrier.arrive $0xFFFF  }
0x10a: {  	s24 =	rddreg [dreg:$0x8]  }
0x10b: {  	s6 =	rddreg [dreg:$0x9]  }
0x10c: {  	s30 =	rddreg [dreg:$0xe]  }
0x10d: {  	[hbm:s6], [sflag:s24] =	dma.local [spmem:s30], $0x2800  }
0x10e: {  	_ =	swait.ge [sflag:s16], $0x2800  }
0x10f: {  	s0 =	simm.s32 $0x20;
	[sflag:s16] =	ssyncset.done $0x0;
	s15 =	rddreg [dreg:$0xa]  }
0x110: {  	s4 =	simm.s32 $0x10;
	s20 =	rddreg [dreg:$0xf];
	[sflag:s16] =	ssyncadd.s32 $0xFFFFD800  }
0x111: {  	[hbm:s15@s0], [sflag:s24] =	dma.strided [spmem:s20@s4], $0x50, s23, $0x10   }
0x112: {  	_ =	swait.ge [sflag:s16], $0x50  }
0x113: {  	s17 =	rddreg [dreg:$0x10]  }
0x114: {  	s28 =	rddreg [dreg:$0xb];
	s0 =	sadd.s32 $0x1, s17  }
0x115: {  	p1 =	sne.s32 s0, s28  }
.Ltmp1:
0x116: {  	_ = 	snop;
	(pc) =	sbr.rel @p1 .LBB2_1-.Ltmp1, $3  }
0x117: {  	_ =	sdelay $0x1  }
0x118: {  	[sflag:s16] =	ssyncset.done $0x0  }
0x119: {  	s15 =	simm.s32 $0x0;
	[sflag:s16] =	ssyncadd.s32 $0xFFFFFFB0  }
0x11a: {  	_ =	sfence.sel $0x180000  }
0x11b: {  	[bflag:$0x0] =	sbarrier.arrive $0xFFFF  }
0x11c: {  	_ =	strace $0x90000047  }
0x11d: {  	s0 =	stileid.u32;
	[bflag:$0x2] =	sbarrier.arrive $0xFFFF  }
0x11e: {  	p0 =	sne.s32 s0, $0x0;
	s0 =	rddreg [dreg:$0x4]  }
0x11f: {  	s0 =	sadd.s32 @!p0 $0x100000, s0  }
0x120: {  	[sflag:s0] =	ssyncadd.tile.s32 @!p0 $0x1;
	_ =	shalt  }
.Lfunc_end2:
_tile_overlayer_lowered:
.L_overlay_start_2:
0x121: {  	(tag) =	ssettag $0x2  }
0x122: {  	s0 =	rddreg [dreg:$0x0];
	s2 =	stileid.u32  }
0x123: {  	s1 =	rddreg [dreg:$0x1];
	p0 =	sne.s32 s2, $0x0  }
0x124: {  	s3 =	rddreg [dreg:$0x2];
	[bflag:$0x3] =	sbarrier.arrive $0xFFFF;
	s2 =	simm.s32 @!p0 $0x1C07  }
0x125: {  	[timem:s3], [sflag:s2] =	dma.local @!p0 [hbm:s0], s1  }
0x126: {  	s0 =	simm.s32 @!p0 $0x7  }
0x127: {  	_ =	swait.ge @!p0 [sflag:s0], s1  }
0x128: {  	s1 =	ssub.s32 @!p0 $0x0, s1;
	[sflag:s0] =	ssyncset.done @!p0 $0x0  }
0x129: {  	[sflag:s0] =	ssyncadd.s32 @!p0 s1  }
0x12a: {  	[bflag:$0x3] =	sbarrier.arrive $0xFFFF  }
0x12b: {  	_ =	shalt  }

</sc_bundles>
